<compile_context>
chip_gen: v7x
topology: tpu7x:2x2x1
jax: 0.10.2.dev20260603
libtpu: 0.0.44.dev20260713+nightly
codegen_flags: <defaults>
</compile_context>

<pallas_src>
import functools

import jax
import jax.numpy as jnp
from jax import lax
from jax.experimental import pallas as pl
from jax.experimental.pallas import tpu as pltpu
from jax.experimental.pallas import tpu_sc as plsc

NC, NS, LANES = 2, 16, 16
NW = NC * NS


def _silu(v):
    return v * jax.nn.sigmoid(v)



def _pre_tables_body(x_ref, w1a_ref, w1b_ref, b1_ref, xa_ref, xb_ref):
    x = x_ref[...]
    xa_ref[...] = (
        jnp.dot(x, w1a_ref[...], preferred_element_type=jnp.float32) + b1_ref[...]
    )
    xb_ref[...] = jnp.dot(x, w1b_ref[...], preferred_element_type=jnp.float32)


def _pre_tables(x, w1a, w1b, b1, bn=2000):
    n, d = x.shape
    h = w1a.shape[1]
    return pl.pallas_call(
        _pre_tables_body,
        grid=(n // bn,),
        in_specs=[
            pl.BlockSpec((bn, d), lambda i: (i, 0)),
            pl.BlockSpec((d, h), lambda i: (0, 0)),
            pl.BlockSpec((d, h), lambda i: (0, 0)),
            pl.BlockSpec((1, h), lambda i: (0, 0)),
        ],
        out_specs=[
            pl.BlockSpec((bn, h), lambda i: (i, 0)),
            pl.BlockSpec((bn, h), lambda i: (i, 0)),
        ],
        out_shape=[
            jax.ShapeDtypeStruct((n, h), jnp.float32),
            jax.ShapeDtypeStruct((n, h), jnp.float32),
        ],
    )(x, w1a, w1b, b1.reshape(1, h))



def _gather_add(xa, xb, row, col, e_total, win=128):
    n, h = xa.shape
    ew = e_total // NW
    nwin = ew // win
    npair = nwin // 2
    mesh = plsc.VectorSubcoreMesh(core_axis_name="c", subcore_axis_name="s")

    @functools.partial(
        pl.kernel,
        out_type=jax.ShapeDtypeStruct((e_total, h), jnp.float32),
        mesh=mesh,
        scratch_types=[
            pltpu.VMEM((win,), jnp.int32),
            pltpu.VMEM((win,), jnp.int32),
            pltpu.VMEM((win,), jnp.int32),
            pltpu.VMEM((win,), jnp.int32),
            pltpu.VMEM((win, h), jnp.float32),
            pltpu.VMEM((win, h), jnp.float32),
            pltpu.VMEM((win, h), jnp.float32),
            pltpu.VMEM((win, h), jnp.float32),
            pltpu.SemaphoreType.DMA,
            pltpu.SemaphoreType.DMA,
            pltpu.SemaphoreType.DMA,
            pltpu.SemaphoreType.DMA,
            pltpu.SemaphoreType.DMA,
            pltpu.SemaphoreType.DMA,
        ],
    )
    def k(xa_hbm, xb_hbm, row_hbm, col_hbm, pre_hbm,
          ra0, ca0, ra1, ca1, ga0, gb0, ga1, gb1,
          si0, si1, sg0, sg1, sw0, sw1):
        wid = lax.axis_index("s") * NC + lax.axis_index("c")
        ebase = wid * ew

        def start_idx(w, ra, ca, si):
            base = pl.multiple_of(ebase + w * win, 8)
            pltpu.async_copy(row_hbm.at[pl.ds(base, win)], ra, si)
            pltpu.async_copy(col_hbm.at[pl.ds(base, win)], ca, si)

        def wait_idx(ra, ca, si):
            pltpu.make_async_copy(row_hbm.at[pl.ds(0, win)], ra, si).wait()
            pltpu.make_async_copy(col_hbm.at[pl.ds(0, win)], ca, si).wait()

        def start_gather(ra, ca, ga, gb, sg):
            pltpu.async_copy(xa_hbm.at[ra], ga, sg)
            pltpu.async_copy(xb_hbm.at[ca], gb, sg)

        def wait_gather(ra, ca, ga, gb, sg):
            pltpu.make_async_copy(xa_hbm.at[ra], ga, sg).wait()
            pltpu.make_async_copy(xb_hbm.at[ca], gb, sg).wait()

        def start_wb(w, ga, sw):
            base = pl.multiple_of(ebase + w * win, 8)
            pltpu.async_copy(ga, pre_hbm.at[pl.ds(base, win)], sw)

        def wait_wb(ga, sw):
            pltpu.make_async_copy(ga, pre_hbm.at[pl.ds(0, win)], sw).wait()

        def add_into(ga, gb):
            def add_row(r, c2):
                for j in range(h // LANES):
                    sl = pl.ds(j * LANES, LANES)
                    ga[r, sl] = ga[r, sl] + gb[r, sl]
                return c2

            lax.fori_loop(0, win, add_row, 0)

        start_idx(0, ra0, ca0, si0)
        start_idx(1, ra1, ca1, si1)
        wait_idx(ra0, ca0, si0)
        start_gather(ra0, ca0, ga0, gb0, sg0)

        def body(t, carry):
            w = 2 * t
            wait_gather(ra0, ca0, ga0, gb0, sg0)

            @pl.when(w + 2 < nwin)
            def _():
                start_idx(w + 2, ra0, ca0, si0)

            @pl.when(t > 0)
            def _():
                wait_wb(ga1, sw1)

            wait_idx(ra1, ca1, si1)
            start_gather(ra1, ca1, ga1, gb1, sg1)
            add_into(ga0, gb0)
            start_wb(w, ga0, sw0)

            wait_gather(ra1, ca1, ga1, gb1, sg1)

            @pl.when(w + 3 < nwin)
            def _():
                start_idx(w + 3, ra1, ca1, si1)

            @pl.when(w + 2 < nwin)
            def _():
                wait_wb(ga0, sw0)
                wait_idx(ra0, ca0, si0)
                start_gather(ra0, ca0, ga0, gb0, sg0)

            add_into(ga1, gb1)
            start_wb(w + 1, ga1, sw1)
            return carry

        lax.fori_loop(0, npair, body, 0)
        wait_wb(ga0, sw0)
        wait_wb(ga1, sw1)

    return k(xa, xb, row, col)



def _edge_mlp_body(nsub, pre_ref, attr_ref, w1c_ref, w2_ref, b2_ref, out_ref):
    w1c = w1c_ref[...]
    w2 = w2_ref[...]
    b2 = b2_ref[...]
    for t in range(nsub):
        a = attr_ref[0, pl.ds(t, 1), :]
        c = lax.dot_general(
            a, w1c, (((0,), (0,)), ((), ())), preferred_element_type=jnp.float32
        )
        p = pre_ref[pl.ds(t * 128, 128), :]
        h1 = _silu(p + c)
        m = _silu(jnp.dot(h1, w2, preferred_element_type=jnp.float32) + b2)
        out_ref[pl.ds(t * 128, 128), :] = m


def _edge_mlp(pre, attr3, w1c, w2, b2, bt=1280):
    e, h = pre.shape
    nsub = bt // 128
    return pl.pallas_call(
        functools.partial(_edge_mlp_body, nsub),
        grid=(e // bt,),
        in_specs=[
            pl.BlockSpec((bt, h), lambda i: (i, 0)),
            pl.BlockSpec((1, nsub, 128), lambda i: (i, 0, 0)),
            pl.BlockSpec((1, h), lambda i: (0, 0)),
            pl.BlockSpec((h, h), lambda i: (0, 0)),
            pl.BlockSpec((1, h), lambda i: (0, 0)),
        ],
        out_specs=pl.BlockSpec((bt, h), lambda i: (i, 0)),
        out_shape=jax.ShapeDtypeStruct((e, h), jnp.float32),
    )(pre, attr3, w1c, w2, b2.reshape(1, h))



def _scatter_partials(m0, r0, m1, r1, n_pad, win=128, zr=64):
    e_chunk, h = m0.shape
    ept = e_chunk // NW
    nwin = ept // win
    npair = nwin // 2
    slab = n_pad // NS
    mesh = plsc.VectorSubcoreMesh(core_axis_name="c", subcore_axis_name="s")

    @functools.partial(
        pl.kernel,
        out_type=jax.ShapeDtypeStruct((NC, n_pad, h), jnp.float32),
        mesh=mesh,
        scratch_types=[
            pltpu.VMEM((win,), jnp.int32),
            pltpu.VMEM((win,), jnp.int32),
            pltpu.VMEM((win, h), jnp.float32),
            pltpu.VMEM((win, h), jnp.float32),
            pltpu.VMEM((zr, h), jnp.float32),
            pltpu.VMEM_SHARED((n_pad, h), jnp.float32),
            pltpu.SemaphoreType.DMA,
            pltpu.SemaphoreType.DMA,
            pltpu.SemaphoreType.DMA,
            pltpu.SemaphoreType.DMA,
        ],
    )
    def k(m0_hbm, r0_hbm, m1_hbm, r1_hbm, out_hbm,
          iv0, iv1, mv0, mv1, zv, acc_sh, sm0, sm1, ss0, ss1):
        c = lax.axis_index("c")
        s = lax.axis_index("s")
        wid = s * NC + c
        ebase = wid * ept

        def zrow(r, carry):
            for j in range(h // LANES):
                zv[r, pl.ds(j * LANES, LANES)] = jnp.zeros((LANES,), jnp.float32)
            return carry

        lax.fori_loop(0, zr, zrow, 0)
        for t in range(slab // zr):
            pltpu.sync_copy(zv, acc_sh.at[pl.ds(pl.multiple_of(s * slab + t * zr, 8), zr)])
        plsc.subcore_barrier()

        for m_hbm, row_hbm in ((m0_hbm, r0_hbm), (m1_hbm, r1_hbm)):

            def start_mload(w, mv, iv, sm):
                base = pl.multiple_of(ebase + w * win, 8)
                pltpu.async_copy(m_hbm.at[pl.ds(base, win)], mv, sm)
                pltpu.async_copy(row_hbm.at[pl.ds(base, win)], iv, sm)

            def wait_mload(mv, iv, sm):
                pltpu.make_async_copy(m_hbm.at[pl.ds(0, win)], mv, sm).wait()
                pltpu.make_async_copy(row_hbm.at[pl.ds(0, win)], iv, sm).wait()

            def start_scat(mv, iv, ss):
                pltpu.async_copy(mv, acc_sh.at[iv], ss, add=True)

            def wait_scat(mv, iv, ss):
                pltpu.make_async_copy(mv, acc_sh.at[iv], ss).wait()

            start_mload(0, mv0, iv0, sm0)
            start_mload(1, mv1, iv1, sm1)

            def body(t, carry):
                w = 2 * t
                wait_mload(mv0, iv0, sm0)
                start_scat(mv0, iv0, ss0)
                wait_mload(mv1, iv1, sm1)
                start_scat(mv1, iv1, ss1)

                @pl.when(w + 2 < nwin)
                def _():
                    wait_scat(mv0, iv0, ss0)
                    start_mload(w + 2, mv0, iv0, sm0)

                @pl.when(w + 3 < nwin)
                def _():
                    wait_scat(mv1, iv1, ss1)
                    start_mload(w + 3, mv1, iv1, sm1)

                return carry

            lax.fori_loop(0, npair, body, 0)
            wait_scat(mv0, iv0, ss0)
            wait_scat(mv1, iv1, ss1)

        plsc.subcore_barrier()
        sbase = pl.multiple_of(s * slab, 8)
        pltpu.sync_copy(
            acc_sh.at[pl.ds(sbase, slab)], out_hbm.at[c, pl.ds(sbase, slab)]
        )

    return k(m0, r0, m1, r1)



def _node_mlp_body(x_ref, p_ref, w3a_ref, w3b_ref, b3_ref, w4_ref, b4_ref, out_ref):
    agg = p_ref[0] + p_ref[1]
    xv = x_ref[...]
    hv = _silu(
        jnp.dot(xv, w3a_ref[...], preferred_element_type=jnp.float32)
        + jnp.dot(agg, w3b_ref[...], preferred_element_type=jnp.float32)
        + b3_ref[...]
    )
    out_ref[...] = (
        xv + jnp.dot(hv, w4_ref[...], preferred_element_type=jnp.float32) + b4_ref[...]
    )


def _node_mlp(x, partials, w3a, w3b, b3, w4, b4, bn=2000):
    n, d = x.shape
    h = w3a.shape[1]
    return pl.pallas_call(
        _node_mlp_body,
        grid=(n // bn,),
        in_specs=[
            pl.BlockSpec((bn, d), lambda i: (i, 0)),
            pl.BlockSpec((NC, bn, h), lambda i: (0, i, 0)),
            pl.BlockSpec((d, h), lambda i: (0, 0)),
            pl.BlockSpec((h, h), lambda i: (0, 0)),
            pl.BlockSpec((1, h), lambda i: (0, 0)),
            pl.BlockSpec((h, d), lambda i: (0, 0)),
            pl.BlockSpec((1, d), lambda i: (0, 0)),
        ],
        out_specs=pl.BlockSpec((bn, d), lambda i: (i, 0)),
        out_shape=jax.ShapeDtypeStruct((n, d), jnp.float32),
    )(x, partials, w3a, w3b, b3.reshape(1, h), w4, b4.reshape(1, d))



def kernel(x, edge_index, edge_attr, W1, b1, W2, b2, W3, b3, W4, b4):
    n, d = x.shape
    e = edge_index.shape[1]
    h = W2.shape[0]
    row = edge_index[0]
    col = edge_index[1]
    w1a, w1b, w1c = W1[:d], W1[d : 2 * d], W1[2 * d :].reshape(1, h)

    n_pad = 10240
    e_pad = 327680
    chunk = e_pad // 2
    npe = e_pad - e
    pad_i = jnp.arange(npe, dtype=jnp.int32)
    row_g = jnp.concatenate([row, (pad_i * 13) % n])
    col_g = jnp.concatenate([col, (pad_i * 29) % n])
    row_s = jnp.concatenate([row, n + pad_i % (n_pad - n)])
    attr_p = jnp.concatenate(
        [edge_attr.reshape(e), jnp.zeros((npe,), jnp.float32)]
    )

    xa, xb = _pre_tables(x, w1a, w1b, b1)
    pre0 = _gather_add(xa, xb, row_g[:chunk], col_g[:chunk], chunk)
    m0 = _edge_mlp(pre0, attr_p[:chunk].reshape(chunk // 1280, 10, 128), w1c, W2, b2)
    pre1 = _gather_add(xa, xb, row_g[chunk:], col_g[chunk:], chunk)
    m1 = _edge_mlp(pre1, attr_p[chunk:].reshape(chunk // 1280, 10, 128), w1c, W2, b2)
    partials = _scatter_partials(m0, row_s[:chunk], m1, row_s[chunk:], n_pad)
    out = _node_mlp(x, partials, W3[:d], W3[d:], b3, W4, b4)
    return out

# --- scband reference (transcript-rebuilt; emitter-appended) ---
"""Pipeline reference for scband-gcl-28862180229347 (READ-ONLY COPY).

The authoritative reference and input builder live on the scoring server;
editing this copy changes nothing except your own understanding.
"""

import jax, jax.numpy as jnp
import numpy as np

N = 10000
E = 320000
D = 128
H = 128
NORMALIZATION_FACTOR = 1.0


def setup_inputs(seed: int = 0) -> dict:
    key = jax.random.key(seed)
    ks = jax.random.split(key, 12)
    x = jax.random.normal(ks[0], (N, D), dtype=jnp.float32)
    edge_index = jax.random.randint(ks[1], (2, E), 0, N, dtype=jnp.int32)
    edge_attr = jax.random.uniform(ks[2], (E, 1), dtype=jnp.float32)
    # edge_mlp: Linear(2*D+1 -> H), SiLU, Linear(H -> H), SiLU
    W1 = jax.random.normal(ks[3], (2 * D + 1, H), dtype=jnp.float32) * 0.05
    b1 = jnp.zeros((H,), dtype=jnp.float32)
    W2 = jax.random.normal(ks[4], (H, H), dtype=jnp.float32) * 0.05
    b2 = jnp.zeros((H,), dtype=jnp.float32)
    # node_mlp: Linear(D + H -> H), SiLU, Linear(H -> output_nf=D)
    W3 = jax.random.normal(ks[5], (D + H, H), dtype=jnp.float32) * 0.05
    b3 = jnp.zeros((H,), dtype=jnp.float32)
    W4 = jax.random.normal(ks[6], (H, D), dtype=jnp.float32) * 0.05
    b4 = jnp.zeros((D,), dtype=jnp.float32)
    return {"x": x, "edge_index": edge_index, "edge_attr": edge_attr,
            "W1": W1, "b1": b1, "W2": W2, "b2": b2,
            "W3": W3, "b3": b3, "W4": W4, "b4": b4}


def reference(x, edge_index, edge_attr, W1, b1, W2, b2, W3, b3, W4, b4):
    row = edge_index[0]
    col = edge_index[1]
    # edge_model: cat([node1, node2, attributes]) -> edge_mlp (est=False so output = m_ij)
    node1 = jnp.take(x, row, axis=0)
    node2 = jnp.take(x, col, axis=0)
    e_in = jnp.concatenate([node1, node2, edge_attr], axis=1)
    m = jax.nn.silu(e_in @ W1 + b1)
    m_ij = jax.nn.silu(m @ W2 + b2)
    # node_model: unsorted_segment_sum over row (scatter-add), agg_method='sum'
    agg = jax.ops.segment_sum(m_ij, row, num_segments=N)
    agg = agg / NORMALIZATION_FACTOR
    n_in = jnp.concatenate([x, agg], axis=1)
    h = jax.nn.silu(n_in @ W3 + b3)
    out = x + (h @ W4 + b4)
    return out

if __name__ == "__main__":
    import jax
    _d = setup_inputs()
    print(jax.jit(kernel)(*tuple(_d.values())))

</pallas_src>

<mosaic_0001>
#map = affine_map<(d0, d1) -> (0, 0)>
#map1 = affine_map<(d0, d1) -> (0)>
module attributes {stable_mosaic.version = 14 : i64} {
  func.func @k(%arg0: i32, %arg1: i32, %arg2: memref<10000x128xf32, #tpu.memory_space<hbm>>, %arg3: memref<10000x128xf32, #tpu.memory_space<hbm>>, %arg4: memref<163840xi32, #tpu.memory_space<hbm>>, %arg5: memref<163840xi32, #tpu.memory_space<hbm>>, %arg6: memref<163840x128xf32, #tpu.memory_space<hbm>>, %arg7: memref<128xi32, #tpu.memory_space<vmem>>, %arg8: memref<128xi32, #tpu.memory_space<vmem>>, %arg9: memref<128xi32, #tpu.memory_space<vmem>>, %arg10: memref<128xi32, #tpu.memory_space<vmem>>, %arg11: memref<128x128xf32, #tpu.memory_space<vmem>>, %arg12: memref<128x128xf32, #tpu.memory_space<vmem>>, %arg13: memref<128x128xf32, #tpu.memory_space<vmem>>, %arg14: memref<128x128xf32, #tpu.memory_space<vmem>>, %arg15: memref<!tpu.dma_semaphore, #tpu.memory_space<semaphore_mem>>, %arg16: memref<!tpu.dma_semaphore, #tpu.memory_space<semaphore_mem>>, %arg17: memref<!tpu.dma_semaphore, #tpu.memory_space<semaphore_mem>>, %arg18: memref<!tpu.dma_semaphore, #tpu.memory_space<semaphore_mem>>, %arg19: memref<!tpu.dma_semaphore, #tpu.memory_space<semaphore_mem>>, %arg20: memref<!tpu.dma_semaphore, #tpu.memory_space<semaphore_mem>>) attributes {dimension_semantics = [#tpu.dimension_semantics<core_parallel>, #tpu.dimension_semantics<subcore_parallel>], iteration_bounds = array<i64: 2, 16>, scalar_prefetch = 0 : i64, scratch_operands = 14 : i64, tpu.core_type = #tpu.core_type<sc_vector_subcore>, window_params = [{transform_indices = #map}, {transform_indices = #map}, {transform_indices = #map1}, {transform_indices = #map1}, {transform_indices = #map}]} {
    %mul3A = arith.constant 2 : i32
    %mul3A_0 = arith.muli %arg1, %mul3A : i32
    %add3A = arith.addi %mul3A_0, %arg0 : i32
    %mul3A_1 = arith.constant 5120 : i32
    %mul3A_2 = arith.muli %add3A, %mul3A_1 : i32
    %add3A_3 = arith.constant 0 : i32
    %add3A_4 = arith.addi %mul3A_2, %add3A_3 : i32
    %multiple_of3A = tpu.assume_multiple %add3A_4, 8 : i32
    %dma_start3A = tpu.memref_slice %arg4[%multiple_of3A] : memref<163840xi32, #tpu.memory_space<hbm>> -> memref<128xi32, #tpu.memory_space<hbm>>
    %dma_start3A_5 = tpu.memref_slice %arg4[%multiple_of3A] : memref<163840xi32, #tpu.memory_space<hbm>> -> memref<128xi32, #tpu.memory_space<hbm>>
    tpu.enqueue_dma source(%dma_start3A_5 : memref<128xi32, #tpu.memory_space<hbm>>) target(%arg7 : memref<128xi32, #tpu.memory_space<vmem>>) target_semaphore(%arg15 : memref<!tpu.dma_semaphore, #tpu.memory_space<semaphore_mem>>)
    %dma_start3A_6 = tpu.memref_slice %arg5[%multiple_of3A] : memref<163840xi32, #tpu.memory_space<hbm>> -> memref<128xi32, #tpu.memory_space<hbm>>
    %dma_start3A_7 = tpu.memref_slice %arg5[%multiple_of3A] : memref<163840xi32, #tpu.memory_space<hbm>> -> memref<128xi32, #tpu.memory_space<hbm>>
    tpu.enqueue_dma source(%dma_start3A_7 : memref<128xi32, #tpu.memory_space<hbm>>) target(%arg8 : memref<128xi32, #tpu.memory_space<vmem>>) target_semaphore(%arg15 : memref<!tpu.dma_semaphore, #tpu.memory_space<semaphore_mem>>)
    %add3A_8 = arith.constant 128 : i32
    %add3A_9 = arith.addi %mul3A_2, %add3A_8 : i32
    %multiple_of3A_10 = tpu.assume_multiple %add3A_9, 8 : i32
    %dma_start3A_11 = tpu.memref_slice %arg4[%multiple_of3A_10] : memref<163840xi32, #tpu.memory_space<hbm>> -> memref<128xi32, #tpu.memory_space<hbm>>
    %dma_start3A_12 = tpu.memref_slice %arg4[%multiple_of3A_10] : memref<163840xi32, #tpu.memory_space<hbm>> -> memref<128xi32, #tpu.memory_space<hbm>>
    tpu.enqueue_dma source(%dma_start3A_12 : memref<128xi32, #tpu.memory_space<hbm>>) target(%arg9 : memref<128xi32, #tpu.memory_space<vmem>>) target_semaphore(%arg16 : memref<!tpu.dma_semaphore, #tpu.memory_space<semaphore_mem>>)
    %dma_start3A_13 = tpu.memref_slice %arg5[%multiple_of3A_10] : memref<163840xi32, #tpu.memory_space<hbm>> -> memref<128xi32, #tpu.memory_space<hbm>>
    %dma_start3A_14 = tpu.memref_slice %arg5[%multiple_of3A_10] : memref<163840xi32, #tpu.memory_space<hbm>> -> memref<128xi32, #tpu.memory_space<hbm>>
    tpu.enqueue_dma source(%dma_start3A_14 : memref<128xi32, #tpu.memory_space<hbm>>) target(%arg10 : memref<128xi32, #tpu.memory_space<vmem>>) target_semaphore(%arg16 : memref<!tpu.dma_semaphore, #tpu.memory_space<semaphore_mem>>)
    %dma_wait3A = arith.constant 0 : i32
    %dma_wait3A_15 = tpu.memref_slice %arg4[%dma_wait3A] : memref<163840xi32, #tpu.memory_space<hbm>> -> memref<128xi32, #tpu.memory_space<hbm>>
    %dma_wait3A_16 = arith.constant 0 : i32
    %dma_wait3A_17 = tpu.memref_slice %arg4[%dma_wait3A_16] : memref<163840xi32, #tpu.memory_space<hbm>> -> memref<128xi32, #tpu.memory_space<hbm>>
    tpu.wait_dma2 semaphore(%arg15 : memref<!tpu.dma_semaphore, #tpu.memory_space<semaphore_mem>>) src(%dma_wait3A_17 : memref<128xi32, #tpu.memory_space<hbm>>) dst(%arg7 : memref<128xi32, #tpu.memory_space<vmem>>)
    %dma_wait3A_18 = arith.constant 0 : i32
    %dma_wait3A_19 = tpu.memref_slice %arg5[%dma_wait3A_18] : memref<163840xi32, #tpu.memory_space<hbm>> -> memref<128xi32, #tpu.memory_space<hbm>>
    %dma_wait3A_20 = arith.constant 0 : i32
    %dma_wait3A_21 = tpu.memref_slice %arg5[%dma_wait3A_20] : memref<163840xi32, #tpu.memory_space<hbm>> -> memref<128xi32, #tpu.memory_space<hbm>>
    tpu.wait_dma2 semaphore(%arg15 : memref<!tpu.dma_semaphore, #tpu.memory_space<semaphore_mem>>) src(%dma_wait3A_21 : memref<128xi32, #tpu.memory_space<hbm>>) dst(%arg8 : memref<128xi32, #tpu.memory_space<vmem>>)
    %dma_start3A_22 = arith.constant 0 : i32
    %dma_start3A_23 = arith.constant 0 : i32
    %dma_start3A_24 = tpu.memref_slice %arg2[%dma_start3A_22, %dma_start3A_23] : memref<10000x128xf32, #tpu.memory_space<hbm>> -> memref<10000x128xf32, #tpu.memory_space<hbm>>
    tpu.enqueue_indirect_dma source(%dma_start3A_24 : memref<10000x128xf32, #tpu.memory_space<hbm>>) target(%arg11 : memref<128x128xf32, #tpu.memory_space<vmem>>) offsets(%arg7 : memref<128xi32, #tpu.memory_space<vmem>>) semaphore(%arg17 : memref<!tpu.dma_semaphore, #tpu.memory_space<semaphore_mem>>)
    %dma_start3A_25 = arith.constant 0 : i32
    %dma_start3A_26 = arith.constant 0 : i32
    %dma_start3A_27 = tpu.memref_slice %arg3[%dma_start3A_25, %dma_start3A_26] : memref<10000x128xf32, #tpu.memory_space<hbm>> -> memref<10000x128xf32, #tpu.memory_space<hbm>>
    tpu.enqueue_indirect_dma source(%dma_start3A_27 : memref<10000x128xf32, #tpu.memory_space<hbm>>) target(%arg12 : memref<128x128xf32, #tpu.memory_space<vmem>>) offsets(%arg8 : memref<128xi32, #tpu.memory_space<vmem>>) semaphore(%arg17 : memref<!tpu.dma_semaphore, #tpu.memory_space<semaphore_mem>>)
    %scan3A = arith.constant 0 : i32
    %scan3A_28 = arith.constant 0 : i32
    %scan3A_29 = arith.constant 20 : i32
    %scan3A_30 = arith.addi %scan3A_28, %scan3A_29 : i32
    %scan3A_31 = arith.constant 1 : i32
    scf.for %scan3A_45 = %scan3A_28 to %scan3A_30 step %scan3A_31  : i32 {
      %mul3A_46 = arith.constant 2 : i32
      %mul3A_47 = arith.muli %mul3A_46, %scan3A_45 : i32
      %dma_wait3A_48 = arith.constant 0 : i32
      %dma_wait3A_49 = arith.constant 0 : i32
      %dma_wait3A_50 = tpu.memref_slice %arg2[%dma_wait3A_48, %dma_wait3A_49] : memref<10000x128xf32, #tpu.memory_space<hbm>> -> memref<10000x128xf32, #tpu.memory_space<hbm>>
      tpu.wait_indirect_dma semaphore(%arg17 : memref<!tpu.dma_semaphore, #tpu.memory_space<semaphore_mem>>) src(%dma_wait3A_50 : memref<10000x128xf32, #tpu.memory_space<hbm>>) dst(%arg11 : memref<128x128xf32, #tpu.memory_space<vmem>>)
      %dma_wait3A_51 = arith.constant 0 : i32
      %dma_wait3A_52 = arith.constant 0 : i32
      %dma_wait3A_53 = tpu.memref_slice %arg3[%dma_wait3A_51, %dma_wait3A_52] : memref<10000x128xf32, #tpu.memory_space<hbm>> -> memref<10000x128xf32, #tpu.memory_space<hbm>>
      tpu.wait_indirect_dma semaphore(%arg17 : memref<!tpu.dma_semaphore, #tpu.memory_space<semaphore_mem>>) src(%dma_wait3A_53 : memref<10000x128xf32, #tpu.memory_space<hbm>>) dst(%arg12 : memref<128x128xf32, #tpu.memory_space<vmem>>)
      %add3A_54 = arith.constant 2 : i32
      %add3A_55 = arith.addi %mul3A_47, %add3A_54 : i32
      %lt3A = arith.constant 40 : i32
      %lt3A_56 = arith.cmpi slt, %add3A_55, %lt3A : i32
      %convert_element_type3A = arith.extui %lt3A_56 : i1 to i32
      %cond3A = arith.constant 0 : i32
      %cond3A_57 = arith.cmpi ne, %convert_element_type3A, %cond3A : i32
      scf.if %cond3A_57 {
        %add3A_126 = arith.constant 2 : i32
        %add3A_127 = arith.addi %mul3A_47, %add3A_126 : i32
        %mul3A_128 = arith.constant 128 : i32
        %mul3A_129 = arith.muli %add3A_127, %mul3A_128 : i32
        %add3A_130 = arith.addi %mul3A_2, %mul3A_129 : i32
        %multiple_of3A_131 = tpu.assume_multiple %add3A_130, 8 : i32
        %dma_start3A_132 = tpu.memref_slice %arg4[%multiple_of3A_131] : memref<163840xi32, #tpu.memory_space<hbm>> -> memref<128xi32, #tpu.memory_space<hbm>>
        %dma_start3A_133 = tpu.memref_slice %arg4[%multiple_of3A_131] : memref<163840xi32, #tpu.memory_space<hbm>> -> memref<128xi32, #tpu.memory_space<hbm>>
        tpu.enqueue_dma source(%dma_start3A_133 : memref<128xi32, #tpu.memory_space<hbm>>) target(%arg7 : memref<128xi32, #tpu.memory_space<vmem>>) target_semaphore(%arg15 : memref<!tpu.dma_semaphore, #tpu.memory_space<semaphore_mem>>)
        %dma_start3A_134 = tpu.memref_slice %arg5[%multiple_of3A_131] : memref<163840xi32, #tpu.memory_space<hbm>> -> memref<128xi32, #tpu.memory_space<hbm>>
        %dma_start3A_135 = tpu.memref_slice %arg5[%multiple_of3A_131] : memref<163840xi32, #tpu.memory_space<hbm>> -> memref<128xi32, #tpu.memory_space<hbm>>
        tpu.enqueue_dma source(%dma_start3A_135 : memref<128xi32, #tpu.memory_space<hbm>>) target(%arg8 : memref<128xi32, #tpu.memory_space<vmem>>) target_semaphore(%arg15 : memref<!tpu.dma_semaphore, #tpu.memory_space<semaphore_mem>>)
      } else {
      }
      %gt3A = arith.constant 0 : i32
      %gt3A_58 = arith.cmpi sgt, %scan3A_45, %gt3A : i32
      %convert_element_type3A_59 = arith.extui %gt3A_58 : i1 to i32
      %cond3A_60 = arith.constant 0 : i32
      %cond3A_61 = arith.cmpi ne, %convert_element_type3A_59, %cond3A_60 : i32
      scf.if %cond3A_61 {
        %dma_wait3A_126 = arith.constant 0 : i32
        %dma_wait3A_127 = arith.constant 0 : i32
        %dma_wait3A_128 = tpu.memref_slice %arg6[%dma_wait3A_126, %dma_wait3A_127] : memref<163840x128xf32, #tpu.memory_space<hbm>> -> memref<128x128xf32, #tpu.memory_space<hbm>>
        %dma_wait3A_129 = arith.constant 0 : i32
        %dma_wait3A_130 = arith.constant 0 : i32
        %dma_wait3A_131 = tpu.memref_slice %arg6[%dma_wait3A_129, %dma_wait3A_130] : memref<163840x128xf32, #tpu.memory_space<hbm>> -> memref<128x128xf32, #tpu.memory_space<hbm>>
        tpu.wait_dma2 semaphore(%arg20 : memref<!tpu.dma_semaphore, #tpu.memory_space<semaphore_mem>>) src(%arg13 : memref<128x128xf32, #tpu.memory_space<vmem>>) dst(%dma_wait3A_131 : memref<128x128xf32, #tpu.memory_space<hbm>>)
      } else {
      }
      %dma_wait3A_62 = arith.constant 0 : i32
      %dma_wait3A_63 = tpu.memref_slice %arg4[%dma_wait3A_62] : memref<163840xi32, #tpu.memory_space<hbm>> -> memref<128xi32, #tpu.memory_space<hbm>>
      %dma_wait3A_64 = arith.constant 0 : i32
      %dma_wait3A_65 = tpu.memref_slice %arg4[%dma_wait3A_64] : memref<163840xi32, #tpu.memory_space<hbm>> -> memref<128xi32, #tpu.memory_space<hbm>>
      tpu.wait_dma2 semaphore(%arg16 : memref<!tpu.dma_semaphore, #tpu.memory_space<semaphore_mem>>) src(%dma_wait3A_65 : memref<128xi32, #tpu.memory_space<hbm>>) dst(%arg9 : memref<128xi32, #tpu.memory_space<vmem>>)
      %dma_wait3A_66 = arith.constant 0 : i32
      %dma_wait3A_67 = tpu.memref_slice %arg5[%dma_wait3A_66] : memref<163840xi32, #tpu.memory_space<hbm>> -> memref<128xi32, #tpu.memory_space<hbm>>
      %dma_wait3A_68 = arith.constant 0 : i32
      %dma_wait3A_69 = tpu.memref_slice %arg5[%dma_wait3A_68] : memref<163840xi32, #tpu.memory_space<hbm>> -> memref<128xi32, #tpu.memory_space<hbm>>
      tpu.wait_dma2 semaphore(%arg16 : memref<!tpu.dma_semaphore, #tpu.memory_space<semaphore_mem>>) src(%dma_wait3A_69 : memref<128xi32, #tpu.memory_space<hbm>>) dst(%arg10 : memref<128xi32, #tpu.memory_space<vmem>>)
      %dma_start3A_70 = arith.constant 0 : i32
      %dma_start3A_71 = arith.constant 0 : i32
      %dma_start3A_72 = tpu.memref_slice %arg2[%dma_start3A_70, %dma_start3A_71] : memref<10000x128xf32, #tpu.memory_space<hbm>> -> memref<10000x128xf32, #tpu.memory_space<hbm>>
      tpu.enqueue_indirect_dma source(%dma_start3A_72 : memref<10000x128xf32, #tpu.memory_space<hbm>>) target(%arg13 : memref<128x128xf32, #tpu.memory_space<vmem>>) offsets(%arg9 : memref<128xi32, #tpu.memory_space<vmem>>) semaphore(%arg18 : memref<!tpu.dma_semaphore, #tpu.memory_space<semaphore_mem>>)
      %dma_start3A_73 = arith.constant 0 : i32
      %dma_start3A_74 = arith.constant 0 : i32
      %dma_start3A_75 = tpu.memref_slice %arg3[%dma_start3A_73, %dma_start3A_74] : memref<10000x128xf32, #tpu.memory_space<hbm>> -> memref<10000x128xf32, #tpu.memory_space<hbm>>
      tpu.enqueue_indirect_dma source(%dma_start3A_75 : memref<10000x128xf32, #tpu.memory_space<hbm>>) target(%arg14 : memref<128x128xf32, #tpu.memory_space<vmem>>) offsets(%arg10 : memref<128xi32, #tpu.memory_space<vmem>>) semaphore(%arg18 : memref<!tpu.dma_semaphore, #tpu.memory_space<semaphore_mem>>)
      %scan3A_76 = arith.constant 0 : i32
      %scan3A_77 = arith.constant 0 : i32
      %scan3A_78 = arith.constant 128 : i32
      %scan3A_79 = arith.addi %scan3A_77, %scan3A_78 : i32
      %scan3A_80 = arith.constant 1 : i32
      scf.for %scan3A_126 = %scan3A_77 to %scan3A_79 step %scan3A_80  : i32 {
        %get3A = arith.index_cast %scan3A_126 : i32 to index
        %get3A_127 = arith.constant 0 : index
        %get3A_128 = tpu.vector_load %arg11[%get3A, %get3A_127] {strides = array<i32>} : memref<128x128xf32, #tpu.memory_space<vmem>>, vector<1x16xf32>,
        %get3A_129 = vector.shape_cast %get3A_128 : vector<1x16xf32> to vector<16xf32>
        %get3A_130 = arith.index_cast %scan3A_126 : i32 to index
        %get3A_131 = arith.constant 0 : index
        %get3A_132 = tpu.vector_load %arg12[%get3A_130, %get3A_131] {strides = array<i32>} : memref<128x128xf32, #tpu.memory_space<vmem>>, vector<1x16xf32>,
        %get3A_133 = vector.shape_cast %get3A_132 : vector<1x16xf32> to vector<16xf32>
        %add3A_134 = arith.addf %get3A_129, %get3A_133 : vector<16xf32>
        %swap3A = arith.index_cast %scan3A_126 : i32 to index
        %swap3A_135 = arith.constant 0 : index
        %swap3A_136 = tpu.vector_load %arg11[%swap3A, %swap3A_135] {strides = array<i32>} : memref<128x128xf32, #tpu.memory_space<vmem>>, vector<1x16xf32>,
        %swap3A_137 = vector.shape_cast %swap3A_136 : vector<1x16xf32> to vector<16xf32>
        %swap3A_138 = vector.shape_cast %add3A_134 : vector<16xf32> to vector<1x16xf32>
        tpu.vector_store %arg11[%swap3A, %swap3A_135], %swap3A_138 {strides = array<i32>} : memref<128x128xf32, #tpu.memory_space<vmem>>, vector<1x16xf32>,
        %get3A_139 = arith.index_cast %scan3A_126 : i32 to index
        %get3A_140 = arith.constant 16 : index
        %get3A_141 = tpu.vector_load %arg11[%get3A_139, %get3A_140] {strides = array<i32>} : memref<128x128xf32, #tpu.memory_space<vmem>>, vector<1x16xf32>,
        %get3A_142 = vector.shape_cast %get3A_141 : vector<1x16xf32> to vector<16xf32>
        %get3A_143 = arith.index_cast %scan3A_126 : i32 to index
        %get3A_144 = arith.constant 16 : index
        %get3A_145 = tpu.vector_load %arg12[%get3A_143, %get3A_144] {strides = array<i32>} : memref<128x128xf32, #tpu.memory_space<vmem>>, vector<1x16xf32>,
        %get3A_146 = vector.shape_cast %get3A_145 : vector<1x16xf32> to vector<16xf32>
        %add3A_147 = arith.addf %get3A_142, %get3A_146 : vector<16xf32>
        %swap3A_148 = arith.index_cast %scan3A_126 : i32 to index
        %swap3A_149 = arith.constant 16 : index
        %swap3A_150 = tpu.vector_load %arg11[%swap3A_148, %swap3A_149] {strides = array<i32>} : memref<128x128xf32, #tpu.memory_space<vmem>>, vector<1x16xf32>,
        %swap3A_151 = vector.shape_cast %swap3A_150 : vector<1x16xf32> to vector<16xf32>
        %swap3A_152 = vector.shape_cast %add3A_147 : vector<16xf32> to vector<1x16xf32>
        tpu.vector_store %arg11[%swap3A_148, %swap3A_149], %swap3A_152 {strides = array<i32>} : memref<128x128xf32, #tpu.memory_space<vmem>>, vector<1x16xf32>,
        %get3A_153 = arith.index_cast %scan3A_126 : i32 to index
        %get3A_154 = arith.constant 32 : index
        %get3A_155 = tpu.vector_load %arg11[%get3A_153, %get3A_154] {strides = array<i32>} : memref<128x128xf32, #tpu.memory_space<vmem>>, vector<1x16xf32>,
        %get3A_156 = vector.shape_cast %get3A_155 : vector<1x16xf32> to vector<16xf32>
        %get3A_157 = arith.index_cast %scan3A_126 : i32 to index
        %get3A_158 = arith.constant 32 : index
        %get3A_159 = tpu.vector_load %arg12[%get3A_157, %get3A_158] {strides = array<i32>} : memref<128x128xf32, #tpu.memory_space<vmem>>, vector<1x16xf32>,
        %get3A_160 = vector.shape_cast %get3A_159 : vector<1x16xf32> to vector<16xf32>
        %add3A_161 = arith.addf %get3A_156, %get3A_160 : vector<16xf32>
        %swap3A_162 = arith.index_cast %scan3A_126 : i32 to index
        %swap3A_163 = arith.constant 32 : index
        %swap3A_164 = tpu.vector_load %arg11[%swap3A_162, %swap3A_163] {strides = array<i32>} : memref<128x128xf32, #tpu.memory_space<vmem>>, vector<1x16xf32>,
        %swap3A_165 = vector.shape_cast %swap3A_164 : vector<1x16xf32> to vector<16xf32>
        %swap3A_166 = vector.shape_cast %add3A_161 : vector<16xf32> to vector<1x16xf32>
        tpu.vector_store %arg11[%swap3A_162, %swap3A_163], %swap3A_166 {strides = array<i32>} : memref<128x128xf32, #tpu.memory_space<vmem>>, vector<1x16xf32>,
        %get3A_167 = arith.index_cast %scan3A_126 : i32 to index
        %get3A_168 = arith.constant 48 : index
        %get3A_169 = tpu.vector_load %arg11[%get3A_167, %get3A_168] {strides = array<i32>} : memref<128x128xf32, #tpu.memory_space<vmem>>, vector<1x16xf32>,
        %get3A_170 = vector.shape_cast %get3A_169 : vector<1x16xf32> to vector<16xf32>
        %get3A_171 = arith.index_cast %scan3A_126 : i32 to index
        %get3A_172 = arith.constant 48 : index
        %get3A_173 = tpu.vector_load %arg12[%get3A_171, %get3A_172] {strides = array<i32>} : memref<128x128xf32, #tpu.memory_space<vmem>>, vector<1x16xf32>,
        %get3A_174 = vector.shape_cast %get3A_173 : vector<1x16xf32> to vector<16xf32>
        %add3A_175 = arith.addf %get3A_170, %get3A_174 : vector<16xf32>
        %swap3A_176 = arith.index_cast %scan3A_126 : i32 to index
        %swap3A_177 = arith.constant 48 : index
        %swap3A_178 = tpu.vector_load %arg11[%swap3A_176, %swap3A_177] {strides = array<i32>} : memref<128x128xf32, #tpu.memory_space<vmem>>, vector<1x16xf32>,
        %swap3A_179 = vector.shape_cast %swap3A_178 : vector<1x16xf32> to vector<16xf32>
        %swap3A_180 = vector.shape_cast %add3A_175 : vector<16xf32> to vector<1x16xf32>
        tpu.vector_store %arg11[%swap3A_176, %swap3A_177], %swap3A_180 {strides = array<i32>} : memref<128x128xf32, #tpu.memory_space<vmem>>, vector<1x16xf32>,
        %get3A_181 = arith.index_cast %scan3A_126 : i32 to index
        %get3A_182 = arith.constant 64 : index
        %get3A_183 = tpu.vector_load %arg11[%get3A_181, %get3A_182] {strides = array<i32>} : memref<128x128xf32, #tpu.memory_space<vmem>>, vector<1x16xf32>,
        %get3A_184 = vector.shape_cast %get3A_183 : vector<1x16xf32> to vector<16xf32>
        %get3A_185 = arith.index_cast %scan3A_126 : i32 to index
        %get3A_186 = arith.constant 64 : index
        %get3A_187 = tpu.vector_load %arg12[%get3A_185, %get3A_186] {strides = array<i32>} : memref<128x128xf32, #tpu.memory_space<vmem>>, vector<1x16xf32>,
        %get3A_188 = vector.shape_cast %get3A_187 : vector<1x16xf32> to vector<16xf32>
        %add3A_189 = arith.addf %get3A_184, %get3A_188 : vector<16xf32>
        %swap3A_190 = arith.index_cast %scan3A_126 : i32 to index
        %swap3A_191 = arith.constant 64 : index
        %swap3A_192 = tpu.vector_load %arg11[%swap3A_190, %swap3A_191] {strides = array<i32>} : memref<128x128xf32, #tpu.memory_space<vmem>>, vector<1x16xf32>,
        %swap3A_193 = vector.shape_cast %swap3A_192 : vector<1x16xf32> to vector<16xf32>
        %swap3A_194 = vector.shape_cast %add3A_189 : vector<16xf32> to vector<1x16xf32>
        tpu.vector_store %arg11[%swap3A_190, %swap3A_191], %swap3A_194 {strides = array<i32>} : memref<128x128xf32, #tpu.memory_space<vmem>>, vector<1x16xf32>,
        %get3A_195 = arith.index_cast %scan3A_126 : i32 to index
        %get3A_196 = arith.constant 80 : index
        %get3A_197 = tpu.vector_load %arg11[%get3A_195, %get3A_196] {strides = array<i32>} : memref<128x128xf32, #tpu.memory_space<vmem>>, vector<1x16xf32>,
        %get3A_198 = vector.shape_cast %get3A_197 : vector<1x16xf32> to vector<16xf32>
        %get3A_199 = arith.index_cast %scan3A_126 : i32 to index
        %get3A_200 = arith.constant 80 : index
        %get3A_201 = tpu.vector_load %arg12[%get3A_199, %get3A_200] {strides = array<i32>} : memref<128x128xf32, #tpu.memory_space<vmem>>, vector<1x16xf32>,
        %get3A_202 = vector.shape_cast %get3A_201 : vector<1x16xf32> to vector<16xf32>
        %add3A_203 = arith.addf %get3A_198, %get3A_202 : vector<16xf32>
        %swap3A_204 = arith.index_cast %scan3A_126 : i32 to index
        %swap3A_205 = arith.constant 80 : index
        %swap3A_206 = tpu.vector_load %arg11[%swap3A_204, %swap3A_205] {strides = array<i32>} : memref<128x128xf32, #tpu.memory_space<vmem>>, vector<1x16xf32>,
        %swap3A_207 = vector.shape_cast %swap3A_206 : vector<1x16xf32> to vector<16xf32>
        %swap3A_208 = vector.shape_cast %add3A_203 : vector<16xf32> to vector<1x16xf32>
        tpu.vector_store %arg11[%swap3A_204, %swap3A_205], %swap3A_208 {strides = array<i32>} : memref<128x128xf32, #tpu.memory_space<vmem>>, vector<1x16xf32>,
        %get3A_209 = arith.index_cast %scan3A_126 : i32 to index
        %get3A_210 = arith.constant 96 : index
        %get3A_211 = tpu.vector_load %arg11[%get3A_209, %get3A_210] {strides = array<i32>} : memref<128x128xf32, #tpu.memory_space<vmem>>, vector<1x16xf32>,
        %get3A_212 = vector.shape_cast %get3A_211 : vector<1x16xf32> to vector<16xf32>
        %get3A_213 = arith.index_cast %scan3A_126 : i32 to index
        %get3A_214 = arith.constant 96 : index
        %get3A_215 = tpu.vector_load %arg12[%get3A_213, %get3A_214] {strides = array<i32>} : memref<128x128xf32, #tpu.memory_space<vmem>>, vector<1x16xf32>,
        %get3A_216 = vector.shape_cast %get3A_215 : vector<1x16xf32> to vector<16xf32>
        %add3A_217 = arith.addf %get3A_212, %get3A_216 : vector<16xf32>
        %swap3A_218 = arith.index_cast %scan3A_126 : i32 to index
        %swap3A_219 = arith.constant 96 : index
        %swap3A_220 = tpu.vector_load %arg11[%swap3A_218, %swap3A_219] {strides = array<i32>} : memref<128x128xf32, #tpu.memory_space<vmem>>, vector<1x16xf32>,
        %swap3A_221 = vector.shape_cast %swap3A_220 : vector<1x16xf32> to vector<16xf32>
        %swap3A_222 = vector.shape_cast %add3A_217 : vector<16xf32> to vector<1x16xf32>
        tpu.vector_store %arg11[%swap3A_218, %swap3A_219], %swap3A_222 {strides = array<i32>} : memref<128x128xf32, #tpu.memory_space<vmem>>, vector<1x16xf32>,
        %get3A_223 = arith.index_cast %scan3A_126 : i32 to index
        %get3A_224 = arith.constant 112 : index
        %get3A_225 = tpu.vector_load %arg11[%get3A_223, %get3A_224] {strides = array<i32>} : memref<128x128xf32, #tpu.memory_space<vmem>>, vector<1x16xf32>,
        %get3A_226 = vector.shape_cast %get3A_225 : vector<1x16xf32> to vector<16xf32>
        %get3A_227 = arith.index_cast %scan3A_126 : i32 to index
        %get3A_228 = arith.constant 112 : index
        %get3A_229 = tpu.vector_load %arg12[%get3A_227, %get3A_228] {strides = array<i32>} : memref<128x128xf32, #tpu.memory_space<vmem>>, vector<1x16xf32>,
        %get3A_230 = vector.shape_cast %get3A_229 : vector<1x16xf32> to vector<16xf32>
        %add3A_231 = arith.addf %get3A_226, %get3A_230 : vector<16xf32>
        %swap3A_232 = arith.index_cast %scan3A_126 : i32 to index
        %swap3A_233 = arith.constant 112 : index
        %swap3A_234 = tpu.vector_load %arg11[%swap3A_232, %swap3A_233] {strides = array<i32>} : memref<128x128xf32, #tpu.memory_space<vmem>>, vector<1x16xf32>,
        %swap3A_235 = vector.shape_cast %swap3A_234 : vector<1x16xf32> to vector<16xf32>
        %swap3A_236 = vector.shape_cast %add3A_231 : vector<16xf32> to vector<1x16xf32>
        tpu.vector_store %arg11[%swap3A_232, %swap3A_233], %swap3A_236 {strides = array<i32>} : memref<128x128xf32, #tpu.memory_space<vmem>>, vector<1x16xf32>,
      }
      %scan3A_81 = arith.constant 128 : i32
      %mul3A_82 = arith.constant 128 : i32
      %mul3A_83 = arith.muli %mul3A_47, %mul3A_82 : i32
      %add3A_84 = arith.addi %mul3A_2, %mul3A_83 : i32
      %multiple_of3A_85 = tpu.assume_multiple %add3A_84, 8 : i32
      %dma_start3A_86 = arith.constant 0 : i32
      %dma_start3A_87 = tpu.memref_slice %arg6[%multiple_of3A_85, %dma_start3A_86] : memref<163840x128xf32, #tpu.memory_space<hbm>> -> memref<128x128xf32, #tpu.memory_space<hbm>>
      %dma_start3A_88 = arith.constant 0 : i32
      %dma_start3A_89 = tpu.memref_slice %arg6[%multiple_of3A_85, %dma_start3A_88] : memref<163840x128xf32, #tpu.memory_space<hbm>> -> memref<128x128xf32, #tpu.memory_space<hbm>>
      tpu.enqueue_dma source(%arg11 : memref<128x128xf32, #tpu.memory_space<vmem>>) target(%dma_start3A_89 : memref<128x128xf32, #tpu.memory_space<hbm>>) target_semaphore(%arg19 : memref<!tpu.dma_semaphore, #tpu.memory_space<semaphore_mem>>)
      %dma_wait3A_90 = arith.constant 0 : i32
      %dma_wait3A_91 = arith.constant 0 : i32
      %dma_wait3A_92 = tpu.memref_slice %arg2[%dma_wait3A_90, %dma_wait3A_91] : memref<10000x128xf32, #tpu.memory_space<hbm>> -> memref<10000x128xf32, #tpu.memory_space<hbm>>
      tpu.wait_indirect_dma semaphore(%arg18 : memref<!tpu.dma_semaphore, #tpu.memory_space<semaphore_mem>>) src(%dma_wait3A_92 : memref<10000x128xf32, #tpu.memory_space<hbm>>) dst(%arg13 : memref<128x128xf32, #tpu.memory_space<vmem>>)
      %dma_wait3A_93 = arith.constant 0 : i32
      %dma_wait3A_94 = arith.constant 0 : i32
      %dma_wait3A_95 = tpu.memref_slice %arg3[%dma_wait3A_93, %dma_wait3A_94] : memref<10000x128xf32, #tpu.memory_space<hbm>> -> memref<10000x128xf32, #tpu.memory_space<hbm>>
      tpu.wait_indirect_dma semaphore(%arg18 : memref<!tpu.dma_semaphore, #tpu.memory_space<semaphore_mem>>) src(%dma_wait3A_95 : memref<10000x128xf32, #tpu.memory_space<hbm>>) dst(%arg14 : memref<128x128xf32, #tpu.memory_space<vmem>>)
      %add3A_96 = arith.constant 3 : i32
      %add3A_97 = arith.addi %mul3A_47, %add3A_96 : i32
      %lt3A_98 = arith.constant 40 : i32
      %lt3A_99 = arith.cmpi slt, %add3A_97, %lt3A_98 : i32
      %convert_element_type3A_100 = arith.extui %lt3A_99 : i1 to i32
      %cond3A_101 = arith.constant 0 : i32
      %cond3A_102 = arith.cmpi ne, %convert_element_type3A_100, %cond3A_101 : i32
      scf.if %cond3A_102 {
        %add3A_126 = arith.constant 3 : i32
        %add3A_127 = arith.addi %mul3A_47, %add3A_126 : i32
        %mul3A_128 = arith.constant 128 : i32
        %mul3A_129 = arith.muli %add3A_127, %mul3A_128 : i32
        %add3A_130 = arith.addi %mul3A_2, %mul3A_129 : i32
        %multiple_of3A_131 = tpu.assume_multiple %add3A_130, 8 : i32
        %dma_start3A_132 = tpu.memref_slice %arg4[%multiple_of3A_131] : memref<163840xi32, #tpu.memory_space<hbm>> -> memref<128xi32, #tpu.memory_space<hbm>>
        %dma_start3A_133 = tpu.memref_slice %arg4[%multiple_of3A_131] : memref<163840xi32, #tpu.memory_space<hbm>> -> memref<128xi32, #tpu.memory_space<hbm>>
        tpu.enqueue_dma source(%dma_start3A_133 : memref<128xi32, #tpu.memory_space<hbm>>) target(%arg9 : memref<128xi32, #tpu.memory_space<vmem>>) target_semaphore(%arg16 : memref<!tpu.dma_semaphore, #tpu.memory_space<semaphore_mem>>)
        %dma_start3A_134 = tpu.memref_slice %arg5[%multiple_of3A_131] : memref<163840xi32, #tpu.memory_space<hbm>> -> memref<128xi32, #tpu.memory_space<hbm>>
        %dma_start3A_135 = tpu.memref_slice %arg5[%multiple_of3A_131] : memref<163840xi32, #tpu.memory_space<hbm>> -> memref<128xi32, #tpu.memory_space<hbm>>
        tpu.enqueue_dma source(%dma_start3A_135 : memref<128xi32, #tpu.memory_space<hbm>>) target(%arg10 : memref<128xi32, #tpu.memory_space<vmem>>) target_semaphore(%arg16 : memref<!tpu.dma_semaphore, #tpu.memory_space<semaphore_mem>>)
      } else {
      }
      %add3A_103 = arith.constant 2 : i32
      %add3A_104 = arith.addi %mul3A_47, %add3A_103 : i32
      %lt3A_105 = arith.constant 40 : i32
      %lt3A_106 = arith.cmpi slt, %add3A_104, %lt3A_105 : i32
      %convert_element_type3A_107 = arith.extui %lt3A_106 : i1 to i32
      %cond3A_108 = arith.constant 0 : i32
      %cond3A_109 = arith.cmpi ne, %convert_element_type3A_107, %cond3A_108 : i32
      scf.if %cond3A_109 {
        %dma_wait3A_126 = arith.constant 0 : i32
        %dma_wait3A_127 = arith.constant 0 : i32
        %dma_wait3A_128 = tpu.memref_slice %arg6[%dma_wait3A_126, %dma_wait3A_127] : memref<163840x128xf32, #tpu.memory_space<hbm>> -> memref<128x128xf32, #tpu.memory_space<hbm>>
        %dma_wait3A_129 = arith.constant 0 : i32
        %dma_wait3A_130 = arith.constant 0 : i32
        %dma_wait3A_131 = tpu.memref_slice %arg6[%dma_wait3A_129, %dma_wait3A_130] : memref<163840x128xf32, #tpu.memory_space<hbm>> -> memref<128x128xf32, #tpu.memory_space<hbm>>
        tpu.wait_dma2 semaphore(%arg19 : memref<!tpu.dma_semaphore, #tpu.memory_space<semaphore_mem>>) src(%arg11 : memref<128x128xf32, #tpu.memory_space<vmem>>) dst(%dma_wait3A_131 : memref<128x128xf32, #tpu.memory_space<hbm>>)
        %dma_wait3A_132 = arith.constant 0 : i32
        %dma_wait3A_133 = tpu.memref_slice %arg4[%dma_wait3A_132] : memref<163840xi32, #tpu.memory_space<hbm>> -> memref<128xi32, #tpu.memory_space<hbm>>
        %dma_wait3A_134 = arith.constant 0 : i32
        %dma_wait3A_135 = tpu.memref_slice %arg4[%dma_wait3A_134] : memref<163840xi32, #tpu.memory_space<hbm>> -> memref<128xi32, #tpu.memory_space<hbm>>
        tpu.wait_dma2 semaphore(%arg15 : memref<!tpu.dma_semaphore, #tpu.memory_space<semaphore_mem>>) src(%dma_wait3A_135 : memref<128xi32, #tpu.memory_space<hbm>>) dst(%arg7 : memref<128xi32, #tpu.memory_space<vmem>>)
        %dma_wait3A_136 = arith.constant 0 : i32
        %dma_wait3A_137 = tpu.memref_slice %arg5[%dma_wait3A_136] : memref<163840xi32, #tpu.memory_space<hbm>> -> memref<128xi32, #tpu.memory_space<hbm>>
        %dma_wait3A_138 = arith.constant 0 : i32
        %dma_wait3A_139 = tpu.memref_slice %arg5[%dma_wait3A_138] : memref<163840xi32, #tpu.memory_space<hbm>> -> memref<128xi32, #tpu.memory_space<hbm>>
        tpu.wait_dma2 semaphore(%arg15 : memref<!tpu.dma_semaphore, #tpu.memory_space<semaphore_mem>>) src(%dma_wait3A_139 : memref<128xi32, #tpu.memory_space<hbm>>) dst(%arg8 : memref<128xi32, #tpu.memory_space<vmem>>)
        %dma_start3A_140 = arith.constant 0 : i32
        %dma_start3A_141 = arith.constant 0 : i32
        %dma_start3A_142 = tpu.memref_slice %arg2[%dma_start3A_140, %dma_start3A_141] : memref<10000x128xf32, #tpu.memory_space<hbm>> -> memref<10000x128xf32, #tpu.memory_space<hbm>>
        tpu.enqueue_indirect_dma source(%dma_start3A_142 : memref<10000x128xf32, #tpu.memory_space<hbm>>) target(%arg11 : memref<128x128xf32, #tpu.memory_space<vmem>>) offsets(%arg7 : memref<128xi32, #tpu.memory_space<vmem>>) semaphore(%arg17 : memref<!tpu.dma_semaphore, #tpu.memory_space<semaphore_mem>>)
        %dma_start3A_143 = arith.constant 0 : i32
        %dma_start3A_144 = arith.constant 0 : i32
        %dma_start3A_145 = tpu.memref_slice %arg3[%dma_start3A_143, %dma_start3A_144] : memref<10000x128xf32, #tpu.memory_space<hbm>> -> memref<10000x128xf32, #tpu.memory_space<hbm>>
        tpu.enqueue_indirect_dma source(%dma_start3A_145 : memref<10000x128xf32, #tpu.memory_space<hbm>>) target(%arg12 : memref<128x128xf32, #tpu.memory_space<vmem>>) offsets(%arg8 : memref<128xi32, #tpu.memory_space<vmem>>) semaphore(%arg17 : memref<!tpu.dma_semaphore, #tpu.memory_space<semaphore_mem>>)
      } else {
      }
      %scan3A_110 = arith.constant 0 : i32
      %scan3A_111 = arith.constant 0 : i32
      %scan3A_112 = arith.constant 128 : i32
      %scan3A_113 = arith.addi %scan3A_111, %scan3A_112 : i32
      %scan3A_114 = arith.constant 1 : i32
      scf.for %scan3A_126 = %scan3A_111 to %scan3A_113 step %scan3A_114  : i32 {
        %get3A = arith.index_cast %scan3A_126 : i32 to index
        %get3A_127 = arith.constant 0 : index
        %get3A_128 = tpu.vector_load %arg13[%get3A, %get3A_127] {strides = array<i32>} : memref<128x128xf32, #tpu.memory_space<vmem>>, vector<1x16xf32>,
        %get3A_129 = vector.shape_cast %get3A_128 : vector<1x16xf32> to vector<16xf32>
        %get3A_130 = arith.index_cast %scan3A_126 : i32 to index
        %get3A_131 = arith.constant 0 : index
        %get3A_132 = tpu.vector_load %arg14[%get3A_130, %get3A_131] {strides = array<i32>} : memref<128x128xf32, #tpu.memory_space<vmem>>, vector<1x16xf32>,
        %get3A_133 = vector.shape_cast %get3A_132 : vector<1x16xf32> to vector<16xf32>
        %add3A_134 = arith.addf %get3A_129, %get3A_133 : vector<16xf32>
        %swap3A = arith.index_cast %scan3A_126 : i32 to index
        %swap3A_135 = arith.constant 0 : index
        %swap3A_136 = tpu.vector_load %arg13[%swap3A, %swap3A_135] {strides = array<i32>} : memref<128x128xf32, #tpu.memory_space<vmem>>, vector<1x16xf32>,
        %swap3A_137 = vector.shape_cast %swap3A_136 : vector<1x16xf32> to vector<16xf32>
        %swap3A_138 = vector.shape_cast %add3A_134 : vector<16xf32> to vector<1x16xf32>
        tpu.vector_store %arg13[%swap3A, %swap3A_135], %swap3A_138 {strides = array<i32>} : memref<128x128xf32, #tpu.memory_space<vmem>>, vector<1x16xf32>,
        %get3A_139 = arith.index_cast %scan3A_126 : i32 to index
        %get3A_140 = arith.constant 16 : index
        %get3A_141 = tpu.vector_load %arg13[%get3A_139, %get3A_140] {strides = array<i32>} : memref<128x128xf32, #tpu.memory_space<vmem>>, vector<1x16xf32>,
        %get3A_142 = vector.shape_cast %get3A_141 : vector<1x16xf32> to vector<16xf32>
        %get3A_143 = arith.index_cast %scan3A_126 : i32 to index
        %get3A_144 = arith.constant 16 : index
        %get3A_145 = tpu.vector_load %arg14[%get3A_143, %get3A_144] {strides = array<i32>} : memref<128x128xf32, #tpu.memory_space<vmem>>, vector<1x16xf32>,
        %get3A_146 = vector.shape_cast %get3A_145 : vector<1x16xf32> to vector<16xf32>
        %add3A_147 = arith.addf %get3A_142, %get3A_146 : vector<16xf32>
        %swap3A_148 = arith.index_cast %scan3A_126 : i32 to index
        %swap3A_149 = arith.constant 16 : index
        %swap3A_150 = tpu.vector_load %arg13[%swap3A_148, %swap3A_149] {strides = array<i32>} : memref<128x128xf32, #tpu.memory_space<vmem>>, vector<1x16xf32>,
        %swap3A_151 = vector.shape_cast %swap3A_150 : vector<1x16xf32> to vector<16xf32>
        %swap3A_152 = vector.shape_cast %add3A_147 : vector<16xf32> to vector<1x16xf32>
        tpu.vector_store %arg13[%swap3A_148, %swap3A_149], %swap3A_152 {strides = array<i32>} : memref<128x128xf32, #tpu.memory_space<vmem>>, vector<1x16xf32>,
        %get3A_153 = arith.index_cast %scan3A_126 : i32 to index
        %get3A_154 = arith.constant 32 : index
        %get3A_155 = tpu.vector_load %arg13[%get3A_153, %get3A_154] {strides = array<i32>} : memref<128x128xf32, #tpu.memory_space<vmem>>, vector<1x16xf32>,
        %get3A_156 = vector.shape_cast %get3A_155 : vector<1x16xf32> to vector<16xf32>
        %get3A_157 = arith.index_cast %scan3A_126 : i32 to index
        %get3A_158 = arith.constant 32 : index
        %get3A_159 = tpu.vector_load %arg14[%get3A_157, %get3A_158] {strides = array<i32>} : memref<128x128xf32, #tpu.memory_space<vmem>>, vector<1x16xf32>,
        %get3A_160 = vector.shape_cast %get3A_159 : vector<1x16xf32> to vector<16xf32>
        %add3A_161 = arith.addf %get3A_156, %get3A_160 : vector<16xf32>
        %swap3A_162 = arith.index_cast %scan3A_126 : i32 to index
        %swap3A_163 = arith.constant 32 : index
        %swap3A_164 = tpu.vector_load %arg13[%swap3A_162, %swap3A_163] {strides = array<i32>} : memref<128x128xf32, #tpu.memory_space<vmem>>, vector<1x16xf32>,
        %swap3A_165 = vector.shape_cast %swap3A_164 : vector<1x16xf32> to vector<16xf32>
        %swap3A_166 = vector.shape_cast %add3A_161 : vector<16xf32> to vector<1x16xf32>
        tpu.vector_store %arg13[%swap3A_162, %swap3A_163], %swap3A_166 {strides = array<i32>} : memref<128x128xf32, #tpu.memory_space<vmem>>, vector<1x16xf32>,
        %get3A_167 = arith.index_cast %scan3A_126 : i32 to index
        %get3A_168 = arith.constant 48 : index
        %get3A_169 = tpu.vector_load %arg13[%get3A_167, %get3A_168] {strides = array<i32>} : memref<128x128xf32, #tpu.memory_space<vmem>>, vector<1x16xf32>,
        %get3A_170 = vector.shape_cast %get3A_169 : vector<1x16xf32> to vector<16xf32>
        %get3A_171 = arith.index_cast %scan3A_126 : i32 to index
        %get3A_172 = arith.constant 48 : index
        %get3A_173 = tpu.vector_load %arg14[%get3A_171, %get3A_172] {strides = array<i32>} : memref<128x128xf32, #tpu.memory_space<vmem>>, vector<1x16xf32>,
        %get3A_174 = vector.shape_cast %get3A_173 : vector<1x16xf32> to vector<16xf32>
        %add3A_175 = arith.addf %get3A_170, %get3A_174 : vector<16xf32>
        %swap3A_176 = arith.index_cast %scan3A_126 : i32 to index
        %swap3A_177 = arith.constant 48 : index
        %swap3A_178 = tpu.vector_load %arg13[%swap3A_176, %swap3A_177] {strides = array<i32>} : memref<128x128xf32, #tpu.memory_space<vmem>>, vector<1x16xf32>,
        %swap3A_179 = vector.shape_cast %swap3A_178 : vector<1x16xf32> to vector<16xf32>
        %swap3A_180 = vector.shape_cast %add3A_175 : vector<16xf32> to vector<1x16xf32>
        tpu.vector_store %arg13[%swap3A_176, %swap3A_177], %swap3A_180 {strides = array<i32>} : memref<128x128xf32, #tpu.memory_space<vmem>>, vector<1x16xf32>,
        %get3A_181 = arith.index_cast %scan3A_126 : i32 to index
        %get3A_182 = arith.constant 64 : index
        %get3A_183 = tpu.vector_load %arg13[%get3A_181, %get3A_182] {strides = array<i32>} : memref<128x128xf32, #tpu.memory_space<vmem>>, vector<1x16xf32>,
        %get3A_184 = vector.shape_cast %get3A_183 : vector<1x16xf32> to vector<16xf32>
        %get3A_185 = arith.index_cast %scan3A_126 : i32 to index
        %get3A_186 = arith.constant 64 : index
        %get3A_187 = tpu.vector_load %arg14[%get3A_185, %get3A_186] {strides = array<i32>} : memref<128x128xf32, #tpu.memory_space<vmem>>, vector<1x16xf32>,
        %get3A_188 = vector.shape_cast %get3A_187 : vector<1x16xf32> to vector<16xf32>
        %add3A_189 = arith.addf %get3A_184, %get3A_188 : vector<16xf32>
        %swap3A_190 = arith.index_cast %scan3A_126 : i32 to index
        %swap3A_191 = arith.constant 64 : index
        %swap3A_192 = tpu.vector_load %arg13[%swap3A_190, %swap3A_191] {strides = array<i32>} : memref<128x128xf32, #tpu.memory_space<vmem>>, vector<1x16xf32>,
        %swap3A_193 = vector.shape_cast %swap3A_192 : vector<1x16xf32> to vector<16xf32>
        %swap3A_194 = vector.shape_cast %add3A_189 : vector<16xf32> to vector<1x16xf32>
        tpu.vector_store %arg13[%swap3A_190, %swap3A_191], %swap3A_194 {strides = array<i32>} : memref<128x128xf32, #tpu.memory_space<vmem>>, vector<1x16xf32>,
        %get3A_195 = arith.index_cast %scan3A_126 : i32 to index
        %get3A_196 = arith.constant 80 : index
        %get3A_197 = tpu.vector_load %arg13[%get3A_195, %get3A_196] {strides = array<i32>} : memref<128x128xf32, #tpu.memory_space<vmem>>, vector<1x16xf32>,
        %get3A_198 = vector.shape_cast %get3A_197 : vector<1x16xf32> to vector<16xf32>
        %get3A_199 = arith.index_cast %scan3A_126 : i32 to index
        %get3A_200 = arith.constant 80 : index
        %get3A_201 = tpu.vector_load %arg14[%get3A_199, %get3A_200] {strides = array<i32>} : memref<128x128xf32, #tpu.memory_space<vmem>>, vector<1x16xf32>,
        %get3A_202 = vector.shape_cast %get3A_201 : vector<1x16xf32> to vector<16xf32>
        %add3A_203 = arith.addf %get3A_198, %get3A_202 : vector<16xf32>
        %swap3A_204 = arith.index_cast %scan3A_126 : i32 to index
        %swap3A_205 = arith.constant 80 : index
        %swap3A_206 = tpu.vector_load %arg13[%swap3A_204, %swap3A_205] {strides = array<i32>} : memref<128x128xf32, #tpu.memory_space<vmem>>, vector<1x16xf32>,
        %swap3A_207 = vector.shape_cast %swap3A_206 : vector<1x16xf32> to vector<16xf32>
        %swap3A_208 = vector.shape_cast %add3A_203 : vector<16xf32> to vector<1x16xf32>
        tpu.vector_store %arg13[%swap3A_204, %swap3A_205], %swap3A_208 {strides = array<i32>} : memref<128x128xf32, #tpu.memory_space<vmem>>, vector<1x16xf32>,
        %get3A_209 = arith.index_cast %scan3A_126 : i32 to index
        %get3A_210 = arith.constant 96 : index
        %get3A_211 = tpu.vector_load %arg13[%get3A_209, %get3A_210] {strides = array<i32>} : memref<128x128xf32, #tpu.memory_space<vmem>>, vector<1x16xf32>,
        %get3A_212 = vector.shape_cast %get3A_211 : vector<1x16xf32> to vector<16xf32>
        %get3A_213 = arith.index_cast %scan3A_126 : i32 to index
        %get3A_214 = arith.constant 96 : index
        %get3A_215 = tpu.vector_load %arg14[%get3A_213, %get3A_214] {strides = array<i32>} : memref<128x128xf32, #tpu.memory_space<vmem>>, vector<1x16xf32>,
        %get3A_216 = vector.shape_cast %get3A_215 : vector<1x16xf32> to vector<16xf32>
        %add3A_217 = arith.addf %get3A_212, %get3A_216 : vector<16xf32>
        %swap3A_218 = arith.index_cast %scan3A_126 : i32 to index
        %swap3A_219 = arith.constant 96 : index
        %swap3A_220 = tpu.vector_load %arg13[%swap3A_218, %swap3A_219] {strides = array<i32>} : memref<128x128xf32, #tpu.memory_space<vmem>>, vector<1x16xf32>,
        %swap3A_221 = vector.shape_cast %swap3A_220 : vector<1x16xf32> to vector<16xf32>
        %swap3A_222 = vector.shape_cast %add3A_217 : vector<16xf32> to vector<1x16xf32>
        tpu.vector_store %arg13[%swap3A_218, %swap3A_219], %swap3A_222 {strides = array<i32>} : memref<128x128xf32, #tpu.memory_space<vmem>>, vector<1x16xf32>,
        %get3A_223 = arith.index_cast %scan3A_126 : i32 to index
        %get3A_224 = arith.constant 112 : index
        %get3A_225 = tpu.vector_load %arg13[%get3A_223, %get3A_224] {strides = array<i32>} : memref<128x128xf32, #tpu.memory_space<vmem>>, vector<1x16xf32>,
        %get3A_226 = vector.shape_cast %get3A_225 : vector<1x16xf32> to vector<16xf32>
        %get3A_227 = arith.index_cast %scan3A_126 : i32 to index
        %get3A_228 = arith.constant 112 : index
        %get3A_229 = tpu.vector_load %arg14[%get3A_227, %get3A_228] {strides = array<i32>} : memref<128x128xf32, #tpu.memory_space<vmem>>, vector<1x16xf32>,
        %get3A_230 = vector.shape_cast %get3A_229 : vector<1x16xf32> to vector<16xf32>
        %add3A_231 = arith.addf %get3A_226, %get3A_230 : vector<16xf32>
        %swap3A_232 = arith.index_cast %scan3A_126 : i32 to index
        %swap3A_233 = arith.constant 112 : index
        %swap3A_234 = tpu.vector_load %arg13[%swap3A_232, %swap3A_233] {strides = array<i32>} : memref<128x128xf32, #tpu.memory_space<vmem>>, vector<1x16xf32>,
        %swap3A_235 = vector.shape_cast %swap3A_234 : vector<1x16xf32> to vector<16xf32>
        %swap3A_236 = vector.shape_cast %add3A_231 : vector<16xf32> to vector<1x16xf32>
        tpu.vector_store %arg13[%swap3A_232, %swap3A_233], %swap3A_236 {strides = array<i32>} : memref<128x128xf32, #tpu.memory_space<vmem>>, vector<1x16xf32>,
      }
      %scan3A_115 = arith.constant 128 : i32
      %add3A_116 = arith.constant 1 : i32
      %add3A_117 = arith.addi %mul3A_47, %add3A_116 : i32
      %mul3A_118 = arith.constant 128 : i32
      %mul3A_119 = arith.muli %add3A_117, %mul3A_118 : i32
      %add3A_120 = arith.addi %mul3A_2, %mul3A_119 : i32
      %multiple_of3A_121 = tpu.assume_multiple %add3A_120, 8 : i32
      %dma_start3A_122 = arith.constant 0 : i32
      %dma_start3A_123 = tpu.memref_slice %arg6[%multiple_of3A_121, %dma_start3A_122] : memref<163840x128xf32, #tpu.memory_space<hbm>> -> memref<128x128xf32, #tpu.memory_space<hbm>>
      %dma_start3A_124 = arith.constant 0 : i32
      %dma_start3A_125 = tpu.memref_slice %arg6[%multiple_of3A_121, %dma_start3A_124] : memref<163840x128xf32, #tpu.memory_space<hbm>> -> memref<128x128xf32, #tpu.memory_space<hbm>>
      tpu.enqueue_dma source(%arg13 : memref<128x128xf32, #tpu.memory_space<vmem>>) target(%dma_start3A_125 : memref<128x128xf32, #tpu.memory_space<hbm>>) target_semaphore(%arg20 : memref<!tpu.dma_semaphore, #tpu.memory_space<semaphore_mem>>)
    }
    %scan3A_32 = arith.constant 20 : i32
    %dma_wait3A_33 = arith.constant 0 : i32
    %dma_wait3A_34 = arith.constant 0 : i32
    %dma_wait3A_35 = tpu.memref_slice %arg6[%dma_wait3A_33, %dma_wait3A_34] : memref<163840x128xf32, #tpu.memory_space<hbm>> -> memref<128x128xf32, #tpu.memory_space<hbm>>
    %dma_wait3A_36 = arith.constant 0 : i32
    %dma_wait3A_37 = arith.constant 0 : i32
    %dma_wait3A_38 = tpu.memref_slice %arg6[%dma_wait3A_36, %dma_wait3A_37] : memref<163840x128xf32, #tpu.memory_space<hbm>> -> memref<128x128xf32, #tpu.memory_space<hbm>>
    tpu.wait_dma2 semaphore(%arg19 : memref<!tpu.dma_semaphore, #tpu.memory_space<semaphore_mem>>) src(%arg11 : memref<128x128xf32, #tpu.memory_space<vmem>>) dst(%dma_wait3A_38 : memref<128x128xf32, #tpu.memory_space<hbm>>)
    %dma_wait3A_39 = arith.constant 0 : i32
    %dma_wait3A_40 = arith.constant 0 : i32
    %dma_wait3A_41 = tpu.memref_slice %arg6[%dma_wait3A_39, %dma_wait3A_40] : memref<163840x128xf32, #tpu.memory_space<hbm>> -> memref<128x128xf32, #tpu.memory_space<hbm>>
    %dma_wait3A_42 = arith.constant 0 : i32
    %dma_wait3A_43 = arith.constant 0 : i32
    %dma_wait3A_44 = tpu.memref_slice %arg6[%dma_wait3A_42, %dma_wait3A_43] : memref<163840x128xf32, #tpu.memory_space<hbm>> -> memref<128x128xf32, #tpu.memory_space<hbm>>
    tpu.wait_dma2 semaphore(%arg20 : memref<!tpu.dma_semaphore, #tpu.memory_space<semaphore_mem>>) src(%arg13 : memref<128x128xf32, #tpu.memory_space<vmem>>) dst(%dma_wait3A_44 : memref<128x128xf32, #tpu.memory_space<hbm>>)
    return
  }
}

#map = affine_map<(d0, d1) -> (0, 0)>
#map1 = affine_map<(d0, d1) -> (0)>
#map2 = affine_map<(d0, d1) -> (0, 0, 0)>
module attributes {stable_mosaic.version = 14 : i64} {
  func.func @k(%arg0: i32, %arg1: i32, %arg2: memref<163840x128xf32, #tpu.memory_space<hbm>>, %arg3: memref<163840xi32, #tpu.memory_space<hbm>>, %arg4: memref<163840x128xf32, #tpu.memory_space<hbm>>, %arg5: memref<163840xi32, #tpu.memory_space<hbm>>, %arg6: memref<2x10240x128xf32, #tpu.memory_space<hbm>>, %arg7: memref<128xi32, #tpu.memory_space<vmem>>, %arg8: memref<128xi32, #tpu.memory_space<vmem>>, %arg9: memref<128x128xf32, #tpu.memory_space<vmem>>, %arg10: memref<128x128xf32, #tpu.memory_space<vmem>>, %arg11: memref<64x128xf32, #tpu.memory_space<vmem>>, %arg12: memref<10240x128xf32, #tpu.memory_space<vmem_shared>>, %arg13: memref<!tpu.dma_semaphore, #tpu.memory_space<semaphore_mem>>, %arg14: memref<!tpu.dma_semaphore, #tpu.memory_space<semaphore_mem>>, %arg15: memref<!tpu.dma_semaphore, #tpu.memory_space<semaphore_mem>>, %arg16: memref<!tpu.dma_semaphore, #tpu.memory_space<semaphore_mem>>) attributes {dimension_semantics = [#tpu.dimension_semantics<core_parallel>, #tpu.dimension_semantics<subcore_parallel>], iteration_bounds = array<i64: 2, 16>, scalar_prefetch = 0 : i64, scratch_operands = 10 : i64, tpu.core_type = #tpu.core_type<sc_vector_subcore>, window_params = [{transform_indices = #map}, {transform_indices = #map1}, {transform_indices = #map}, {transform_indices = #map1}, {transform_indices = #map2}]} {
    %mul3A = arith.constant 2 : i32
    %mul3A_0 = arith.muli %arg1, %mul3A : i32
    %add3A = arith.addi %mul3A_0, %arg0 : i32
    %mul3A_1 = arith.constant 5120 : i32
    %mul3A_2 = arith.muli %add3A, %mul3A_1 : i32
    %scan3A = arith.constant 0 : i32
    %scan3A_3 = arith.constant 0 : i32
    %scan3A_4 = arith.constant 64 : i32
    %scan3A_5 = arith.addi %scan3A_3, %scan3A_4 : i32
    %scan3A_6 = arith.constant 1 : i32
    scf.for %scan3A_119 = %scan3A_3 to %scan3A_5 step %scan3A_6  : i32 {
      %broadcast_in_dim3A = arith.constant 0.000000e+00 : f32
      %broadcast_in_dim3A_120 = vector.broadcast %broadcast_in_dim3A : f32 to vector<16xf32>
      %swap3A = arith.index_cast %scan3A_119 : i32 to index
      %swap3A_121 = arith.constant 0 : index
      %swap3A_122 = tpu.vector_load %arg11[%swap3A, %swap3A_121] {strides = array<i32>} : memref<64x128xf32, #tpu.memory_space<vmem>>, vector<1x16xf32>,
      %swap3A_123 = vector.shape_cast %swap3A_122 : vector<1x16xf32> to vector<16xf32>
      %swap3A_124 = vector.shape_cast %broadcast_in_dim3A_120 : vector<16xf32> to vector<1x16xf32>
      tpu.vector_store %arg11[%swap3A, %swap3A_121], %swap3A_124 {strides = array<i32>} : memref<64x128xf32, #tpu.memory_space<vmem>>, vector<1x16xf32>,
      %broadcast_in_dim3A_125 = arith.constant 0.000000e+00 : f32
      %broadcast_in_dim3A_126 = vector.broadcast %broadcast_in_dim3A_125 : f32 to vector<16xf32>
      %swap3A_127 = arith.index_cast %scan3A_119 : i32 to index
      %swap3A_128 = arith.constant 16 : index
      %swap3A_129 = tpu.vector_load %arg11[%swap3A_127, %swap3A_128] {strides = array<i32>} : memref<64x128xf32, #tpu.memory_space<vmem>>, vector<1x16xf32>,
      %swap3A_130 = vector.shape_cast %swap3A_129 : vector<1x16xf32> to vector<16xf32>
      %swap3A_131 = vector.shape_cast %broadcast_in_dim3A_126 : vector<16xf32> to vector<1x16xf32>
      tpu.vector_store %arg11[%swap3A_127, %swap3A_128], %swap3A_131 {strides = array<i32>} : memref<64x128xf32, #tpu.memory_space<vmem>>, vector<1x16xf32>,
      %broadcast_in_dim3A_132 = arith.constant 0.000000e+00 : f32
      %broadcast_in_dim3A_133 = vector.broadcast %broadcast_in_dim3A_132 : f32 to vector<16xf32>
      %swap3A_134 = arith.index_cast %scan3A_119 : i32 to index
      %swap3A_135 = arith.constant 32 : index
      %swap3A_136 = tpu.vector_load %arg11[%swap3A_134, %swap3A_135] {strides = array<i32>} : memref<64x128xf32, #tpu.memory_space<vmem>>, vector<1x16xf32>,
      %swap3A_137 = vector.shape_cast %swap3A_136 : vector<1x16xf32> to vector<16xf32>
      %swap3A_138 = vector.shape_cast %broadcast_in_dim3A_133 : vector<16xf32> to vector<1x16xf32>
      tpu.vector_store %arg11[%swap3A_134, %swap3A_135], %swap3A_138 {strides = array<i32>} : memref<64x128xf32, #tpu.memory_space<vmem>>, vector<1x16xf32>,
      %broadcast_in_dim3A_139 = arith.constant 0.000000e+00 : f32
      %broadcast_in_dim3A_140 = vector.broadcast %broadcast_in_dim3A_139 : f32 to vector<16xf32>
      %swap3A_141 = arith.index_cast %scan3A_119 : i32 to index
      %swap3A_142 = arith.constant 48 : index
      %swap3A_143 = tpu.vector_load %arg11[%swap3A_141, %swap3A_142] {strides = array<i32>} : memref<64x128xf32, #tpu.memory_space<vmem>>, vector<1x16xf32>,
      %swap3A_144 = vector.shape_cast %swap3A_143 : vector<1x16xf32> to vector<16xf32>
      %swap3A_145 = vector.shape_cast %broadcast_in_dim3A_140 : vector<16xf32> to vector<1x16xf32>
      tpu.vector_store %arg11[%swap3A_141, %swap3A_142], %swap3A_145 {strides = array<i32>} : memref<64x128xf32, #tpu.memory_space<vmem>>, vector<1x16xf32>,
      %broadcast_in_dim3A_146 = arith.constant 0.000000e+00 : f32
      %broadcast_in_dim3A_147 = vector.broadcast %broadcast_in_dim3A_146 : f32 to vector<16xf32>
      %swap3A_148 = arith.index_cast %scan3A_119 : i32 to index
      %swap3A_149 = arith.constant 64 : index
      %swap3A_150 = tpu.vector_load %arg11[%swap3A_148, %swap3A_149] {strides = array<i32>} : memref<64x128xf32, #tpu.memory_space<vmem>>, vector<1x16xf32>,
      %swap3A_151 = vector.shape_cast %swap3A_150 : vector<1x16xf32> to vector<16xf32>
      %swap3A_152 = vector.shape_cast %broadcast_in_dim3A_147 : vector<16xf32> to vector<1x16xf32>
      tpu.vector_store %arg11[%swap3A_148, %swap3A_149], %swap3A_152 {strides = array<i32>} : memref<64x128xf32, #tpu.memory_space<vmem>>, vector<1x16xf32>,
      %broadcast_in_dim3A_153 = arith.constant 0.000000e+00 : f32
      %broadcast_in_dim3A_154 = vector.broadcast %broadcast_in_dim3A_153 : f32 to vector<16xf32>
      %swap3A_155 = arith.index_cast %scan3A_119 : i32 to index
      %swap3A_156 = arith.constant 80 : index
      %swap3A_157 = tpu.vector_load %arg11[%swap3A_155, %swap3A_156] {strides = array<i32>} : memref<64x128xf32, #tpu.memory_space<vmem>>, vector<1x16xf32>,
      %swap3A_158 = vector.shape_cast %swap3A_157 : vector<1x16xf32> to vector<16xf32>
      %swap3A_159 = vector.shape_cast %broadcast_in_dim3A_154 : vector<16xf32> to vector<1x16xf32>
      tpu.vector_store %arg11[%swap3A_155, %swap3A_156], %swap3A_159 {strides = array<i32>} : memref<64x128xf32, #tpu.memory_space<vmem>>, vector<1x16xf32>,
      %broadcast_in_dim3A_160 = arith.constant 0.000000e+00 : f32
      %broadcast_in_dim3A_161 = vector.broadcast %broadcast_in_dim3A_160 : f32 to vector<16xf32>
      %swap3A_162 = arith.index_cast %scan3A_119 : i32 to index
      %swap3A_163 = arith.constant 96 : index
      %swap3A_164 = tpu.vector_load %arg11[%swap3A_162, %swap3A_163] {strides = array<i32>} : memref<64x128xf32, #tpu.memory_space<vmem>>, vector<1x16xf32>,
      %swap3A_165 = vector.shape_cast %swap3A_164 : vector<1x16xf32> to vector<16xf32>
      %swap3A_166 = vector.shape_cast %broadcast_in_dim3A_161 : vector<16xf32> to vector<1x16xf32>
      tpu.vector_store %arg11[%swap3A_162, %swap3A_163], %swap3A_166 {strides = array<i32>} : memref<64x128xf32, #tpu.memory_space<vmem>>, vector<1x16xf32>,
      %broadcast_in_dim3A_167 = arith.constant 0.000000e+00 : f32
      %broadcast_in_dim3A_168 = vector.broadcast %broadcast_in_dim3A_167 : f32 to vector<16xf32>
      %swap3A_169 = arith.index_cast %scan3A_119 : i32 to index
      %swap3A_170 = arith.constant 112 : index
      %swap3A_171 = tpu.vector_load %arg11[%swap3A_169, %swap3A_170] {strides = array<i32>} : memref<64x128xf32, #tpu.memory_space<vmem>>, vector<1x16xf32>,
      %swap3A_172 = vector.shape_cast %swap3A_171 : vector<1x16xf32> to vector<16xf32>
      %swap3A_173 = vector.shape_cast %broadcast_in_dim3A_168 : vector<16xf32> to vector<1x16xf32>
      tpu.vector_store %arg11[%swap3A_169, %swap3A_170], %swap3A_173 {strides = array<i32>} : memref<64x128xf32, #tpu.memory_space<vmem>>, vector<1x16xf32>,
    }
    %scan3A_7 = arith.constant 64 : i32
    %mul3A_8 = arith.constant 640 : i32
    %mul3A_9 = arith.muli %arg1, %mul3A_8 : i32
    %add3A_10 = arith.constant 0 : i32
    %add3A_11 = arith.addi %mul3A_9, %add3A_10 : i32
    %multiple_of3A = tpu.assume_multiple %add3A_11, 8 : i32
    "tpu.region"() ({
      %run_scoped3A = tpu.sem_alloc : memref<!tpu.dma_semaphore, #tpu.memory_space<semaphore_mem>>
      %dma_start3A_119 = arith.constant 0 : i32
      %dma_start3A_120 = tpu.memref_slice %arg12[%multiple_of3A, %dma_start3A_119] : memref<10240x128xf32, #tpu.memory_space<vmem_shared>> -> memref<64x128xf32, #tpu.memory_space<vmem_shared>>
      %dma_start3A_121 = arith.constant 0 : i32
      %dma_start3A_122 = tpu.memref_slice %arg12[%multiple_of3A, %dma_start3A_121] : memref<10240x128xf32, #tpu.memory_space<vmem_shared>> -> memref<64x128xf32, #tpu.memory_space<vmem_shared>>
      tpu.enqueue_dma source(%arg11 : memref<64x128xf32, #tpu.memory_space<vmem>>) target(%dma_start3A_122 : memref<64x128xf32, #tpu.memory_space<vmem_shared>>) target_semaphore(%run_scoped3A : memref<!tpu.dma_semaphore, #tpu.memory_space<semaphore_mem>>)
      %dma_wait3A_123 = arith.constant 0 : i32
      %dma_wait3A_124 = tpu.memref_slice %arg12[%multiple_of3A, %dma_wait3A_123] : memref<10240x128xf32, #tpu.memory_space<vmem_shared>> -> memref<64x128xf32, #tpu.memory_space<vmem_shared>>
      %dma_wait3A_125 = arith.constant 0 : i32
      %dma_wait3A_126 = tpu.memref_slice %arg12[%multiple_of3A, %dma_wait3A_125] : memref<10240x128xf32, #tpu.memory_space<vmem_shared>> -> memref<64x128xf32, #tpu.memory_space<vmem_shared>>
      tpu.wait_dma2 semaphore(%run_scoped3A : memref<!tpu.dma_semaphore, #tpu.memory_space<semaphore_mem>>) src(%arg11 : memref<64x128xf32, #tpu.memory_space<vmem>>) dst(%dma_wait3A_126 : memref<64x128xf32, #tpu.memory_space<vmem_shared>>)
      tpu.yield
    }) : () -> ()
    %mul3A_12 = arith.constant 640 : i32
    %mul3A_13 = arith.muli %arg1, %mul3A_12 : i32
    %add3A_14 = arith.constant 64 : i32
    %add3A_15 = arith.addi %mul3A_13, %add3A_14 : i32
    %multiple_of3A_16 = tpu.assume_multiple %add3A_15, 8 : i32
    "tpu.region"() ({
      %run_scoped3A = tpu.sem_alloc : memref<!tpu.dma_semaphore, #tpu.memory_space<semaphore_mem>>
      %dma_start3A_119 = arith.constant 0 : i32
      %dma_start3A_120 = tpu.memref_slice %arg12[%multiple_of3A_16, %dma_start3A_119] : memref<10240x128xf32, #tpu.memory_space<vmem_shared>> -> memref<64x128xf32, #tpu.memory_space<vmem_shared>>
      %dma_start3A_121 = arith.constant 0 : i32
      %dma_start3A_122 = tpu.memref_slice %arg12[%multiple_of3A_16, %dma_start3A_121] : memref<10240x128xf32, #tpu.memory_space<vmem_shared>> -> memref<64x128xf32, #tpu.memory_space<vmem_shared>>
      tpu.enqueue_dma source(%arg11 : memref<64x128xf32, #tpu.memory_space<vmem>>) target(%dma_start3A_122 : memref<64x128xf32, #tpu.memory_space<vmem_shared>>) target_semaphore(%run_scoped3A : memref<!tpu.dma_semaphore, #tpu.memory_space<semaphore_mem>>)
      %dma_wait3A_123 = arith.constant 0 : i32
      %dma_wait3A_124 = tpu.memref_slice %arg12[%multiple_of3A_16, %dma_wait3A_123] : memref<10240x128xf32, #tpu.memory_space<vmem_shared>> -> memref<64x128xf32, #tpu.memory_space<vmem_shared>>
      %dma_wait3A_125 = arith.constant 0 : i32
      %dma_wait3A_126 = tpu.memref_slice %arg12[%multiple_of3A_16, %dma_wait3A_125] : memref<10240x128xf32, #tpu.memory_space<vmem_shared>> -> memref<64x128xf32, #tpu.memory_space<vmem_shared>>
      tpu.wait_dma2 semaphore(%run_scoped3A : memref<!tpu.dma_semaphore, #tpu.memory_space<semaphore_mem>>) src(%arg11 : memref<64x128xf32, #tpu.memory_space<vmem>>) dst(%dma_wait3A_126 : memref<64x128xf32, #tpu.memory_space<vmem_shared>>)
      tpu.yield
    }) : () -> ()
    %mul3A_17 = arith.constant 640 : i32
    %mul3A_18 = arith.muli %arg1, %mul3A_17 : i32
    %add3A_19 = arith.constant 128 : i32
    %add3A_20 = arith.addi %mul3A_18, %add3A_19 : i32
    %multiple_of3A_21 = tpu.assume_multiple %add3A_20, 8 : i32
    "tpu.region"() ({
      %run_scoped3A = tpu.sem_alloc : memref<!tpu.dma_semaphore, #tpu.memory_space<semaphore_mem>>
      %dma_start3A_119 = arith.constant 0 : i32
      %dma_start3A_120 = tpu.memref_slice %arg12[%multiple_of3A_21, %dma_start3A_119] : memref<10240x128xf32, #tpu.memory_space<vmem_shared>> -> memref<64x128xf32, #tpu.memory_space<vmem_shared>>
      %dma_start3A_121 = arith.constant 0 : i32
      %dma_start3A_122 = tpu.memref_slice %arg12[%multiple_of3A_21, %dma_start3A_121] : memref<10240x128xf32, #tpu.memory_space<vmem_shared>> -> memref<64x128xf32, #tpu.memory_space<vmem_shared>>
      tpu.enqueue_dma source(%arg11 : memref<64x128xf32, #tpu.memory_space<vmem>>) target(%dma_start3A_122 : memref<64x128xf32, #tpu.memory_space<vmem_shared>>) target_semaphore(%run_scoped3A : memref<!tpu.dma_semaphore, #tpu.memory_space<semaphore_mem>>)
      %dma_wait3A_123 = arith.constant 0 : i32
      %dma_wait3A_124 = tpu.memref_slice %arg12[%multiple_of3A_21, %dma_wait3A_123] : memref<10240x128xf32, #tpu.memory_space<vmem_shared>> -> memref<64x128xf32, #tpu.memory_space<vmem_shared>>
      %dma_wait3A_125 = arith.constant 0 : i32
      %dma_wait3A_126 = tpu.memref_slice %arg12[%multiple_of3A_21, %dma_wait3A_125] : memref<10240x128xf32, #tpu.memory_space<vmem_shared>> -> memref<64x128xf32, #tpu.memory_space<vmem_shared>>
      tpu.wait_dma2 semaphore(%run_scoped3A : memref<!tpu.dma_semaphore, #tpu.memory_space<semaphore_mem>>) src(%arg11 : memref<64x128xf32, #tpu.memory_space<vmem>>) dst(%dma_wait3A_126 : memref<64x128xf32, #tpu.memory_space<vmem_shared>>)
      tpu.yield
    }) : () -> ()
    %mul3A_22 = arith.constant 640 : i32
    %mul3A_23 = arith.muli %arg1, %mul3A_22 : i32
    %add3A_24 = arith.constant 192 : i32
    %add3A_25 = arith.addi %mul3A_23, %add3A_24 : i32
    %multiple_of3A_26 = tpu.assume_multiple %add3A_25, 8 : i32
    "tpu.region"() ({
      %run_scoped3A = tpu.sem_alloc : memref<!tpu.dma_semaphore, #tpu.memory_space<semaphore_mem>>
      %dma_start3A_119 = arith.constant 0 : i32
      %dma_start3A_120 = tpu.memref_slice %arg12[%multiple_of3A_26, %dma_start3A_119] : memref<10240x128xf32, #tpu.memory_space<vmem_shared>> -> memref<64x128xf32, #tpu.memory_space<vmem_shared>>
      %dma_start3A_121 = arith.constant 0 : i32
      %dma_start3A_122 = tpu.memref_slice %arg12[%multiple_of3A_26, %dma_start3A_121] : memref<10240x128xf32, #tpu.memory_space<vmem_shared>> -> memref<64x128xf32, #tpu.memory_space<vmem_shared>>
      tpu.enqueue_dma source(%arg11 : memref<64x128xf32, #tpu.memory_space<vmem>>) target(%dma_start3A_122 : memref<64x128xf32, #tpu.memory_space<vmem_shared>>) target_semaphore(%run_scoped3A : memref<!tpu.dma_semaphore, #tpu.memory_space<semaphore_mem>>)
      %dma_wait3A_123 = arith.constant 0 : i32
      %dma_wait3A_124 = tpu.memref_slice %arg12[%multiple_of3A_26, %dma_wait3A_123] : memref<10240x128xf32, #tpu.memory_space<vmem_shared>> -> memref<64x128xf32, #tpu.memory_space<vmem_shared>>
      %dma_wait3A_125 = arith.constant 0 : i32
      %dma_wait3A_126 = tpu.memref_slice %arg12[%multiple_of3A_26, %dma_wait3A_125] : memref<10240x128xf32, #tpu.memory_space<vmem_shared>> -> memref<64x128xf32, #tpu.memory_space<vmem_shared>>
      tpu.wait_dma2 semaphore(%run_scoped3A : memref<!tpu.dma_semaphore, #tpu.memory_space<semaphore_mem>>) src(%arg11 : memref<64x128xf32, #tpu.memory_space<vmem>>) dst(%dma_wait3A_126 : memref<64x128xf32, #tpu.memory_space<vmem_shared>>)
      tpu.yield
    }) : () -> ()
    %mul3A_27 = arith.constant 640 : i32
    %mul3A_28 = arith.muli %arg1, %mul3A_27 : i32
    %add3A_29 = arith.constant 256 : i32
    %add3A_30 = arith.addi %mul3A_28, %add3A_29 : i32
    %multiple_of3A_31 = tpu.assume_multiple %add3A_30, 8 : i32
    "tpu.region"() ({
      %run_scoped3A = tpu.sem_alloc : memref<!tpu.dma_semaphore, #tpu.memory_space<semaphore_mem>>
      %dma_start3A_119 = arith.constant 0 : i32
      %dma_start3A_120 = tpu.memref_slice %arg12[%multiple_of3A_31, %dma_start3A_119] : memref<10240x128xf32, #tpu.memory_space<vmem_shared>> -> memref<64x128xf32, #tpu.memory_space<vmem_shared>>
      %dma_start3A_121 = arith.constant 0 : i32
      %dma_start3A_122 = tpu.memref_slice %arg12[%multiple_of3A_31, %dma_start3A_121] : memref<10240x128xf32, #tpu.memory_space<vmem_shared>> -> memref<64x128xf32, #tpu.memory_space<vmem_shared>>
      tpu.enqueue_dma source(%arg11 : memref<64x128xf32, #tpu.memory_space<vmem>>) target(%dma_start3A_122 : memref<64x128xf32, #tpu.memory_space<vmem_shared>>) target_semaphore(%run_scoped3A : memref<!tpu.dma_semaphore, #tpu.memory_space<semaphore_mem>>)
      %dma_wait3A_123 = arith.constant 0 : i32
      %dma_wait3A_124 = tpu.memref_slice %arg12[%multiple_of3A_31, %dma_wait3A_123] : memref<10240x128xf32, #tpu.memory_space<vmem_shared>> -> memref<64x128xf32, #tpu.memory_space<vmem_shared>>
      %dma_wait3A_125 = arith.constant 0 : i32
      %dma_wait3A_126 = tpu.memref_slice %arg12[%multiple_of3A_31, %dma_wait3A_125] : memref<10240x128xf32, #tpu.memory_space<vmem_shared>> -> memref<64x128xf32, #tpu.memory_space<vmem_shared>>
      tpu.wait_dma2 semaphore(%run_scoped3A : memref<!tpu.dma_semaphore, #tpu.memory_space<semaphore_mem>>) src(%arg11 : memref<64x128xf32, #tpu.memory_space<vmem>>) dst(%dma_wait3A_126 : memref<64x128xf32, #tpu.memory_space<vmem_shared>>)
      tpu.yield
    }) : () -> ()
    %mul3A_32 = arith.constant 640 : i32
    %mul3A_33 = arith.muli %arg1, %mul3A_32 : i32
    %add3A_34 = arith.constant 320 : i32
    %add3A_35 = arith.addi %mul3A_33, %add3A_34 : i32
    %multiple_of3A_36 = tpu.assume_multiple %add3A_35, 8 : i32
    "tpu.region"() ({
      %run_scoped3A = tpu.sem_alloc : memref<!tpu.dma_semaphore, #tpu.memory_space<semaphore_mem>>
      %dma_start3A_119 = arith.constant 0 : i32
      %dma_start3A_120 = tpu.memref_slice %arg12[%multiple_of3A_36, %dma_start3A_119] : memref<10240x128xf32, #tpu.memory_space<vmem_shared>> -> memref<64x128xf32, #tpu.memory_space<vmem_shared>>
      %dma_start3A_121 = arith.constant 0 : i32
      %dma_start3A_122 = tpu.memref_slice %arg12[%multiple_of3A_36, %dma_start3A_121] : memref<10240x128xf32, #tpu.memory_space<vmem_shared>> -> memref<64x128xf32, #tpu.memory_space<vmem_shared>>
      tpu.enqueue_dma source(%arg11 : memref<64x128xf32, #tpu.memory_space<vmem>>) target(%dma_start3A_122 : memref<64x128xf32, #tpu.memory_space<vmem_shared>>) target_semaphore(%run_scoped3A : memref<!tpu.dma_semaphore, #tpu.memory_space<semaphore_mem>>)
      %dma_wait3A_123 = arith.constant 0 : i32
      %dma_wait3A_124 = tpu.memref_slice %arg12[%multiple_of3A_36, %dma_wait3A_123] : memref<10240x128xf32, #tpu.memory_space<vmem_shared>> -> memref<64x128xf32, #tpu.memory_space<vmem_shared>>
      %dma_wait3A_125 = arith.constant 0 : i32
      %dma_wait3A_126 = tpu.memref_slice %arg12[%multiple_of3A_36, %dma_wait3A_125] : memref<10240x128xf32, #tpu.memory_space<vmem_shared>> -> memref<64x128xf32, #tpu.memory_space<vmem_shared>>
      tpu.wait_dma2 semaphore(%run_scoped3A : memref<!tpu.dma_semaphore, #tpu.memory_space<semaphore_mem>>) src(%arg11 : memref<64x128xf32, #tpu.memory_space<vmem>>) dst(%dma_wait3A_126 : memref<64x128xf32, #tpu.memory_space<vmem_shared>>)
      tpu.yield
    }) : () -> ()
    %mul3A_37 = arith.constant 640 : i32
    %mul3A_38 = arith.muli %arg1, %mul3A_37 : i32
    %add3A_39 = arith.constant 384 : i32
    %add3A_40 = arith.addi %mul3A_38, %add3A_39 : i32
    %multiple_of3A_41 = tpu.assume_multiple %add3A_40, 8 : i32
    "tpu.region"() ({
      %run_scoped3A = tpu.sem_alloc : memref<!tpu.dma_semaphore, #tpu.memory_space<semaphore_mem>>
      %dma_start3A_119 = arith.constant 0 : i32
      %dma_start3A_120 = tpu.memref_slice %arg12[%multiple_of3A_41, %dma_start3A_119] : memref<10240x128xf32, #tpu.memory_space<vmem_shared>> -> memref<64x128xf32, #tpu.memory_space<vmem_shared>>
      %dma_start3A_121 = arith.constant 0 : i32
      %dma_start3A_122 = tpu.memref_slice %arg12[%multiple_of3A_41, %dma_start3A_121] : memref<10240x128xf32, #tpu.memory_space<vmem_shared>> -> memref<64x128xf32, #tpu.memory_space<vmem_shared>>
      tpu.enqueue_dma source(%arg11 : memref<64x128xf32, #tpu.memory_space<vmem>>) target(%dma_start3A_122 : memref<64x128xf32, #tpu.memory_space<vmem_shared>>) target_semaphore(%run_scoped3A : memref<!tpu.dma_semaphore, #tpu.memory_space<semaphore_mem>>)
      %dma_wait3A_123 = arith.constant 0 : i32
      %dma_wait3A_124 = tpu.memref_slice %arg12[%multiple_of3A_41, %dma_wait3A_123] : memref<10240x128xf32, #tpu.memory_space<vmem_shared>> -> memref<64x128xf32, #tpu.memory_space<vmem_shared>>
      %dma_wait3A_125 = arith.constant 0 : i32
      %dma_wait3A_126 = tpu.memref_slice %arg12[%multiple_of3A_41, %dma_wait3A_125] : memref<10240x128xf32, #tpu.memory_space<vmem_shared>> -> memref<64x128xf32, #tpu.memory_space<vmem_shared>>
      tpu.wait_dma2 semaphore(%run_scoped3A : memref<!tpu.dma_semaphore, #tpu.memory_space<semaphore_mem>>) src(%arg11 : memref<64x128xf32, #tpu.memory_space<vmem>>) dst(%dma_wait3A_126 : memref<64x128xf32, #tpu.memory_space<vmem_shared>>)
      tpu.yield
    }) : () -> ()
    %mul3A_42 = arith.constant 640 : i32
    %mul3A_43 = arith.muli %arg1, %mul3A_42 : i32
    %add3A_44 = arith.constant 448 : i32
    %add3A_45 = arith.addi %mul3A_43, %add3A_44 : i32
    %multiple_of3A_46 = tpu.assume_multiple %add3A_45, 8 : i32
    "tpu.region"() ({
      %run_scoped3A = tpu.sem_alloc : memref<!tpu.dma_semaphore, #tpu.memory_space<semaphore_mem>>
      %dma_start3A_119 = arith.constant 0 : i32
      %dma_start3A_120 = tpu.memref_slice %arg12[%multiple_of3A_46, %dma_start3A_119] : memref<10240x128xf32, #tpu.memory_space<vmem_shared>> -> memref<64x128xf32, #tpu.memory_space<vmem_shared>>
      %dma_start3A_121 = arith.constant 0 : i32
      %dma_start3A_122 = tpu.memref_slice %arg12[%multiple_of3A_46, %dma_start3A_121] : memref<10240x128xf32, #tpu.memory_space<vmem_shared>> -> memref<64x128xf32, #tpu.memory_space<vmem_shared>>
      tpu.enqueue_dma source(%arg11 : memref<64x128xf32, #tpu.memory_space<vmem>>) target(%dma_start3A_122 : memref<64x128xf32, #tpu.memory_space<vmem_shared>>) target_semaphore(%run_scoped3A : memref<!tpu.dma_semaphore, #tpu.memory_space<semaphore_mem>>)
      %dma_wait3A_123 = arith.constant 0 : i32
      %dma_wait3A_124 = tpu.memref_slice %arg12[%multiple_of3A_46, %dma_wait3A_123] : memref<10240x128xf32, #tpu.memory_space<vmem_shared>> -> memref<64x128xf32, #tpu.memory_space<vmem_shared>>
      %dma_wait3A_125 = arith.constant 0 : i32
      %dma_wait3A_126 = tpu.memref_slice %arg12[%multiple_of3A_46, %dma_wait3A_125] : memref<10240x128xf32, #tpu.memory_space<vmem_shared>> -> memref<64x128xf32, #tpu.memory_space<vmem_shared>>
      tpu.wait_dma2 semaphore(%run_scoped3A : memref<!tpu.dma_semaphore, #tpu.memory_space<semaphore_mem>>) src(%arg11 : memref<64x128xf32, #tpu.memory_space<vmem>>) dst(%dma_wait3A_126 : memref<64x128xf32, #tpu.memory_space<vmem_shared>>)
      tpu.yield
    }) : () -> ()
    %mul3A_47 = arith.constant 640 : i32
    %mul3A_48 = arith.muli %arg1, %mul3A_47 : i32
    %add3A_49 = arith.constant 512 : i32
    %add3A_50 = arith.addi %mul3A_48, %add3A_49 : i32
    %multiple_of3A_51 = tpu.assume_multiple %add3A_50, 8 : i32
    "tpu.region"() ({
      %run_scoped3A = tpu.sem_alloc : memref<!tpu.dma_semaphore, #tpu.memory_space<semaphore_mem>>
      %dma_start3A_119 = arith.constant 0 : i32
      %dma_start3A_120 = tpu.memref_slice %arg12[%multiple_of3A_51, %dma_start3A_119] : memref<10240x128xf32, #tpu.memory_space<vmem_shared>> -> memref<64x128xf32, #tpu.memory_space<vmem_shared>>
      %dma_start3A_121 = arith.constant 0 : i32
      %dma_start3A_122 = tpu.memref_slice %arg12[%multiple_of3A_51, %dma_start3A_121] : memref<10240x128xf32, #tpu.memory_space<vmem_shared>> -> memref<64x128xf32, #tpu.memory_space<vmem_shared>>
      tpu.enqueue_dma source(%arg11 : memref<64x128xf32, #tpu.memory_space<vmem>>) target(%dma_start3A_122 : memref<64x128xf32, #tpu.memory_space<vmem_shared>>) target_semaphore(%run_scoped3A : memref<!tpu.dma_semaphore, #tpu.memory_space<semaphore_mem>>)
      %dma_wait3A_123 = arith.constant 0 : i32
      %dma_wait3A_124 = tpu.memref_slice %arg12[%multiple_of3A_51, %dma_wait3A_123] : memref<10240x128xf32, #tpu.memory_space<vmem_shared>> -> memref<64x128xf32, #tpu.memory_space<vmem_shared>>
      %dma_wait3A_125 = arith.constant 0 : i32
      %dma_wait3A_126 = tpu.memref_slice %arg12[%multiple_of3A_51, %dma_wait3A_125] : memref<10240x128xf32, #tpu.memory_space<vmem_shared>> -> memref<64x128xf32, #tpu.memory_space<vmem_shared>>
      tpu.wait_dma2 semaphore(%run_scoped3A : memref<!tpu.dma_semaphore, #tpu.memory_space<semaphore_mem>>) src(%arg11 : memref<64x128xf32, #tpu.memory_space<vmem>>) dst(%dma_wait3A_126 : memref<64x128xf32, #tpu.memory_space<vmem_shared>>)
      tpu.yield
    }) : () -> ()
    %mul3A_52 = arith.constant 640 : i32
    %mul3A_53 = arith.muli %arg1, %mul3A_52 : i32
    %add3A_54 = arith.constant 576 : i32
    %add3A_55 = arith.addi %mul3A_53, %add3A_54 : i32
    %multiple_of3A_56 = tpu.assume_multiple %add3A_55, 8 : i32
    "tpu.region"() ({
      %run_scoped3A = tpu.sem_alloc : memref<!tpu.dma_semaphore, #tpu.memory_space<semaphore_mem>>
      %dma_start3A_119 = arith.constant 0 : i32
      %dma_start3A_120 = tpu.memref_slice %arg12[%multiple_of3A_56, %dma_start3A_119] : memref<10240x128xf32, #tpu.memory_space<vmem_shared>> -> memref<64x128xf32, #tpu.memory_space<vmem_shared>>
      %dma_start3A_121 = arith.constant 0 : i32
      %dma_start3A_122 = tpu.memref_slice %arg12[%multiple_of3A_56, %dma_start3A_121] : memref<10240x128xf32, #tpu.memory_space<vmem_shared>> -> memref<64x128xf32, #tpu.memory_space<vmem_shared>>
      tpu.enqueue_dma source(%arg11 : memref<64x128xf32, #tpu.memory_space<vmem>>) target(%dma_start3A_122 : memref<64x128xf32, #tpu.memory_space<vmem_shared>>) target_semaphore(%run_scoped3A : memref<!tpu.dma_semaphore, #tpu.memory_space<semaphore_mem>>)
      %dma_wait3A_123 = arith.constant 0 : i32
      %dma_wait3A_124 = tpu.memref_slice %arg12[%multiple_of3A_56, %dma_wait3A_123] : memref<10240x128xf32, #tpu.memory_space<vmem_shared>> -> memref<64x128xf32, #tpu.memory_space<vmem_shared>>
      %dma_wait3A_125 = arith.constant 0 : i32
      %dma_wait3A_126 = tpu.memref_slice %arg12[%multiple_of3A_56, %dma_wait3A_125] : memref<10240x128xf32, #tpu.memory_space<vmem_shared>> -> memref<64x128xf32, #tpu.memory_space<vmem_shared>>
      tpu.wait_dma2 semaphore(%run_scoped3A : memref<!tpu.dma_semaphore, #tpu.memory_space<semaphore_mem>>) src(%arg11 : memref<64x128xf32, #tpu.memory_space<vmem>>) dst(%dma_wait3A_126 : memref<64x128xf32, #tpu.memory_space<vmem_shared>>)
      tpu.yield
    }) : () -> ()
    %barrier3A = arith.constant 0 : index
    tpu.barrier barrier_id(%barrier3A)
    %add3A_57 = arith.constant 0 : i32
    %add3A_58 = arith.addi %mul3A_2, %add3A_57 : i32
    %multiple_of3A_59 = tpu.assume_multiple %add3A_58, 8 : i32
    %dma_start3A = arith.constant 0 : i32
    %dma_start3A_60 = tpu.memref_slice %arg2[%multiple_of3A_59, %dma_start3A] : memref<163840x128xf32, #tpu.memory_space<hbm>> -> memref<128x128xf32, #tpu.memory_space<hbm>>
    %dma_start3A_61 = arith.constant 0 : i32
    %dma_start3A_62 = tpu.memref_slice %arg2[%multiple_of3A_59, %dma_start3A_61] : memref<163840x128xf32, #tpu.memory_space<hbm>> -> memref<128x128xf32, #tpu.memory_space<hbm>>
    tpu.enqueue_dma source(%dma_start3A_62 : memref<128x128xf32, #tpu.memory_space<hbm>>) target(%arg9 : memref<128x128xf32, #tpu.memory_space<vmem>>) target_semaphore(%arg13 : memref<!tpu.dma_semaphore, #tpu.memory_space<semaphore_mem>>)
    %dma_start3A_63 = tpu.memref_slice %arg3[%multiple_of3A_59] : memref<163840xi32, #tpu.memory_space<hbm>> -> memref<128xi32, #tpu.memory_space<hbm>>
    %dma_start3A_64 = tpu.memref_slice %arg3[%multiple_of3A_59] : memref<163840xi32, #tpu.memory_space<hbm>> -> memref<128xi32, #tpu.memory_space<hbm>>
    tpu.enqueue_dma source(%dma_start3A_64 : memref<128xi32, #tpu.memory_space<hbm>>) target(%arg7 : memref<128xi32, #tpu.memory_space<vmem>>) target_semaphore(%arg13 : memref<!tpu.dma_semaphore, #tpu.memory_space<semaphore_mem>>)
    %add3A_65 = arith.constant 128 : i32
    %add3A_66 = arith.addi %mul3A_2, %add3A_65 : i32
    %multiple_of3A_67 = tpu.assume_multiple %add3A_66, 8 : i32
    %dma_start3A_68 = arith.constant 0 : i32
    %dma_start3A_69 = tpu.memref_slice %arg2[%multiple_of3A_67, %dma_start3A_68] : memref<163840x128xf32, #tpu.memory_space<hbm>> -> memref<128x128xf32, #tpu.memory_space<hbm>>
    %dma_start3A_70 = arith.constant 0 : i32
    %dma_start3A_71 = tpu.memref_slice %arg2[%multiple_of3A_67, %dma_start3A_70] : memref<163840x128xf32, #tpu.memory_space<hbm>> -> memref<128x128xf32, #tpu.memory_space<hbm>>
    tpu.enqueue_dma source(%dma_start3A_71 : memref<128x128xf32, #tpu.memory_space<hbm>>) target(%arg10 : memref<128x128xf32, #tpu.memory_space<vmem>>) target_semaphore(%arg14 : memref<!tpu.dma_semaphore, #tpu.memory_space<semaphore_mem>>)
    %dma_start3A_72 = tpu.memref_slice %arg3[%multiple_of3A_67] : memref<163840xi32, #tpu.memory_space<hbm>> -> memref<128xi32, #tpu.memory_space<hbm>>
    %dma_start3A_73 = tpu.memref_slice %arg3[%multiple_of3A_67] : memref<163840xi32, #tpu.memory_space<hbm>> -> memref<128xi32, #tpu.memory_space<hbm>>
    tpu.enqueue_dma source(%dma_start3A_73 : memref<128xi32, #tpu.memory_space<hbm>>) target(%arg8 : memref<128xi32, #tpu.memory_space<vmem>>) target_semaphore(%arg14 : memref<!tpu.dma_semaphore, #tpu.memory_space<semaphore_mem>>)
    %scan3A_74 = arith.constant 0 : i32
    %scan3A_75 = arith.constant 0 : i32
    %scan3A_76 = arith.constant 20 : i32
    %scan3A_77 = arith.addi %scan3A_75, %scan3A_76 : i32
    %scan3A_78 = arith.constant 1 : i32
    scf.for %scan3A_119 = %scan3A_75 to %scan3A_77 step %scan3A_78  : i32 {
      %mul3A_120 = arith.constant 2 : i32
      %mul3A_121 = arith.muli %mul3A_120, %scan3A_119 : i32
      %dma_wait3A_122 = arith.constant 0 : i32
      %dma_wait3A_123 = arith.constant 0 : i32
      %dma_wait3A_124 = tpu.memref_slice %arg2[%dma_wait3A_122, %dma_wait3A_123] : memref<163840x128xf32, #tpu.memory_space<hbm>> -> memref<128x128xf32, #tpu.memory_space<hbm>>
      %dma_wait3A_125 = arith.constant 0 : i32
      %dma_wait3A_126 = arith.constant 0 : i32
      %dma_wait3A_127 = tpu.memref_slice %arg2[%dma_wait3A_125, %dma_wait3A_126] : memref<163840x128xf32, #tpu.memory_space<hbm>> -> memref<128x128xf32, #tpu.memory_space<hbm>>
      tpu.wait_dma2 semaphore(%arg13 : memref<!tpu.dma_semaphore, #tpu.memory_space<semaphore_mem>>) src(%dma_wait3A_127 : memref<128x128xf32, #tpu.memory_space<hbm>>) dst(%arg9 : memref<128x128xf32, #tpu.memory_space<vmem>>)
      %dma_wait3A_128 = arith.constant 0 : i32
      %dma_wait3A_129 = tpu.memref_slice %arg3[%dma_wait3A_128] : memref<163840xi32, #tpu.memory_space<hbm>> -> memref<128xi32, #tpu.memory_space<hbm>>
      %dma_wait3A_130 = arith.constant 0 : i32
      %dma_wait3A_131 = tpu.memref_slice %arg3[%dma_wait3A_130] : memref<163840xi32, #tpu.memory_space<hbm>> -> memref<128xi32, #tpu.memory_space<hbm>>
      tpu.wait_dma2 semaphore(%arg13 : memref<!tpu.dma_semaphore, #tpu.memory_space<semaphore_mem>>) src(%dma_wait3A_131 : memref<128xi32, #tpu.memory_space<hbm>>) dst(%arg7 : memref<128xi32, #tpu.memory_space<vmem>>)
      %dma_start3A_132 = arith.constant 0 : i32
      %dma_start3A_133 = arith.constant 0 : i32
      %dma_start3A_134 = tpu.memref_slice %arg12[%dma_start3A_132, %dma_start3A_133] : memref<10240x128xf32, #tpu.memory_space<vmem_shared>> -> memref<10240x128xf32, #tpu.memory_space<vmem_shared>>
      tpu.enqueue_indirect_dma source(%arg9 : memref<128x128xf32, #tpu.memory_space<vmem>>) target(%dma_start3A_134 : memref<10240x128xf32, #tpu.memory_space<vmem_shared>>) offsets(%arg7 : memref<128xi32, #tpu.memory_space<vmem>>) semaphore(%arg15 : memref<!tpu.dma_semaphore, #tpu.memory_space<semaphore_mem>>) {add = true}
      %dma_wait3A_135 = arith.constant 0 : i32
      %dma_wait3A_136 = arith.constant 0 : i32
      %dma_wait3A_137 = tpu.memref_slice %arg2[%dma_wait3A_135, %dma_wait3A_136] : memref<163840x128xf32, #tpu.memory_space<hbm>> -> memref<128x128xf32, #tpu.memory_space<hbm>>
      %dma_wait3A_138 = arith.constant 0 : i32
      %dma_wait3A_139 = arith.constant 0 : i32
      %dma_wait3A_140 = tpu.memref_slice %arg2[%dma_wait3A_138, %dma_wait3A_139] : memref<163840x128xf32, #tpu.memory_space<hbm>> -> memref<128x128xf32, #tpu.memory_space<hbm>>
      tpu.wait_dma2 semaphore(%arg14 : memref<!tpu.dma_semaphore, #tpu.memory_space<semaphore_mem>>) src(%dma_wait3A_140 : memref<128x128xf32, #tpu.memory_space<hbm>>) dst(%arg10 : memref<128x128xf32, #tpu.memory_space<vmem>>)
      %dma_wait3A_141 = arith.constant 0 : i32
      %dma_wait3A_142 = tpu.memref_slice %arg3[%dma_wait3A_141] : memref<163840xi32, #tpu.memory_space<hbm>> -> memref<128xi32, #tpu.memory_space<hbm>>
      %dma_wait3A_143 = arith.constant 0 : i32
      %dma_wait3A_144 = tpu.memref_slice %arg3[%dma_wait3A_143] : memref<163840xi32, #tpu.memory_space<hbm>> -> memref<128xi32, #tpu.memory_space<hbm>>
      tpu.wait_dma2 semaphore(%arg14 : memref<!tpu.dma_semaphore, #tpu.memory_space<semaphore_mem>>) src(%dma_wait3A_144 : memref<128xi32, #tpu.memory_space<hbm>>) dst(%arg8 : memref<128xi32, #tpu.memory_space<vmem>>)
      %dma_start3A_145 = arith.constant 0 : i32
      %dma_start3A_146 = arith.constant 0 : i32
      %dma_start3A_147 = tpu.memref_slice %arg12[%dma_start3A_145, %dma_start3A_146] : memref<10240x128xf32, #tpu.memory_space<vmem_shared>> -> memref<10240x128xf32, #tpu.memory_space<vmem_shared>>
      tpu.enqueue_indirect_dma source(%arg10 : memref<128x128xf32, #tpu.memory_space<vmem>>) target(%dma_start3A_147 : memref<10240x128xf32, #tpu.memory_space<vmem_shared>>) offsets(%arg8 : memref<128xi32, #tpu.memory_space<vmem>>) semaphore(%arg16 : memref<!tpu.dma_semaphore, #tpu.memory_space<semaphore_mem>>) {add = true}
      %add3A_148 = arith.constant 2 : i32
      %add3A_149 = arith.addi %mul3A_121, %add3A_148 : i32
      %lt3A = arith.constant 40 : i32
      %lt3A_150 = arith.cmpi slt, %add3A_149, %lt3A : i32
      %convert_element_type3A = arith.extui %lt3A_150 : i1 to i32
      %cond3A = arith.constant 0 : i32
      %cond3A_151 = arith.cmpi ne, %convert_element_type3A, %cond3A : i32
      scf.if %cond3A_151 {
        %dma_wait3A_159 = arith.constant 0 : i32
        %dma_wait3A_160 = arith.constant 0 : i32
        %dma_wait3A_161 = tpu.memref_slice %arg12[%dma_wait3A_159, %dma_wait3A_160] : memref<10240x128xf32, #tpu.memory_space<vmem_shared>> -> memref<10240x128xf32, #tpu.memory_space<vmem_shared>>
        tpu.wait_indirect_dma semaphore(%arg15 : memref<!tpu.dma_semaphore, #tpu.memory_space<semaphore_mem>>) src(%arg9 : memref<128x128xf32, #tpu.memory_space<vmem>>) dst(%dma_wait3A_161 : memref<10240x128xf32, #tpu.memory_space<vmem_shared>>)
        %add3A_162 = arith.constant 2 : i32
        %add3A_163 = arith.addi %mul3A_121, %add3A_162 : i32
        %mul3A_164 = arith.constant 128 : i32
        %mul3A_165 = arith.muli %add3A_163, %mul3A_164 : i32
        %add3A_166 = arith.addi %mul3A_2, %mul3A_165 : i32
        %multiple_of3A_167 = tpu.assume_multiple %add3A_166, 8 : i32
        %dma_start3A_168 = arith.constant 0 : i32
        %dma_start3A_169 = tpu.memref_slice %arg2[%multiple_of3A_167, %dma_start3A_168] : memref<163840x128xf32, #tpu.memory_space<hbm>> -> memref<128x128xf32, #tpu.memory_space<hbm>>
        %dma_start3A_170 = arith.constant 0 : i32
        %dma_start3A_171 = tpu.memref_slice %arg2[%multiple_of3A_167, %dma_start3A_170] : memref<163840x128xf32, #tpu.memory_space<hbm>> -> memref<128x128xf32, #tpu.memory_space<hbm>>
        tpu.enqueue_dma source(%dma_start3A_171 : memref<128x128xf32, #tpu.memory_space<hbm>>) target(%arg9 : memref<128x128xf32, #tpu.memory_space<vmem>>) target_semaphore(%arg13 : memref<!tpu.dma_semaphore, #tpu.memory_space<semaphore_mem>>)
        %dma_start3A_172 = tpu.memref_slice %arg3[%multiple_of3A_167] : memref<163840xi32, #tpu.memory_space<hbm>> -> memref<128xi32, #tpu.memory_space<hbm>>
        %dma_start3A_173 = tpu.memref_slice %arg3[%multiple_of3A_167] : memref<163840xi32, #tpu.memory_space<hbm>> -> memref<128xi32, #tpu.memory_space<hbm>>
        tpu.enqueue_dma source(%dma_start3A_173 : memref<128xi32, #tpu.memory_space<hbm>>) target(%arg7 : memref<128xi32, #tpu.memory_space<vmem>>) target_semaphore(%arg13 : memref<!tpu.dma_semaphore, #tpu.memory_space<semaphore_mem>>)
      } else {
      }
      %add3A_152 = arith.constant 3 : i32
      %add3A_153 = arith.addi %mul3A_121, %add3A_152 : i32
      %lt3A_154 = arith.constant 40 : i32
      %lt3A_155 = arith.cmpi slt, %add3A_153, %lt3A_154 : i32
      %convert_element_type3A_156 = arith.extui %lt3A_155 : i1 to i32
      %cond3A_157 = arith.constant 0 : i32
      %cond3A_158 = arith.cmpi ne, %convert_element_type3A_156, %cond3A_157 : i32
      scf.if %cond3A_158 {
        %dma_wait3A_159 = arith.constant 0 : i32
        %dma_wait3A_160 = arith.constant 0 : i32
        %dma_wait3A_161 = tpu.memref_slice %arg12[%dma_wait3A_159, %dma_wait3A_160] : memref<10240x128xf32, #tpu.memory_space<vmem_shared>> -> memref<10240x128xf32, #tpu.memory_space<vmem_shared>>
        tpu.wait_indirect_dma semaphore(%arg16 : memref<!tpu.dma_semaphore, #tpu.memory_space<semaphore_mem>>) src(%arg10 : memref<128x128xf32, #tpu.memory_space<vmem>>) dst(%dma_wait3A_161 : memref<10240x128xf32, #tpu.memory_space<vmem_shared>>)
        %add3A_162 = arith.constant 3 : i32
        %add3A_163 = arith.addi %mul3A_121, %add3A_162 : i32
        %mul3A_164 = arith.constant 128 : i32
        %mul3A_165 = arith.muli %add3A_163, %mul3A_164 : i32
        %add3A_166 = arith.addi %mul3A_2, %mul3A_165 : i32
        %multiple_of3A_167 = tpu.assume_multiple %add3A_166, 8 : i32
        %dma_start3A_168 = arith.constant 0 : i32
        %dma_start3A_169 = tpu.memref_slice %arg2[%multiple_of3A_167, %dma_start3A_168] : memref<163840x128xf32, #tpu.memory_space<hbm>> -> memref<128x128xf32, #tpu.memory_space<hbm>>
        %dma_start3A_170 = arith.constant 0 : i32
        %dma_start3A_171 = tpu.memref_slice %arg2[%multiple_of3A_167, %dma_start3A_170] : memref<163840x128xf32, #tpu.memory_space<hbm>> -> memref<128x128xf32, #tpu.memory_space<hbm>>
        tpu.enqueue_dma source(%dma_start3A_171 : memref<128x128xf32, #tpu.memory_space<hbm>>) target(%arg10 : memref<128x128xf32, #tpu.memory_space<vmem>>) target_semaphore(%arg14 : memref<!tpu.dma_semaphore, #tpu.memory_space<semaphore_mem>>)
        %dma_start3A_172 = tpu.memref_slice %arg3[%multiple_of3A_167] : memref<163840xi32, #tpu.memory_space<hbm>> -> memref<128xi32, #tpu.memory_space<hbm>>
        %dma_start3A_173 = tpu.memref_slice %arg3[%multiple_of3A_167] : memref<163840xi32, #tpu.memory_space<hbm>> -> memref<128xi32, #tpu.memory_space<hbm>>
        tpu.enqueue_dma source(%dma_start3A_173 : memref<128xi32, #tpu.memory_space<hbm>>) target(%arg8 : memref<128xi32, #tpu.memory_space<vmem>>) target_semaphore(%arg14 : memref<!tpu.dma_semaphore, #tpu.memory_space<semaphore_mem>>)
      } else {
      }
    }
    %scan3A_79 = arith.constant 20 : i32
    %dma_wait3A = arith.constant 0 : i32
    %dma_wait3A_80 = arith.constant 0 : i32
    %dma_wait3A_81 = tpu.memref_slice %arg12[%dma_wait3A, %dma_wait3A_80] : memref<10240x128xf32, #tpu.memory_space<vmem_shared>> -> memref<10240x128xf32, #tpu.memory_space<vmem_shared>>
    tpu.wait_indirect_dma semaphore(%arg15 : memref<!tpu.dma_semaphore, #tpu.memory_space<semaphore_mem>>) src(%arg9 : memref<128x128xf32, #tpu.memory_space<vmem>>) dst(%dma_wait3A_81 : memref<10240x128xf32, #tpu.memory_space<vmem_shared>>)
    %dma_wait3A_82 = arith.constant 0 : i32
    %dma_wait3A_83 = arith.constant 0 : i32
    %dma_wait3A_84 = tpu.memref_slice %arg12[%dma_wait3A_82, %dma_wait3A_83] : memref<10240x128xf32, #tpu.memory_space<vmem_shared>> -> memref<10240x128xf32, #tpu.memory_space<vmem_shared>>
    tpu.wait_indirect_dma semaphore(%arg16 : memref<!tpu.dma_semaphore, #tpu.memory_space<semaphore_mem>>) src(%arg10 : memref<128x128xf32, #tpu.memory_space<vmem>>) dst(%dma_wait3A_84 : memref<10240x128xf32, #tpu.memory_space<vmem_shared>>)
    %add3A_85 = arith.constant 0 : i32
    %add3A_86 = arith.addi %mul3A_2, %add3A_85 : i32
    %multiple_of3A_87 = tpu.assume_multiple %add3A_86, 8 : i32
    %dma_start3A_88 = arith.constant 0 : i32
    %dma_start3A_89 = tpu.memref_slice %arg4[%multiple_of3A_87, %dma_start3A_88] : memref<163840x128xf32, #tpu.memory_space<hbm>> -> memref<128x128xf32, #tpu.memory_space<hbm>>
    %dma_start3A_90 = arith.constant 0 : i32
    %dma_start3A_91 = tpu.memref_slice %arg4[%multiple_of3A_87, %dma_start3A_90] : memref<163840x128xf32, #tpu.memory_space<hbm>> -> memref<128x128xf32, #tpu.memory_space<hbm>>
    tpu.enqueue_dma source(%dma_start3A_91 : memref<128x128xf32, #tpu.memory_space<hbm>>) target(%arg9 : memref<128x128xf32, #tpu.memory_space<vmem>>) target_semaphore(%arg13 : memref<!tpu.dma_semaphore, #tpu.memory_space<semaphore_mem>>)
    %dma_start3A_92 = tpu.memref_slice %arg5[%multiple_of3A_87] : memref<163840xi32, #tpu.memory_space<hbm>> -> memref<128xi32, #tpu.memory_space<hbm>>
    %dma_start3A_93 = tpu.memref_slice %arg5[%multiple_of3A_87] : memref<163840xi32, #tpu.memory_space<hbm>> -> memref<128xi32, #tpu.memory_space<hbm>>
    tpu.enqueue_dma source(%dma_start3A_93 : memref<128xi32, #tpu.memory_space<hbm>>) target(%arg7 : memref<128xi32, #tpu.memory_space<vmem>>) target_semaphore(%arg13 : memref<!tpu.dma_semaphore, #tpu.memory_space<semaphore_mem>>)
    %add3A_94 = arith.constant 128 : i32
    %add3A_95 = arith.addi %mul3A_2, %add3A_94 : i32
    %multiple_of3A_96 = tpu.assume_multiple %add3A_95, 8 : i32
    %dma_start3A_97 = arith.constant 0 : i32
    %dma_start3A_98 = tpu.memref_slice %arg4[%multiple_of3A_96, %dma_start3A_97] : memref<163840x128xf32, #tpu.memory_space<hbm>> -> memref<128x128xf32, #tpu.memory_space<hbm>>
    %dma_start3A_99 = arith.constant 0 : i32
    %dma_start3A_100 = tpu.memref_slice %arg4[%multiple_of3A_96, %dma_start3A_99] : memref<163840x128xf32, #tpu.memory_space<hbm>> -> memref<128x128xf32, #tpu.memory_space<hbm>>
    tpu.enqueue_dma source(%dma_start3A_100 : memref<128x128xf32, #tpu.memory_space<hbm>>) target(%arg10 : memref<128x128xf32, #tpu.memory_space<vmem>>) target_semaphore(%arg14 : memref<!tpu.dma_semaphore, #tpu.memory_space<semaphore_mem>>)
    %dma_start3A_101 = tpu.memref_slice %arg5[%multiple_of3A_96] : memref<163840xi32, #tpu.memory_space<hbm>> -> memref<128xi32, #tpu.memory_space<hbm>>
    %dma_start3A_102 = tpu.memref_slice %arg5[%multiple_of3A_96] : memref<163840xi32, #tpu.memory_space<hbm>> -> memref<128xi32, #tpu.memory_space<hbm>>
    tpu.enqueue_dma source(%dma_start3A_102 : memref<128xi32, #tpu.memory_space<hbm>>) target(%arg8 : memref<128xi32, #tpu.memory_space<vmem>>) target_semaphore(%arg14 : memref<!tpu.dma_semaphore, #tpu.memory_space<semaphore_mem>>)
    %scan3A_103 = arith.constant 0 : i32
    %scan3A_104 = arith.constant 0 : i32
    %scan3A_105 = arith.constant 20 : i32
    %scan3A_106 = arith.addi %scan3A_104, %scan3A_105 : i32
    %scan3A_107 = arith.constant 1 : i32
    scf.for %scan3A_119 = %scan3A_104 to %scan3A_106 step %scan3A_107  : i32 {
      %mul3A_120 = arith.constant 2 : i32
      %mul3A_121 = arith.muli %mul3A_120, %scan3A_119 : i32
      %dma_wait3A_122 = arith.constant 0 : i32
      %dma_wait3A_123 = arith.constant 0 : i32
      %dma_wait3A_124 = tpu.memref_slice %arg4[%dma_wait3A_122, %dma_wait3A_123] : memref<163840x128xf32, #tpu.memory_space<hbm>> -> memref<128x128xf32, #tpu.memory_space<hbm>>
      %dma_wait3A_125 = arith.constant 0 : i32
      %dma_wait3A_126 = arith.constant 0 : i32
      %dma_wait3A_127 = tpu.memref_slice %arg4[%dma_wait3A_125, %dma_wait3A_126] : memref<163840x128xf32, #tpu.memory_space<hbm>> -> memref<128x128xf32, #tpu.memory_space<hbm>>
      tpu.wait_dma2 semaphore(%arg13 : memref<!tpu.dma_semaphore, #tpu.memory_space<semaphore_mem>>) src(%dma_wait3A_127 : memref<128x128xf32, #tpu.memory_space<hbm>>) dst(%arg9 : memref<128x128xf32, #tpu.memory_space<vmem>>)
      %dma_wait3A_128 = arith.constant 0 : i32
      %dma_wait3A_129 = tpu.memref_slice %arg5[%dma_wait3A_128] : memref<163840xi32, #tpu.memory_space<hbm>> -> memref<128xi32, #tpu.memory_space<hbm>>
      %dma_wait3A_130 = arith.constant 0 : i32
      %dma_wait3A_131 = tpu.memref_slice %arg5[%dma_wait3A_130] : memref<163840xi32, #tpu.memory_space<hbm>> -> memref<128xi32, #tpu.memory_space<hbm>>
      tpu.wait_dma2 semaphore(%arg13 : memref<!tpu.dma_semaphore, #tpu.memory_space<semaphore_mem>>) src(%dma_wait3A_131 : memref<128xi32, #tpu.memory_space<hbm>>) dst(%arg7 : memref<128xi32, #tpu.memory_space<vmem>>)
      %dma_start3A_132 = arith.constant 0 : i32
      %dma_start3A_133 = arith.constant 0 : i32
      %dma_start3A_134 = tpu.memref_slice %arg12[%dma_start3A_132, %dma_start3A_133] : memref<10240x128xf32, #tpu.memory_space<vmem_shared>> -> memref<10240x128xf32, #tpu.memory_space<vmem_shared>>
      tpu.enqueue_indirect_dma source(%arg9 : memref<128x128xf32, #tpu.memory_space<vmem>>) target(%dma_start3A_134 : memref<10240x128xf32, #tpu.memory_space<vmem_shared>>) offsets(%arg7 : memref<128xi32, #tpu.memory_space<vmem>>) semaphore(%arg15 : memref<!tpu.dma_semaphore, #tpu.memory_space<semaphore_mem>>) {add = true}
      %dma_wait3A_135 = arith.constant 0 : i32
      %dma_wait3A_136 = arith.constant 0 : i32
      %dma_wait3A_137 = tpu.memref_slice %arg4[%dma_wait3A_135, %dma_wait3A_136] : memref<163840x128xf32, #tpu.memory_space<hbm>> -> memref<128x128xf32, #tpu.memory_space<hbm>>
      %dma_wait3A_138 = arith.constant 0 : i32
      %dma_wait3A_139 = arith.constant 0 : i32
      %dma_wait3A_140 = tpu.memref_slice %arg4[%dma_wait3A_138, %dma_wait3A_139] : memref<163840x128xf32, #tpu.memory_space<hbm>> -> memref<128x128xf32, #tpu.memory_space<hbm>>
      tpu.wait_dma2 semaphore(%arg14 : memref<!tpu.dma_semaphore, #tpu.memory_space<semaphore_mem>>) src(%dma_wait3A_140 : memref<128x128xf32, #tpu.memory_space<hbm>>) dst(%arg10 : memref<128x128xf32, #tpu.memory_space<vmem>>)
      %dma_wait3A_141 = arith.constant 0 : i32
      %dma_wait3A_142 = tpu.memref_slice %arg5[%dma_wait3A_141] : memref<163840xi32, #tpu.memory_space<hbm>> -> memref<128xi32, #tpu.memory_space<hbm>>
      %dma_wait3A_143 = arith.constant 0 : i32
      %dma_wait3A_144 = tpu.memref_slice %arg5[%dma_wait3A_143] : memref<163840xi32, #tpu.memory_space<hbm>> -> memref<128xi32, #tpu.memory_space<hbm>>
      tpu.wait_dma2 semaphore(%arg14 : memref<!tpu.dma_semaphore, #tpu.memory_space<semaphore_mem>>) src(%dma_wait3A_144 : memref<128xi32, #tpu.memory_space<hbm>>) dst(%arg8 : memref<128xi32, #tpu.memory_space<vmem>>)
      %dma_start3A_145 = arith.constant 0 : i32
      %dma_start3A_146 = arith.constant 0 : i32
      %dma_start3A_147 = tpu.memref_slice %arg12[%dma_start3A_145, %dma_start3A_146] : memref<10240x128xf32, #tpu.memory_space<vmem_shared>> -> memref<10240x128xf32, #tpu.memory_space<vmem_shared>>
      tpu.enqueue_indirect_dma source(%arg10 : memref<128x128xf32, #tpu.memory_space<vmem>>) target(%dma_start3A_147 : memref<10240x128xf32, #tpu.memory_space<vmem_shared>>) offsets(%arg8 : memref<128xi32, #tpu.memory_space<vmem>>) semaphore(%arg16 : memref<!tpu.dma_semaphore, #tpu.memory_space<semaphore_mem>>) {add = true}
      %add3A_148 = arith.constant 2 : i32
      %add3A_149 = arith.addi %mul3A_121, %add3A_148 : i32
      %lt3A = arith.constant 40 : i32
      %lt3A_150 = arith.cmpi slt, %add3A_149, %lt3A : i32
      %convert_element_type3A = arith.extui %lt3A_150 : i1 to i32
      %cond3A = arith.constant 0 : i32
      %cond3A_151 = arith.cmpi ne, %convert_element_type3A, %cond3A : i32
      scf.if %cond3A_151 {
        %dma_wait3A_159 = arith.constant 0 : i32
        %dma_wait3A_160 = arith.constant 0 : i32
        %dma_wait3A_161 = tpu.memref_slice %arg12[%dma_wait3A_159, %dma_wait3A_160] : memref<10240x128xf32, #tpu.memory_space<vmem_shared>> -> memref<10240x128xf32, #tpu.memory_space<vmem_shared>>
        tpu.wait_indirect_dma semaphore(%arg15 : memref<!tpu.dma_semaphore, #tpu.memory_space<semaphore_mem>>) src(%arg9 : memref<128x128xf32, #tpu.memory_space<vmem>>) dst(%dma_wait3A_161 : memref<10240x128xf32, #tpu.memory_space<vmem_shared>>)
        %add3A_162 = arith.constant 2 : i32
        %add3A_163 = arith.addi %mul3A_121, %add3A_162 : i32
        %mul3A_164 = arith.constant 128 : i32
        %mul3A_165 = arith.muli %add3A_163, %mul3A_164 : i32
        %add3A_166 = arith.addi %mul3A_2, %mul3A_165 : i32
        %multiple_of3A_167 = tpu.assume_multiple %add3A_166, 8 : i32
        %dma_start3A_168 = arith.constant 0 : i32
        %dma_start3A_169 = tpu.memref_slice %arg4[%multiple_of3A_167, %dma_start3A_168] : memref<163840x128xf32, #tpu.memory_space<hbm>> -> memref<128x128xf32, #tpu.memory_space<hbm>>
        %dma_start3A_170 = arith.constant 0 : i32
        %dma_start3A_171 = tpu.memref_slice %arg4[%multiple_of3A_167, %dma_start3A_170] : memref<163840x128xf32, #tpu.memory_space<hbm>> -> memref<128x128xf32, #tpu.memory_space<hbm>>
        tpu.enqueue_dma source(%dma_start3A_171 : memref<128x128xf32, #tpu.memory_space<hbm>>) target(%arg9 : memref<128x128xf32, #tpu.memory_space<vmem>>) target_semaphore(%arg13 : memref<!tpu.dma_semaphore, #tpu.memory_space<semaphore_mem>>)
        %dma_start3A_172 = tpu.memref_slice %arg5[%multiple_of3A_167] : memref<163840xi32, #tpu.memory_space<hbm>> -> memref<128xi32, #tpu.memory_space<hbm>>
        %dma_start3A_173 = tpu.memref_slice %arg5[%multiple_of3A_167] : memref<163840xi32, #tpu.memory_space<hbm>> -> memref<128xi32, #tpu.memory_space<hbm>>
        tpu.enqueue_dma source(%dma_start3A_173 : memref<128xi32, #tpu.memory_space<hbm>>) target(%arg7 : memref<128xi32, #tpu.memory_space<vmem>>) target_semaphore(%arg13 : memref<!tpu.dma_semaphore, #tpu.memory_space<semaphore_mem>>)
      } else {
      }
      %add3A_152 = arith.constant 3 : i32
      %add3A_153 = arith.addi %mul3A_121, %add3A_152 : i32
      %lt3A_154 = arith.constant 40 : i32
      %lt3A_155 = arith.cmpi slt, %add3A_153, %lt3A_154 : i32
      %convert_element_type3A_156 = arith.extui %lt3A_155 : i1 to i32
      %cond3A_157 = arith.constant 0 : i32
      %cond3A_158 = arith.cmpi ne, %convert_element_type3A_156, %cond3A_157 : i32
      scf.if %cond3A_158 {
        %dma_wait3A_159 = arith.constant 0 : i32
        %dma_wait3A_160 = arith.constant 0 : i32
        %dma_wait3A_161 = tpu.memref_slice %arg12[%dma_wait3A_159, %dma_wait3A_160] : memref<10240x128xf32, #tpu.memory_space<vmem_shared>> -> memref<10240x128xf32, #tpu.memory_space<vmem_shared>>
        tpu.wait_indirect_dma semaphore(%arg16 : memref<!tpu.dma_semaphore, #tpu.memory_space<semaphore_mem>>) src(%arg10 : memref<128x128xf32, #tpu.memory_space<vmem>>) dst(%dma_wait3A_161 : memref<10240x128xf32, #tpu.memory_space<vmem_shared>>)
        %add3A_162 = arith.constant 3 : i32
        %add3A_163 = arith.addi %mul3A_121, %add3A_162 : i32
        %mul3A_164 = arith.constant 128 : i32
        %mul3A_165 = arith.muli %add3A_163, %mul3A_164 : i32
        %add3A_166 = arith.addi %mul3A_2, %mul3A_165 : i32
        %multiple_of3A_167 = tpu.assume_multiple %add3A_166, 8 : i32
        %dma_start3A_168 = arith.constant 0 : i32
        %dma_start3A_169 = tpu.memref_slice %arg4[%multiple_of3A_167, %dma_start3A_168] : memref<163840x128xf32, #tpu.memory_space<hbm>> -> memref<128x128xf32, #tpu.memory_space<hbm>>
        %dma_start3A_170 = arith.constant 0 : i32
        %dma_start3A_171 = tpu.memref_slice %arg4[%multiple_of3A_167, %dma_start3A_170] : memref<163840x128xf32, #tpu.memory_space<hbm>> -> memref<128x128xf32, #tpu.memory_space<hbm>>
        tpu.enqueue_dma source(%dma_start3A_171 : memref<128x128xf32, #tpu.memory_space<hbm>>) target(%arg10 : memref<128x128xf32, #tpu.memory_space<vmem>>) target_semaphore(%arg14 : memref<!tpu.dma_semaphore, #tpu.memory_space<semaphore_mem>>)
        %dma_start3A_172 = tpu.memref_slice %arg5[%multiple_of3A_167] : memref<163840xi32, #tpu.memory_space<hbm>> -> memref<128xi32, #tpu.memory_space<hbm>>
        %dma_start3A_173 = tpu.memref_slice %arg5[%multiple_of3A_167] : memref<163840xi32, #tpu.memory_space<hbm>> -> memref<128xi32, #tpu.memory_space<hbm>>
        tpu.enqueue_dma source(%dma_start3A_173 : memref<128xi32, #tpu.memory_space<hbm>>) target(%arg8 : memref<128xi32, #tpu.memory_space<vmem>>) target_semaphore(%arg14 : memref<!tpu.dma_semaphore, #tpu.memory_space<semaphore_mem>>)
      } else {
      }
    }
    %scan3A_108 = arith.constant 20 : i32
    %dma_wait3A_109 = arith.constant 0 : i32
    %dma_wait3A_110 = arith.constant 0 : i32
    %dma_wait3A_111 = tpu.memref_slice %arg12[%dma_wait3A_109, %dma_wait3A_110] : memref<10240x128xf32, #tpu.memory_space<vmem_shared>> -> memref<10240x128xf32, #tpu.memory_space<vmem_shared>>
    tpu.wait_indirect_dma semaphore(%arg15 : memref<!tpu.dma_semaphore, #tpu.memory_space<semaphore_mem>>) src(%arg9 : memref<128x128xf32, #tpu.memory_space<vmem>>) dst(%dma_wait3A_111 : memref<10240x128xf32, #tpu.memory_space<vmem_shared>>)
    %dma_wait3A_112 = arith.constant 0 : i32
    %dma_wait3A_113 = arith.constant 0 : i32
    %dma_wait3A_114 = tpu.memref_slice %arg12[%dma_wait3A_112, %dma_wait3A_113] : memref<10240x128xf32, #tpu.memory_space<vmem_shared>> -> memref<10240x128xf32, #tpu.memory_space<vmem_shared>>
    tpu.wait_indirect_dma semaphore(%arg16 : memref<!tpu.dma_semaphore, #tpu.memory_space<semaphore_mem>>) src(%arg10 : memref<128x128xf32, #tpu.memory_space<vmem>>) dst(%dma_wait3A_114 : memref<10240x128xf32, #tpu.memory_space<vmem_shared>>)
    %barrier3A_115 = arith.constant 0 : index
    tpu.barrier barrier_id(%barrier3A_115)
    %mul3A_116 = arith.constant 640 : i32
    %mul3A_117 = arith.muli %arg1, %mul3A_116 : i32
    %multiple_of3A_118 = tpu.assume_multiple %mul3A_117, 8 : i32
    "tpu.region"() ({
      %run_scoped3A = tpu.sem_alloc : memref<!tpu.dma_semaphore, #tpu.memory_space<semaphore_mem>>
      %dma_start3A_119 = arith.constant 0 : i32
      %dma_start3A_120 = tpu.memref_slice %arg6[%arg0, %multiple_of3A_118, %dma_start3A_119] : memref<2x10240x128xf32, #tpu.memory_space<hbm>> -> memref<1x640x128xf32, #tpu.memory_space<hbm>>
      %dma_start3A_121 = tpu.memref_squeeze %dma_start3A_120 : memref<1x640x128xf32, #tpu.memory_space<hbm>> -> memref<640x128xf32, #tpu.memory_space<hbm>>
      %dma_start3A_122 = arith.constant 0 : i32
      %dma_start3A_123 = tpu.memref_slice %arg12[%multiple_of3A_118, %dma_start3A_122] : memref<10240x128xf32, #tpu.memory_space<vmem_shared>> -> memref<640x128xf32, #tpu.memory_space<vmem_shared>>
      tpu.enqueue_dma source(%dma_start3A_123 : memref<640x128xf32, #tpu.memory_space<vmem_shared>>) target(%dma_start3A_121 : memref<640x128xf32, #tpu.memory_space<hbm>>) target_semaphore(%run_scoped3A : memref<!tpu.dma_semaphore, #tpu.memory_space<semaphore_mem>>)
      %dma_wait3A_124 = arith.constant 0 : i32
      %dma_wait3A_125 = tpu.memref_slice %arg6[%arg0, %multiple_of3A_118, %dma_wait3A_124] : memref<2x10240x128xf32, #tpu.memory_space<hbm>> -> memref<1x640x128xf32, #tpu.memory_space<hbm>>
      %dma_wait3A_126 = tpu.memref_squeeze %dma_wait3A_125 : memref<1x640x128xf32, #tpu.memory_space<hbm>> -> memref<640x128xf32, #tpu.memory_space<hbm>>
      %dma_wait3A_127 = arith.constant 0 : i32
      %dma_wait3A_128 = tpu.memref_slice %arg12[%multiple_of3A_118, %dma_wait3A_127] : memref<10240x128xf32, #tpu.memory_space<vmem_shared>> -> memref<640x128xf32, #tpu.memory_space<vmem_shared>>
      tpu.wait_dma2 semaphore(%run_scoped3A : memref<!tpu.dma_semaphore, #tpu.memory_space<semaphore_mem>>) src(%dma_wait3A_128 : memref<640x128xf32, #tpu.memory_space<vmem_shared>>) dst(%dma_wait3A_126 : memref<640x128xf32, #tpu.memory_space<hbm>>)
      tpu.yield
    }) : () -> ()
    return
  }
}

#map = affine_map<(d0, d1) -> (0, 0)>
#map1 = affine_map<(d0, d1) -> (0)>
module attributes {stable_mosaic.version = 14 : i64} {
  func.func @k(%arg0: i32, %arg1: i32, %arg2: memref<10000x128xf32, #tpu.memory_space<hbm>>, %arg3: memref<10000x128xf32, #tpu.memory_space<hbm>>, %arg4: memref<163840xi32, #tpu.memory_space<hbm>>, %arg5: memref<163840xi32, #tpu.memory_space<hbm>>, %arg6: memref<163840x128xf32, #tpu.memory_space<hbm>>, %arg7: memref<128xi32, #tpu.memory_space<vmem>>, %arg8: memref<128xi32, #tpu.memory_space<vmem>>, %arg9: memref<128xi32, #tpu.memory_space<vmem>>, %arg10: memref<128xi32, #tpu.memory_space<vmem>>, %arg11: memref<128x128xf32, #tpu.memory_space<vmem>>, %arg12: memref<128x128xf32, #tpu.memory_space<vmem>>, %arg13: memref<128x128xf32, #tpu.memory_space<vmem>>, %arg14: memref<128x128xf32, #tpu.memory_space<vmem>>, %arg15: memref<!tpu.dma_semaphore, #tpu.memory_space<semaphore_mem>>, %arg16: memref<!tpu.dma_semaphore, #tpu.memory_space<semaphore_mem>>, %arg17: memref<!tpu.dma_semaphore, #tpu.memory_space<semaphore_mem>>, %arg18: memref<!tpu.dma_semaphore, #tpu.memory_space<semaphore_mem>>, %arg19: memref<!tpu.dma_semaphore, #tpu.memory_space<semaphore_mem>>, %arg20: memref<!tpu.dma_semaphore, #tpu.memory_space<semaphore_mem>>) attributes {dimension_semantics = [#tpu.dimension_semantics<core_parallel>, #tpu.dimension_semantics<subcore_parallel>], iteration_bounds = array<i64: 2, 16>, scalar_prefetch = 0 : i64, scratch_operands = 14 : i64, tpu.core_type = #tpu.core_type<sc_vector_subcore>, window_params = [{transform_indices = #map}, {transform_indices = #map}, {transform_indices = #map1}, {transform_indices = #map1}, {transform_indices = #map}]} {
    %mul3A = arith.constant 2 : i32
    %mul3A_0 = arith.muli %arg1, %mul3A : i32
    %add3A = arith.addi %mul3A_0, %arg0 : i32
    %mul3A_1 = arith.constant 5120 : i32
    %mul3A_2 = arith.muli %add3A, %mul3A_1 : i32
    %add3A_3 = arith.constant 0 : i32
    %add3A_4 = arith.addi %mul3A_2, %add3A_3 : i32
    %multiple_of3A = tpu.assume_multiple %add3A_4, 8 : i32
    %dma_start3A = tpu.memref_slice %arg4[%multiple_of3A] : memref<163840xi32, #tpu.memory_space<hbm>> -> memref<128xi32, #tpu.memory_space<hbm>>
    %dma_start3A_5 = tpu.memref_slice %arg4[%multiple_of3A] : memref<163840xi32, #tpu.memory_space<hbm>> -> memref<128xi32, #tpu.memory_space<hbm>>
    tpu.enqueue_dma source(%dma_start3A_5 : memref<128xi32, #tpu.memory_space<hbm>>) target(%arg7 : memref<128xi32, #tpu.memory_space<vmem>>) target_semaphore(%arg15 : memref<!tpu.dma_semaphore, #tpu.memory_space<semaphore_mem>>)
    %dma_start3A_6 = tpu.memref_slice %arg5[%multiple_of3A] : memref<163840xi32, #tpu.memory_space<hbm>> -> memref<128xi32, #tpu.memory_space<hbm>>
    %dma_start3A_7 = tpu.memref_slice %arg5[%multiple_of3A] : memref<163840xi32, #tpu.memory_space<hbm>> -> memref<128xi32, #tpu.memory_space<hbm>>
    tpu.enqueue_dma source(%dma_start3A_7 : memref<128xi32, #tpu.memory_space<hbm>>) target(%arg8 : memref<128xi32, #tpu.memory_space<vmem>>) target_semaphore(%arg15 : memref<!tpu.dma_semaphore, #tpu.memory_space<semaphore_mem>>)
    %add3A_8 = arith.constant 128 : i32
    %add3A_9 = arith.addi %mul3A_2, %add3A_8 : i32
    %multiple_of3A_10 = tpu.assume_multiple %add3A_9, 8 : i32
    %dma_start3A_11 = tpu.memref_slice %arg4[%multiple_of3A_10] : memref<163840xi32, #tpu.memory_space<hbm>> -> memref<128xi32, #tpu.memory_space<hbm>>
    %dma_start3A_12 = tpu.memref_slice %arg4[%multiple_of3A_10] : memref<163840xi32, #tpu.memory_space<hbm>> -> memref<128xi32, #tpu.memory_space<hbm>>
    tpu.enqueue_dma source(%dma_start3A_12 : memref<128xi32, #tpu.memory_space<hbm>>) target(%arg9 : memref<128xi32, #tpu.memory_space<vmem>>) target_semaphore(%arg16 : memref<!tpu.dma_semaphore, #tpu.memory_space<semaphore_mem>>)
    %dma_start3A_13 = tpu.memref_slice %arg5[%multiple_of3A_10] : memref<163840xi32, #tpu.memory_space<hbm>> -> memref<128xi32, #tpu.memory_space<hbm>>
    %dma_start3A_14 = tpu.memref_slice %arg5[%multiple_of3A_10] : memref<163840xi32, #tpu.memory_space<hbm>> -> memref<128xi32, #tpu.memory_space<hbm>>
    tpu.enqueue_dma source(%dma_start3A_14 : memref<128xi32, #tpu.memory_space<hbm>>) target(%arg10 : memref<128xi32, #tpu.memory_space<vmem>>) target_semaphore(%arg16 : memref<!tpu.dma_semaphore, #tpu.memory_space<semaphore_mem>>)
    %dma_wait3A = arith.constant 0 : i32
    %dma_wait3A_15 = tpu.memref_slice %arg4[%dma_wait3A] : memref<163840xi32, #tpu.memory_space<hbm>> -> memref<128xi32, #tpu.memory_space<hbm>>
    %dma_wait3A_16 = arith.constant 0 : i32
    %dma_wait3A_17 = tpu.memref_slice %arg4[%dma_wait3A_16] : memref<163840xi32, #tpu.memory_space<hbm>> -> memref<128xi32, #tpu.memory_space<hbm>>
    tpu.wait_dma2 semaphore(%arg15 : memref<!tpu.dma_semaphore, #tpu.memory_space<semaphore_mem>>) src(%dma_wait3A_17 : memref<128xi32, #tpu.memory_space<hbm>>) dst(%arg7 : memref<128xi32, #tpu.memory_space<vmem>>)
    %dma_wait3A_18 = arith.constant 0 : i32
    %dma_wait3A_19 = tpu.memref_slice %arg5[%dma_wait3A_18] : memref<163840xi32, #tpu.memory_space<hbm>> -> memref<128xi32, #tpu.memory_space<hbm>>
    %dma_wait3A_20 = arith.constant 0 : i32
    %dma_wait3A_21 = tpu.memref_slice %arg5[%dma_wait3A_20] : memref<163840xi32, #tpu.memory_space<hbm>> -> memref<128xi32, #tpu.memory_space<hbm>>
    tpu.wait_dma2 semaphore(%arg15 : memref<!tpu.dma_semaphore, #tpu.memory_space<semaphore_mem>>) src(%dma_wait3A_21 : memref<128xi32, #tpu.memory_space<hbm>>) dst(%arg8 : memref<128xi32, #tpu.memory_space<vmem>>)
    %dma_start3A_22 = arith.constant 0 : i32
    %dma_start3A_23 = arith.constant 0 : i32
    %dma_start3A_24 = tpu.memref_slice %arg2[%dma_start3A_22, %dma_start3A_23] : memref<10000x128xf32, #tpu.memory_space<hbm>> -> memref<10000x128xf32, #tpu.memory_space<hbm>>
    tpu.enqueue_indirect_dma source(%dma_start3A_24 : memref<10000x128xf32, #tpu.memory_space<hbm>>) target(%arg11 : memref<128x128xf32, #tpu.memory_space<vmem>>) offsets(%arg7 : memref<128xi32, #tpu.memory_space<vmem>>) semaphore(%arg17 : memref<!tpu.dma_semaphore, #tpu.memory_space<semaphore_mem>>)
    %dma_start3A_25 = arith.constant 0 : i32
    %dma_start3A_26 = arith.constant 0 : i32
    %dma_start3A_27 = tpu.memref_slice %arg3[%dma_start3A_25, %dma_start3A_26] : memref<10000x128xf32, #tpu.memory_space<hbm>> -> memref<10000x128xf32, #tpu.memory_space<hbm>>
    tpu.enqueue_indirect_dma source(%dma_start3A_27 : memref<10000x128xf32, #tpu.memory_space<hbm>>) target(%arg12 : memref<128x128xf32, #tpu.memory_space<vmem>>) offsets(%arg8 : memref<128xi32, #tpu.memory_space<vmem>>) semaphore(%arg17 : memref<!tpu.dma_semaphore, #tpu.memory_space<semaphore_mem>>)
    %scan3A = arith.constant 0 : i32
    %scan3A_28 = arith.constant 0 : i32
    %scan3A_29 = arith.constant 20 : i32
    %scan3A_30 = arith.addi %scan3A_28, %scan3A_29 : i32
    %scan3A_31 = arith.constant 1 : i32
    scf.for %scan3A_45 = %scan3A_28 to %scan3A_30 step %scan3A_31  : i32 {
      %mul3A_46 = arith.constant 2 : i32
      %mul3A_47 = arith.muli %mul3A_46, %scan3A_45 : i32
      %dma_wait3A_48 = arith.constant 0 : i32
      %dma_wait3A_49 = arith.constant 0 : i32
      %dma_wait3A_50 = tpu.memref_slice %arg2[%dma_wait3A_48, %dma_wait3A_49] : memref<10000x128xf32, #tpu.memory_space<hbm>> -> memref<10000x128xf32, #tpu.memory_space<hbm>>
      tpu.wait_indirect_dma semaphore(%arg17 : memref<!tpu.dma_semaphore, #tpu.memory_space<semaphore_mem>>) src(%dma_wait3A_50 : memref<10000x128xf32, #tpu.memory_space<hbm>>) dst(%arg11 : memref<128x128xf32, #tpu.memory_space<vmem>>)
      %dma_wait3A_51 = arith.constant 0 : i32
      %dma_wait3A_52 = arith.constant 0 : i32
      %dma_wait3A_53 = tpu.memref_slice %arg3[%dma_wait3A_51, %dma_wait3A_52] : memref<10000x128xf32, #tpu.memory_space<hbm>> -> memref<10000x128xf32, #tpu.memory_space<hbm>>
      tpu.wait_indirect_dma semaphore(%arg17 : memref<!tpu.dma_semaphore, #tpu.memory_space<semaphore_mem>>) src(%dma_wait3A_53 : memref<10000x128xf32, #tpu.memory_space<hbm>>) dst(%arg12 : memref<128x128xf32, #tpu.memory_space<vmem>>)
      %add3A_54 = arith.constant 2 : i32
      %add3A_55 = arith.addi %mul3A_47, %add3A_54 : i32
      %lt3A = arith.constant 40 : i32
      %lt3A_56 = arith.cmpi slt, %add3A_55, %lt3A : i32
      %convert_element_type3A = arith.extui %lt3A_56 : i1 to i32
      %cond3A = arith.constant 0 : i32
      %cond3A_57 = arith.cmpi ne, %convert_element_type3A, %cond3A : i32
      scf.if %cond3A_57 {
        %add3A_126 = arith.constant 2 : i32
        %add3A_127 = arith.addi %mul3A_47, %add3A_126 : i32
        %mul3A_128 = arith.constant 128 : i32
        %mul3A_129 = arith.muli %add3A_127, %mul3A_128 : i32
        %add3A_130 = arith.addi %mul3A_2, %mul3A_129 : i32
        %multiple_of3A_131 = tpu.assume_multiple %add3A_130, 8 : i32
        %dma_start3A_132 = tpu.memref_slice %arg4[%multiple_of3A_131] : memref<163840xi32, #tpu.memory_space<hbm>> -> memref<128xi32, #tpu.memory_space<hbm>>
        %dma_start3A_133 = tpu.memref_slice %arg4[%multiple_of3A_131] : memref<163840xi32, #tpu.memory_space<hbm>> -> memref<128xi32, #tpu.memory_space<hbm>>
        tpu.enqueue_dma source(%dma_start3A_133 : memref<128xi32, #tpu.memory_space<hbm>>) target(%arg7 : memref<128xi32, #tpu.memory_space<vmem>>) target_semaphore(%arg15 : memref<!tpu.dma_semaphore, #tpu.memory_space<semaphore_mem>>)
        %dma_start3A_134 = tpu.memref_slice %arg5[%multiple_of3A_131] : memref<163840xi32, #tpu.memory_space<hbm>> -> memref<128xi32, #tpu.memory_space<hbm>>
        %dma_start3A_135 = tpu.memref_slice %arg5[%multiple_of3A_131] : memref<163840xi32, #tpu.memory_space<hbm>> -> memref<128xi32, #tpu.memory_space<hbm>>
        tpu.enqueue_dma source(%dma_start3A_135 : memref<128xi32, #tpu.memory_space<hbm>>) target(%arg8 : memref<128xi32, #tpu.memory_space<vmem>>) target_semaphore(%arg15 : memref<!tpu.dma_semaphore, #tpu.memory_space<semaphore_mem>>)
      } else {
      }
      %gt3A = arith.constant 0 : i32
      %gt3A_58 = arith.cmpi sgt, %scan3A_45, %gt3A : i32
      %convert_element_type3A_59 = arith.extui %gt3A_58 : i1 to i32
      %cond3A_60 = arith.constant 0 : i32
      %cond3A_61 = arith.cmpi ne, %convert_element_type3A_59, %cond3A_60 : i32
      scf.if %cond3A_61 {
        %dma_wait3A_126 = arith.constant 0 : i32
        %dma_wait3A_127 = arith.constant 0 : i32
        %dma_wait3A_128 = tpu.memref_slice %arg6[%dma_wait3A_126, %dma_wait3A_127] : memref<163840x128xf32, #tpu.memory_space<hbm>> -> memref<128x128xf32, #tpu.memory_space<hbm>>
        %dma_wait3A_129 = arith.constant 0 : i32
        %dma_wait3A_130 = arith.constant 0 : i32
        %dma_wait3A_131 = tpu.memref_slice %arg6[%dma_wait3A_129, %dma_wait3A_130] : memref<163840x128xf32, #tpu.memory_space<hbm>> -> memref<128x128xf32, #tpu.memory_space<hbm>>
        tpu.wait_dma2 semaphore(%arg20 : memref<!tpu.dma_semaphore, #tpu.memory_space<semaphore_mem>>) src(%arg13 : memref<128x128xf32, #tpu.memory_space<vmem>>) dst(%dma_wait3A_131 : memref<128x128xf32, #tpu.memory_space<hbm>>)
      } else {
      }
      %dma_wait3A_62 = arith.constant 0 : i32
      %dma_wait3A_63 = tpu.memref_slice %arg4[%dma_wait3A_62] : memref<163840xi32, #tpu.memory_space<hbm>> -> memref<128xi32, #tpu.memory_space<hbm>>
      %dma_wait3A_64 = arith.constant 0 : i32
      %dma_wait3A_65 = tpu.memref_slice %arg4[%dma_wait3A_64] : memref<163840xi32, #tpu.memory_space<hbm>> -> memref<128xi32, #tpu.memory_space<hbm>>
      tpu.wait_dma2 semaphore(%arg16 : memref<!tpu.dma_semaphore, #tpu.memory_space<semaphore_mem>>) src(%dma_wait3A_65 : memref<128xi32, #tpu.memory_space<hbm>>) dst(%arg9 : memref<128xi32, #tpu.memory_space<vmem>>)
      %dma_wait3A_66 = arith.constant 0 : i32
      %dma_wait3A_67 = tpu.memref_slice %arg5[%dma_wait3A_66] : memref<163840xi32, #tpu.memory_space<hbm>> -> memref<128xi32, #tpu.memory_space<hbm>>
      %dma_wait3A_68 = arith.constant 0 : i32
      %dma_wait3A_69 = tpu.memref_slice %arg5[%dma_wait3A_68] : memref<163840xi32, #tpu.memory_space<hbm>> -> memref<128xi32, #tpu.memory_space<hbm>>
      tpu.wait_dma2 semaphore(%arg16 : memref<!tpu.dma_semaphore, #tpu.memory_space<semaphore_mem>>) src(%dma_wait3A_69 : memref<128xi32, #tpu.memory_space<hbm>>) dst(%arg10 : memref<128xi32, #tpu.memory_space<vmem>>)
      %dma_start3A_70 = arith.constant 0 : i32
      %dma_start3A_71 = arith.constant 0 : i32
      %dma_start3A_72 = tpu.memref_slice %arg2[%dma_start3A_70, %dma_start3A_71] : memref<10000x128xf32, #tpu.memory_space<hbm>> -> memref<10000x128xf32, #tpu.memory_space<hbm>>
      tpu.enqueue_indirect_dma source(%dma_start3A_72 : memref<10000x128xf32, #tpu.memory_space<hbm>>) target(%arg13 : memref<128x128xf32, #tpu.memory_space<vmem>>) offsets(%arg9 : memref<128xi32, #tpu.memory_space<vmem>>) semaphore(%arg18 : memref<!tpu.dma_semaphore, #tpu.memory_space<semaphore_mem>>)
      %dma_start3A_73 = arith.constant 0 : i32
      %dma_start3A_74 = arith.constant 0 : i32
      %dma_start3A_75 = tpu.memref_slice %arg3[%dma_start3A_73, %dma_start3A_74] : memref<10000x128xf32, #tpu.memory_space<hbm>> -> memref<10000x128xf32, #tpu.memory_space<hbm>>
      tpu.enqueue_indirect_dma source(%dma_start3A_75 : memref<10000x128xf32, #tpu.memory_space<hbm>>) target(%arg14 : memref<128x128xf32, #tpu.memory_space<vmem>>) offsets(%arg10 : memref<128xi32, #tpu.memory_space<vmem>>) semaphore(%arg18 : memref<!tpu.dma_semaphore, #tpu.memory_space<semaphore_mem>>)
      %scan3A_76 = arith.constant 0 : i32
      %scan3A_77 = arith.constant 0 : i32
      %scan3A_78 = arith.constant 128 : i32
      %scan3A_79 = arith.addi %scan3A_77, %scan3A_78 : i32
      %scan3A_80 = arith.constant 1 : i32
      scf.for %scan3A_126 = %scan3A_77 to %scan3A_79 step %scan3A_80  : i32 {
        %get3A = arith.index_cast %scan3A_126 : i32 to index
        %get3A_127 = arith.constant 0 : index
        %get3A_128 = tpu.vector_load %arg11[%get3A, %get3A_127] {strides = array<i32>} : memref<128x128xf32, #tpu.memory_space<vmem>>, vector<1x16xf32>,
        %get3A_129 = vector.shape_cast %get3A_128 : vector<1x16xf32> to vector<16xf32>
        %get3A_130 = arith.index_cast %scan3A_126 : i32 to index
        %get3A_131 = arith.constant 0 : index
        %get3A_132 = tpu.vector_load %arg12[%get3A_130, %get3A_131] {strides = array<i32>} : memref<128x128xf32, #tpu.memory_space<vmem>>, vector<1x16xf32>,
        %get3A_133 = vector.shape_cast %get3A_132 : vector<1x16xf32> to vector<16xf32>
        %add3A_134 = arith.addf %get3A_129, %get3A_133 : vector<16xf32>
        %swap3A = arith.index_cast %scan3A_126 : i32 to index
        %swap3A_135 = arith.constant 0 : index
        %swap3A_136 = tpu.vector_load %arg11[%swap3A, %swap3A_135] {strides = array<i32>} : memref<128x128xf32, #tpu.memory_space<vmem>>, vector<1x16xf32>,
        %swap3A_137 = vector.shape_cast %swap3A_136 : vector<1x16xf32> to vector<16xf32>
        %swap3A_138 = vector.shape_cast %add3A_134 : vector<16xf32> to vector<1x16xf32>
        tpu.vector_store %arg11[%swap3A, %swap3A_135], %swap3A_138 {strides = array<i32>} : memref<128x128xf32, #tpu.memory_space<vmem>>, vector<1x16xf32>,
        %get3A_139 = arith.index_cast %scan3A_126 : i32 to index
        %get3A_140 = arith.constant 16 : index
        %get3A_141 = tpu.vector_load %arg11[%get3A_139, %get3A_140] {strides = array<i32>} : memref<128x128xf32, #tpu.memory_space<vmem>>, vector<1x16xf32>,
        %get3A_142 = vector.shape_cast %get3A_141 : vector<1x16xf32> to vector<16xf32>
        %get3A_143 = arith.index_cast %scan3A_126 : i32 to index
        %get3A_144 = arith.constant 16 : index
        %get3A_145 = tpu.vector_load %arg12[%get3A_143, %get3A_144] {strides = array<i32>} : memref<128x128xf32, #tpu.memory_space<vmem>>, vector<1x16xf32>,
        %get3A_146 = vector.shape_cast %get3A_145 : vector<1x16xf32> to vector<16xf32>
        %add3A_147 = arith.addf %get3A_142, %get3A_146 : vector<16xf32>
        %swap3A_148 = arith.index_cast %scan3A_126 : i32 to index
        %swap3A_149 = arith.constant 16 : index
        %swap3A_150 = tpu.vector_load %arg11[%swap3A_148, %swap3A_149] {strides = array<i32>} : memref<128x128xf32, #tpu.memory_space<vmem>>, vector<1x16xf32>,
        %swap3A_151 = vector.shape_cast %swap3A_150 : vector<1x16xf32> to vector<16xf32>
        %swap3A_152 = vector.shape_cast %add3A_147 : vector<16xf32> to vector<1x16xf32>
        tpu.vector_store %arg11[%swap3A_148, %swap3A_149], %swap3A_152 {strides = array<i32>} : memref<128x128xf32, #tpu.memory_space<vmem>>, vector<1x16xf32>,
        %get3A_153 = arith.index_cast %scan3A_126 : i32 to index
        %get3A_154 = arith.constant 32 : index
        %get3A_155 = tpu.vector_load %arg11[%get3A_153, %get3A_154] {strides = array<i32>} : memref<128x128xf32, #tpu.memory_space<vmem>>, vector<1x16xf32>,
        %get3A_156 = vector.shape_cast %get3A_155 : vector<1x16xf32> to vector<16xf32>
        %get3A_157 = arith.index_cast %scan3A_126 : i32 to index
        %get3A_158 = arith.constant 32 : index
        %get3A_159 = tpu.vector_load %arg12[%get3A_157, %get3A_158] {strides = array<i32>} : memref<128x128xf32, #tpu.memory_space<vmem>>, vector<1x16xf32>,
        %get3A_160 = vector.shape_cast %get3A_159 : vector<1x16xf32> to vector<16xf32>
        %add3A_161 = arith.addf %get3A_156, %get3A_160 : vector<16xf32>
        %swap3A_162 = arith.index_cast %scan3A_126 : i32 to index
        %swap3A_163 = arith.constant 32 : index
        %swap3A_164 = tpu.vector_load %arg11[%swap3A_162, %swap3A_163] {strides = array<i32>} : memref<128x128xf32, #tpu.memory_space<vmem>>, vector<1x16xf32>,
        %swap3A_165 = vector.shape_cast %swap3A_164 : vector<1x16xf32> to vector<16xf32>
        %swap3A_166 = vector.shape_cast %add3A_161 : vector<16xf32> to vector<1x16xf32>
        tpu.vector_store %arg11[%swap3A_162, %swap3A_163], %swap3A_166 {strides = array<i32>} : memref<128x128xf32, #tpu.memory_space<vmem>>, vector<1x16xf32>,
        %get3A_167 = arith.index_cast %scan3A_126 : i32 to index
        %get3A_168 = arith.constant 48 : index
        %get3A_169 = tpu.vector_load %arg11[%get3A_167, %get3A_168] {strides = array<i32>} : memref<128x128xf32, #tpu.memory_space<vmem>>, vector<1x16xf32>,
        %get3A_170 = vector.shape_cast %get3A_169 : vector<1x16xf32> to vector<16xf32>
        %get3A_171 = arith.index_cast %scan3A_126 : i32 to index
        %get3A_172 = arith.constant 48 : index
        %get3A_173 = tpu.vector_load %arg12[%get3A_171, %get3A_172] {strides = array<i32>} : memref<128x128xf32, #tpu.memory_space<vmem>>, vector<1x16xf32>,
        %get3A_174 = vector.shape_cast %get3A_173 : vector<1x16xf32> to vector<16xf32>
        %add3A_175 = arith.addf %get3A_170, %get3A_174 : vector<16xf32>
        %swap3A_176 = arith.index_cast %scan3A_126 : i32 to index
        %swap3A_177 = arith.constant 48 : index
        %swap3A_178 = tpu.vector_load %arg11[%swap3A_176, %swap3A_177] {strides = array<i32>} : memref<128x128xf32, #tpu.memory_space<vmem>>, vector<1x16xf32>,
        %swap3A_179 = vector.shape_cast %swap3A_178 : vector<1x16xf32> to vector<16xf32>
        %swap3A_180 = vector.shape_cast %add3A_175 : vector<16xf32> to vector<1x16xf32>
        tpu.vector_store %arg11[%swap3A_176, %swap3A_177], %swap3A_180 {strides = array<i32>} : memref<128x128xf32, #tpu.memory_space<vmem>>, vector<1x16xf32>,
        %get3A_181 = arith.index_cast %scan3A_126 : i32 to index
        %get3A_182 = arith.constant 64 : index
        %get3A_183 = tpu.vector_load %arg11[%get3A_181, %get3A_182] {strides = array<i32>} : memref<128x128xf32, #tpu.memory_space<vmem>>, vector<1x16xf32>,
        %get3A_184 = vector.shape_cast %get3A_183 : vector<1x16xf32> to vector<16xf32>
        %get3A_185 = arith.index_cast %scan3A_126 : i32 to index
        %get3A_186 = arith.constant 64 : index
        %get3A_187 = tpu.vector_load %arg12[%get3A_185, %get3A_186] {strides = array<i32>} : memref<128x128xf32, #tpu.memory_space<vmem>>, vector<1x16xf32>,
        %get3A_188 = vector.shape_cast %get3A_187 : vector<1x16xf32> to vector<16xf32>
        %add3A_189 = arith.addf %get3A_184, %get3A_188 : vector<16xf32>
        %swap3A_190 = arith.index_cast %scan3A_126 : i32 to index
        %swap3A_191 = arith.constant 64 : index
        %swap3A_192 = tpu.vector_load %arg11[%swap3A_190, %swap3A_191] {strides = array<i32>} : memref<128x128xf32, #tpu.memory_space<vmem>>, vector<1x16xf32>,
        %swap3A_193 = vector.shape_cast %swap3A_192 : vector<1x16xf32> to vector<16xf32>
        %swap3A_194 = vector.shape_cast %add3A_189 : vector<16xf32> to vector<1x16xf32>
        tpu.vector_store %arg11[%swap3A_190, %swap3A_191], %swap3A_194 {strides = array<i32>} : memref<128x128xf32, #tpu.memory_space<vmem>>, vector<1x16xf32>,
        %get3A_195 = arith.index_cast %scan3A_126 : i32 to index
        %get3A_196 = arith.constant 80 : index
        %get3A_197 = tpu.vector_load %arg11[%get3A_195, %get3A_196] {strides = array<i32>} : memref<128x128xf32, #tpu.memory_space<vmem>>, vector<1x16xf32>,
        %get3A_198 = vector.shape_cast %get3A_197 : vector<1x16xf32> to vector<16xf32>
        %get3A_199 = arith.index_cast %scan3A_126 : i32 to index
        %get3A_200 = arith.constant 80 : index
        %get3A_201 = tpu.vector_load %arg12[%get3A_199, %get3A_200] {strides = array<i32>} : memref<128x128xf32, #tpu.memory_space<vmem>>, vector<1x16xf32>,
        %get3A_202 = vector.shape_cast %get3A_201 : vector<1x16xf32> to vector<16xf32>
        %add3A_203 = arith.addf %get3A_198, %get3A_202 : vector<16xf32>
        %swap3A_204 = arith.index_cast %scan3A_126 : i32 to index
        %swap3A_205 = arith.constant 80 : index
        %swap3A_206 = tpu.vector_load %arg11[%swap3A_204, %swap3A_205] {strides = array<i32>} : memref<128x128xf32, #tpu.memory_space<vmem>>, vector<1x16xf32>,
        %swap3A_207 = vector.shape_cast %swap3A_206 : vector<1x16xf32> to vector<16xf32>
        %swap3A_208 = vector.shape_cast %add3A_203 : vector<16xf32> to vector<1x16xf32>
        tpu.vector_store %arg11[%swap3A_204, %swap3A_205], %swap3A_208 {strides = array<i32>} : memref<128x128xf32, #tpu.memory_space<vmem>>, vector<1x16xf32>,
        %get3A_209 = arith.index_cast %scan3A_126 : i32 to index
        %get3A_210 = arith.constant 96 : index
        %get3A_211 = tpu.vector_load %arg11[%get3A_209, %get3A_210] {strides = array<i32>} : memref<128x128xf32, #tpu.memory_space<vmem>>, vector<1x16xf32>,
        %get3A_212 = vector.shape_cast %get3A_211 : vector<1x16xf32> to vector<16xf32>
        %get3A_213 = arith.index_cast %scan3A_126 : i32 to index
        %get3A_214 = arith.constant 96 : index
        %get3A_215 = tpu.vector_load %arg12[%get3A_213, %get3A_214] {strides = array<i32>} : memref<128x128xf32, #tpu.memory_space<vmem>>, vector<1x16xf32>,
        %get3A_216 = vector.shape_cast %get3A_215 : vector<1x16xf32> to vector<16xf32>
        %add3A_217 = arith.addf %get3A_212, %get3A_216 : vector<16xf32>
        %swap3A_218 = arith.index_cast %scan3A_126 : i32 to index
        %swap3A_219 = arith.constant 96 : index
        %swap3A_220 = tpu.vector_load %arg11[%swap3A_218, %swap3A_219] {strides = array<i32>} : memref<128x128xf32, #tpu.memory_space<vmem>>, vector<1x16xf32>,
        %swap3A_221 = vector.shape_cast %swap3A_220 : vector<1x16xf32> to vector<16xf32>
        %swap3A_222 = vector.shape_cast %add3A_217 : vector<16xf32> to vector<1x16xf32>
        tpu.vector_store %arg11[%swap3A_218, %swap3A_219], %swap3A_222 {strides = array<i32>} : memref<128x128xf32, #tpu.memory_space<vmem>>, vector<1x16xf32>,
        %get3A_223 = arith.index_cast %scan3A_126 : i32 to index
        %get3A_224 = arith.constant 112 : index
        %get3A_225 = tpu.vector_load %arg11[%get3A_223, %get3A_224] {strides = array<i32>} : memref<128x128xf32, #tpu.memory_space<vmem>>, vector<1x16xf32>,
        %get3A_226 = vector.shape_cast %get3A_225 : vector<1x16xf32> to vector<16xf32>
        %get3A_227 = arith.index_cast %scan3A_126 : i32 to index
        %get3A_228 = arith.constant 112 : index
        %get3A_229 = tpu.vector_load %arg12[%get3A_227, %get3A_228] {strides = array<i32>} : memref<128x128xf32, #tpu.memory_space<vmem>>, vector<1x16xf32>,
        %get3A_230 = vector.shape_cast %get3A_229 : vector<1x16xf32> to vector<16xf32>
        %add3A_231 = arith.addf %get3A_226, %get3A_230 : vector<16xf32>
        %swap3A_232 = arith.index_cast %scan3A_126 : i32 to index
        %swap3A_233 = arith.constant 112 : index
        %swap3A_234 = tpu.vector_load %arg11[%swap3A_232, %swap3A_233] {strides = array<i32>} : memref<128x128xf32, #tpu.memory_space<vmem>>, vector<1x16xf32>,
        %swap3A_235 = vector.shape_cast %swap3A_234 : vector<1x16xf32> to vector<16xf32>
        %swap3A_236 = vector.shape_cast %add3A_231 : vector<16xf32> to vector<1x16xf32>
        tpu.vector_store %arg11[%swap3A_232, %swap3A_233], %swap3A_236 {strides = array<i32>} : memref<128x128xf32, #tpu.memory_space<vmem>>, vector<1x16xf32>,
      }
      %scan3A_81 = arith.constant 128 : i32
      %mul3A_82 = arith.constant 128 : i32
      %mul3A_83 = arith.muli %mul3A_47, %mul3A_82 : i32
      %add3A_84 = arith.addi %mul3A_2, %mul3A_83 : i32
      %multiple_of3A_85 = tpu.assume_multiple %add3A_84, 8 : i32
      %dma_start3A_86 = arith.constant 0 : i32
      %dma_start3A_87 = tpu.memref_slice %arg6[%multiple_of3A_85, %dma_start3A_86] : memref<163840x128xf32, #tpu.memory_space<hbm>> -> memref<128x128xf32, #tpu.memory_space<hbm>>
      %dma_start3A_88 = arith.constant 0 : i32
      %dma_start3A_89 = tpu.memref_slice %arg6[%multiple_of3A_85, %dma_start3A_88] : memref<163840x128xf32, #tpu.memory_space<hbm>> -> memref<128x128xf32, #tpu.memory_space<hbm>>
      tpu.enqueue_dma source(%arg11 : memref<128x128xf32, #tpu.memory_space<vmem>>) target(%dma_start3A_89 : memref<128x128xf32, #tpu.memory_space<hbm>>) target_semaphore(%arg19 : memref<!tpu.dma_semaphore, #tpu.memory_space<semaphore_mem>>)
      %dma_wait3A_90 = arith.constant 0 : i32
      %dma_wait3A_91 = arith.constant 0 : i32
      %dma_wait3A_92 = tpu.memref_slice %arg2[%dma_wait3A_90, %dma_wait3A_91] : memref<10000x128xf32, #tpu.memory_space<hbm>> -> memref<10000x128xf32, #tpu.memory_space<hbm>>
      tpu.wait_indirect_dma semaphore(%arg18 : memref<!tpu.dma_semaphore, #tpu.memory_space<semaphore_mem>>) src(%dma_wait3A_92 : memref<10000x128xf32, #tpu.memory_space<hbm>>) dst(%arg13 : memref<128x128xf32, #tpu.memory_space<vmem>>)
      %dma_wait3A_93 = arith.constant 0 : i32
      %dma_wait3A_94 = arith.constant 0 : i32
      %dma_wait3A_95 = tpu.memref_slice %arg3[%dma_wait3A_93, %dma_wait3A_94] : memref<10000x128xf32, #tpu.memory_space<hbm>> -> memref<10000x128xf32, #tpu.memory_space<hbm>>
      tpu.wait_indirect_dma semaphore(%arg18 : memref<!tpu.dma_semaphore, #tpu.memory_space<semaphore_mem>>) src(%dma_wait3A_95 : memref<10000x128xf32, #tpu.memory_space<hbm>>) dst(%arg14 : memref<128x128xf32, #tpu.memory_space<vmem>>)
      %add3A_96 = arith.constant 3 : i32
      %add3A_97 = arith.addi %mul3A_47, %add3A_96 : i32
      %lt3A_98 = arith.constant 40 : i32
      %lt3A_99 = arith.cmpi slt, %add3A_97, %lt3A_98 : i32
      %convert_element_type3A_100 = arith.extui %lt3A_99 : i1 to i32
      %cond3A_101 = arith.constant 0 : i32
      %cond3A_102 = arith.cmpi ne, %convert_element_type3A_100, %cond3A_101 : i32
      scf.if %cond3A_102 {
        %add3A_126 = arith.constant 3 : i32
        %add3A_127 = arith.addi %mul3A_47, %add3A_126 : i32
        %mul3A_128 = arith.constant 128 : i32
        %mul3A_129 = arith.muli %add3A_127, %mul3A_128 : i32
        %add3A_130 = arith.addi %mul3A_2, %mul3A_129 : i32
        %multiple_of3A_131 = tpu.assume_multiple %add3A_130, 8 : i32
        %dma_start3A_132 = tpu.memref_slice %arg4[%multiple_of3A_131] : memref<163840xi32, #tpu.memory_space<hbm>> -> memref<128xi32, #tpu.memory_space<hbm>>
        %dma_start3A_133 = tpu.memref_slice %arg4[%multiple_of3A_131] : memref<163840xi32, #tpu.memory_space<hbm>> -> memref<128xi32, #tpu.memory_space<hbm>>
        tpu.enqueue_dma source(%dma_start3A_133 : memref<128xi32, #tpu.memory_space<hbm>>) target(%arg9 : memref<128xi32, #tpu.memory_space<vmem>>) target_semaphore(%arg16 : memref<!tpu.dma_semaphore, #tpu.memory_space<semaphore_mem>>)
        %dma_start3A_134 = tpu.memref_slice %arg5[%multiple_of3A_131] : memref<163840xi32, #tpu.memory_space<hbm>> -> memref<128xi32, #tpu.memory_space<hbm>>
        %dma_start3A_135 = tpu.memref_slice %arg5[%multiple_of3A_131] : memref<163840xi32, #tpu.memory_space<hbm>> -> memref<128xi32, #tpu.memory_space<hbm>>
        tpu.enqueue_dma source(%dma_start3A_135 : memref<128xi32, #tpu.memory_space<hbm>>) target(%arg10 : memref<128xi32, #tpu.memory_space<vmem>>) target_semaphore(%arg16 : memref<!tpu.dma_semaphore, #tpu.memory_space<semaphore_mem>>)
      } else {
      }
      %add3A_103 = arith.constant 2 : i32
      %add3A_104 = arith.addi %mul3A_47, %add3A_103 : i32
      %lt3A_105 = arith.constant 40 : i32
      %lt3A_106 = arith.cmpi slt, %add3A_104, %lt3A_105 : i32
      %convert_element_type3A_107 = arith.extui %lt3A_106 : i1 to i32
      %cond3A_108 = arith.constant 0 : i32
      %cond3A_109 = arith.cmpi ne, %convert_element_type3A_107, %cond3A_108 : i32
      scf.if %cond3A_109 {
        %dma_wait3A_126 = arith.constant 0 : i32
        %dma_wait3A_127 = arith.constant 0 : i32
        %dma_wait3A_128 = tpu.memref_slice %arg6[%dma_wait3A_126, %dma_wait3A_127] : memref<163840x128xf32, #tpu.memory_space<hbm>> -> memref<128x128xf32, #tpu.memory_space<hbm>>
        %dma_wait3A_129 = arith.constant 0 : i32
        %dma_wait3A_130 = arith.constant 0 : i32
        %dma_wait3A_131 = tpu.memref_slice %arg6[%dma_wait3A_129, %dma_wait3A_130] : memref<163840x128xf32, #tpu.memory_space<hbm>> -> memref<128x128xf32, #tpu.memory_space<hbm>>
        tpu.wait_dma2 semaphore(%arg19 : memref<!tpu.dma_semaphore, #tpu.memory_space<semaphore_mem>>) src(%arg11 : memref<128x128xf32, #tpu.memory_space<vmem>>) dst(%dma_wait3A_131 : memref<128x128xf32, #tpu.memory_space<hbm>>)
        %dma_wait3A_132 = arith.constant 0 : i32
        %dma_wait3A_133 = tpu.memref_slice %arg4[%dma_wait3A_132] : memref<163840xi32, #tpu.memory_space<hbm>> -> memref<128xi32, #tpu.memory_space<hbm>>
        %dma_wait3A_134 = arith.constant 0 : i32
        %dma_wait3A_135 = tpu.memref_slice %arg4[%dma_wait3A_134] : memref<163840xi32, #tpu.memory_space<hbm>> -> memref<128xi32, #tpu.memory_space<hbm>>
        tpu.wait_dma2 semaphore(%arg15 : memref<!tpu.dma_semaphore, #tpu.memory_space<semaphore_mem>>) src(%dma_wait3A_135 : memref<128xi32, #tpu.memory_space<hbm>>) dst(%arg7 : memref<128xi32, #tpu.memory_space<vmem>>)
        %dma_wait3A_136 = arith.constant 0 : i32
        %dma_wait3A_137 = tpu.memref_slice %arg5[%dma_wait3A_136] : memref<163840xi32, #tpu.memory_space<hbm>> -> memref<128xi32, #tpu.memory_space<hbm>>
        %dma_wait3A_138 = arith.constant 0 : i32
        %dma_wait3A_139 = tpu.memref_slice %arg5[%dma_wait3A_138] : memref<163840xi32, #tpu.memory_space<hbm>> -> memref<128xi32, #tpu.memory_space<hbm>>
        tpu.wait_dma2 semaphore(%arg15 : memref<!tpu.dma_semaphore, #tpu.memory_space<semaphore_mem>>) src(%dma_wait3A_139 : memref<128xi32, #tpu.memory_space<hbm>>) dst(%arg8 : memref<128xi32, #tpu.memory_space<vmem>>)
        %dma_start3A_140 = arith.constant 0 : i32
        %dma_start3A_141 = arith.constant 0 : i32
        %dma_start3A_142 = tpu.memref_slice %arg2[%dma_start3A_140, %dma_start3A_141] : memref<10000x128xf32, #tpu.memory_space<hbm>> -> memref<10000x128xf32, #tpu.memory_space<hbm>>
        tpu.enqueue_indirect_dma source(%dma_start3A_142 : memref<10000x128xf32, #tpu.memory_space<hbm>>) target(%arg11 : memref<128x128xf32, #tpu.memory_space<vmem>>) offsets(%arg7 : memref<128xi32, #tpu.memory_space<vmem>>) semaphore(%arg17 : memref<!tpu.dma_semaphore, #tpu.memory_space<semaphore_mem>>)
        %dma_start3A_143 = arith.constant 0 : i32
        %dma_start3A_144 = arith.constant 0 : i32
        %dma_start3A_145 = tpu.memref_slice %arg3[%dma_start3A_143, %dma_start3A_144] : memref<10000x128xf32, #tpu.memory_space<hbm>> -> memref<10000x128xf32, #tpu.memory_space<hbm>>
        tpu.enqueue_indirect_dma source(%dma_start3A_145 : memref<10000x128xf32, #tpu.memory_space<hbm>>) target(%arg12 : memref<128x128xf32, #tpu.memory_space<vmem>>) offsets(%arg8 : memref<128xi32, #tpu.memory_space<vmem>>) semaphore(%arg17 : memref<!tpu.dma_semaphore, #tpu.memory_space<semaphore_mem>>)
      } else {
      }
      %scan3A_110 = arith.constant 0 : i32
      %scan3A_111 = arith.constant 0 : i32
      %scan3A_112 = arith.constant 128 : i32
      %scan3A_113 = arith.addi %scan3A_111, %scan3A_112 : i32
      %scan3A_114 = arith.constant 1 : i32
      scf.for %scan3A_126 = %scan3A_111 to %scan3A_113 step %scan3A_114  : i32 {
        %get3A = arith.index_cast %scan3A_126 : i32 to index
        %get3A_127 = arith.constant 0 : index
        %get3A_128 = tpu.vector_load %arg13[%get3A, %get3A_127] {strides = array<i32>} : memref<128x128xf32, #tpu.memory_space<vmem>>, vector<1x16xf32>,
        %get3A_129 = vector.shape_cast %get3A_128 : vector<1x16xf32> to vector<16xf32>
        %get3A_130 = arith.index_cast %scan3A_126 : i32 to index
        %get3A_131 = arith.constant 0 : index
        %get3A_132 = tpu.vector_load %arg14[%get3A_130, %get3A_131] {strides = array<i32>} : memref<128x128xf32, #tpu.memory_space<vmem>>, vector<1x16xf32>,
        %get3A_133 = vector.shape_cast %get3A_132 : vector<1x16xf32> to vector<16xf32>
        %add3A_134 = arith.addf %get3A_129, %get3A_133 : vector<16xf32>
        %swap3A = arith.index_cast %scan3A_126 : i32 to index
        %swap3A_135 = arith.constant 0 : index
        %swap3A_136 = tpu.vector_load %arg13[%swap3A, %swap3A_135] {strides = array<i32>} : memref<128x128xf32, #tpu.memory_space<vmem>>, vector<1x16xf32>,
        %swap3A_137 = vector.shape_cast %swap3A_136 : vector<1x16xf32> to vector<16xf32>
        %swap3A_138 = vector.shape_cast %add3A_134 : vector<16xf32> to vector<1x16xf32>
        tpu.vector_store %arg13[%swap3A, %swap3A_135], %swap3A_138 {strides = array<i32>} : memref<128x128xf32, #tpu.memory_space<vmem>>, vector<1x16xf32>,
        %get3A_139 = arith.index_cast %scan3A_126 : i32 to index
        %get3A_140 = arith.constant 16 : index
        %get3A_141 = tpu.vector_load %arg13[%get3A_139, %get3A_140] {strides = array<i32>} : memref<128x128xf32, #tpu.memory_space<vmem>>, vector<1x16xf32>,
        %get3A_142 = vector.shape_cast %get3A_141 : vector<1x16xf32> to vector<16xf32>
        %get3A_143 = arith.index_cast %scan3A_126 : i32 to index
        %get3A_144 = arith.constant 16 : index
        %get3A_145 = tpu.vector_load %arg14[%get3A_143, %get3A_144] {strides = array<i32>} : memref<128x128xf32, #tpu.memory_space<vmem>>, vector<1x16xf32>,
        %get3A_146 = vector.shape_cast %get3A_145 : vector<1x16xf32> to vector<16xf32>
        %add3A_147 = arith.addf %get3A_142, %get3A_146 : vector<16xf32>
        %swap3A_148 = arith.index_cast %scan3A_126 : i32 to index
        %swap3A_149 = arith.constant 16 : index
        %swap3A_150 = tpu.vector_load %arg13[%swap3A_148, %swap3A_149] {strides = array<i32>} : memref<128x128xf32, #tpu.memory_space<vmem>>, vector<1x16xf32>,
        %swap3A_151 = vector.shape_cast %swap3A_150 : vector<1x16xf32> to vector<16xf32>
        %swap3A_152 = vector.shape_cast %add3A_147 : vector<16xf32> to vector<1x16xf32>
        tpu.vector_store %arg13[%swap3A_148, %swap3A_149], %swap3A_152 {strides = array<i32>} : memref<128x128xf32, #tpu.memory_space<vmem>>, vector<1x16xf32>,
        %get3A_153 = arith.index_cast %scan3A_126 : i32 to index
        %get3A_154 = arith.constant 32 : index
        %get3A_155 = tpu.vector_load %arg13[%get3A_153, %get3A_154] {strides = array<i32>} : memref<128x128xf32, #tpu.memory_space<vmem>>, vector<1x16xf32>,
        %get3A_156 = vector.shape_cast %get3A_155 : vector<1x16xf32> to vector<16xf32>
        %get3A_157 = arith.index_cast %scan3A_126 : i32 to index
        %get3A_158 = arith.constant 32 : index
        %get3A_159 = tpu.vector_load %arg14[%get3A_157, %get3A_158] {strides = array<i32>} : memref<128x128xf32, #tpu.memory_space<vmem>>, vector<1x16xf32>,
        %get3A_160 = vector.shape_cast %get3A_159 : vector<1x16xf32> to vector<16xf32>
        %add3A_161 = arith.addf %get3A_156, %get3A_160 : vector<16xf32>
        %swap3A_162 = arith.index_cast %scan3A_126 : i32 to index
        %swap3A_163 = arith.constant 32 : index
        %swap3A_164 = tpu.vector_load %arg13[%swap3A_162, %swap3A_163] {strides = array<i32>} : memref<128x128xf32, #tpu.memory_space<vmem>>, vector<1x16xf32>,
        %swap3A_165 = vector.shape_cast %swap3A_164 : vector<1x16xf32> to vector<16xf32>
        %swap3A_166 = vector.shape_cast %add3A_161 : vector<16xf32> to vector<1x16xf32>
        tpu.vector_store %arg13[%swap3A_162, %swap3A_163], %swap3A_166 {strides = array<i32>} : memref<128x128xf32, #tpu.memory_space<vmem>>, vector<1x16xf32>,
        %get3A_167 = arith.index_cast %scan3A_126 : i32 to index
        %get3A_168 = arith.constant 48 : index
        %get3A_169 = tpu.vector_load %arg13[%get3A_167, %get3A_168] {strides = array<i32>} : memref<128x128xf32, #tpu.memory_space<vmem>>, vector<1x16xf32>,
        %get3A_170 = vector.shape_cast %get3A_169 : vector<1x16xf32> to vector<16xf32>
        %get3A_171 = arith.index_cast %scan3A_126 : i32 to index
        %get3A_172 = arith.constant 48 : index
        %get3A_173 = tpu.vector_load %arg14[%get3A_171, %get3A_172] {strides = array<i32>} : memref<128x128xf32, #tpu.memory_space<vmem>>, vector<1x16xf32>,
        %get3A_174 = vector.shape_cast %get3A_173 : vector<1x16xf32> to vector<16xf32>
        %add3A_175 = arith.addf %get3A_170, %get3A_174 : vector<16xf32>
        %swap3A_176 = arith.index_cast %scan3A_126 : i32 to index
        %swap3A_177 = arith.constant 48 : index
        %swap3A_178 = tpu.vector_load %arg13[%swap3A_176, %swap3A_177] {strides = array<i32>} : memref<128x128xf32, #tpu.memory_space<vmem>>, vector<1x16xf32>,
        %swap3A_179 = vector.shape_cast %swap3A_178 : vector<1x16xf32> to vector<16xf32>
        %swap3A_180 = vector.shape_cast %add3A_175 : vector<16xf32> to vector<1x16xf32>
        tpu.vector_store %arg13[%swap3A_176, %swap3A_177], %swap3A_180 {strides = array<i32>} : memref<128x128xf32, #tpu.memory_space<vmem>>, vector<1x16xf32>,
        %get3A_181 = arith.index_cast %scan3A_126 : i32 to index
        %get3A_182 = arith.constant 64 : index
        %get3A_183 = tpu.vector_load %arg13[%get3A_181, %get3A_182] {strides = array<i32>} : memref<128x128xf32, #tpu.memory_space<vmem>>, vector<1x16xf32>,
        %get3A_184 = vector.shape_cast %get3A_183 : vector<1x16xf32> to vector<16xf32>
        %get3A_185 = arith.index_cast %scan3A_126 : i32 to index
        %get3A_186 = arith.constant 64 : index
        %get3A_187 = tpu.vector_load %arg14[%get3A_185, %get3A_186] {strides = array<i32>} : memref<128x128xf32, #tpu.memory_space<vmem>>, vector<1x16xf32>,
        %get3A_188 = vector.shape_cast %get3A_187 : vector<1x16xf32> to vector<16xf32>
        %add3A_189 = arith.addf %get3A_184, %get3A_188 : vector<16xf32>
        %swap3A_190 = arith.index_cast %scan3A_126 : i32 to index
        %swap3A_191 = arith.constant 64 : index
        %swap3A_192 = tpu.vector_load %arg13[%swap3A_190, %swap3A_191] {strides = array<i32>} : memref<128x128xf32, #tpu.memory_space<vmem>>, vector<1x16xf32>,
        %swap3A_193 = vector.shape_cast %swap3A_192 : vector<1x16xf32> to vector<16xf32>
        %swap3A_194 = vector.shape_cast %add3A_189 : vector<16xf32> to vector<1x16xf32>
        tpu.vector_store %arg13[%swap3A_190, %swap3A_191], %swap3A_194 {strides = array<i32>} : memref<128x128xf32, #tpu.memory_space<vmem>>, vector<1x16xf32>,
        %get3A_195 = arith.index_cast %scan3A_126 : i32 to index
        %get3A_196 = arith.constant 80 : index
        %get3A_197 = tpu.vector_load %arg13[%get3A_195, %get3A_196] {strides = array<i32>} : memref<128x128xf32, #tpu.memory_space<vmem>>, vector<1x16xf32>,
        %get3A_198 = vector.shape_cast %get3A_197 : vector<1x16xf32> to vector<16xf32>
        %get3A_199 = arith.index_cast %scan3A_126 : i32 to index
        %get3A_200 = arith.constant 80 : index
        %get3A_201 = tpu.vector_load %arg14[%get3A_199, %get3A_200] {strides = array<i32>} : memref<128x128xf32, #tpu.memory_space<vmem>>, vector<1x16xf32>,
        %get3A_202 = vector.shape_cast %get3A_201 : vector<1x16xf32> to vector<16xf32>
        %add3A_203 = arith.addf %get3A_198, %get3A_202 : vector<16xf32>
        %swap3A_204 = arith.index_cast %scan3A_126 : i32 to index
        %swap3A_205 = arith.constant 80 : index
        %swap3A_206 = tpu.vector_load %arg13[%swap3A_204, %swap3A_205] {strides = array<i32>} : memref<128x128xf32, #tpu.memory_space<vmem>>, vector<1x16xf32>,
        %swap3A_207 = vector.shape_cast %swap3A_206 : vector<1x16xf32> to vector<16xf32>
        %swap3A_208 = vector.shape_cast %add3A_203 : vector<16xf32> to vector<1x16xf32>
        tpu.vector_store %arg13[%swap3A_204, %swap3A_205], %swap3A_208 {strides = array<i32>} : memref<128x128xf32, #tpu.memory_space<vmem>>, vector<1x16xf32>,
        %get3A_209 = arith.index_cast %scan3A_126 : i32 to index
        %get3A_210 = arith.constant 96 : index
        %get3A_211 = tpu.vector_load %arg13[%get3A_209, %get3A_210] {strides = array<i32>} : memref<128x128xf32, #tpu.memory_space<vmem>>, vector<1x16xf32>,
        %get3A_212 = vector.shape_cast %get3A_211 : vector<1x16xf32> to vector<16xf32>
        %get3A_213 = arith.index_cast %scan3A_126 : i32 to index
        %get3A_214 = arith.constant 96 : index
        %get3A_215 = tpu.vector_load %arg14[%get3A_213, %get3A_214] {strides = array<i32>} : memref<128x128xf32, #tpu.memory_space<vmem>>, vector<1x16xf32>,
        %get3A_216 = vector.shape_cast %get3A_215 : vector<1x16xf32> to vector<16xf32>
        %add3A_217 = arith.addf %get3A_212, %get3A_216 : vector<16xf32>
        %swap3A_218 = arith.index_cast %scan3A_126 : i32 to index
        %swap3A_219 = arith.constant 96 : index
        %swap3A_220 = tpu.vector_load %arg13[%swap3A_218, %swap3A_219] {strides = array<i32>} : memref<128x128xf32, #tpu.memory_space<vmem>>, vector<1x16xf32>,
        %swap3A_221 = vector.shape_cast %swap3A_220 : vector<1x16xf32> to vector<16xf32>
        %swap3A_222 = vector.shape_cast %add3A_217 : vector<16xf32> to vector<1x16xf32>
        tpu.vector_store %arg13[%swap3A_218, %swap3A_219], %swap3A_222 {strides = array<i32>} : memref<128x128xf32, #tpu.memory_space<vmem>>, vector<1x16xf32>,
        %get3A_223 = arith.index_cast %scan3A_126 : i32 to index
        %get3A_224 = arith.constant 112 : index
        %get3A_225 = tpu.vector_load %arg13[%get3A_223, %get3A_224] {strides = array<i32>} : memref<128x128xf32, #tpu.memory_space<vmem>>, vector<1x16xf32>,
        %get3A_226 = vector.shape_cast %get3A_225 : vector<1x16xf32> to vector<16xf32>
        %get3A_227 = arith.index_cast %scan3A_126 : i32 to index
        %get3A_228 = arith.constant 112 : index
        %get3A_229 = tpu.vector_load %arg14[%get3A_227, %get3A_228] {strides = array<i32>} : memref<128x128xf32, #tpu.memory_space<vmem>>, vector<1x16xf32>,
        %get3A_230 = vector.shape_cast %get3A_229 : vector<1x16xf32> to vector<16xf32>
        %add3A_231 = arith.addf %get3A_226, %get3A_230 : vector<16xf32>
        %swap3A_232 = arith.index_cast %scan3A_126 : i32 to index
        %swap3A_233 = arith.constant 112 : index
        %swap3A_234 = tpu.vector_load %arg13[%swap3A_232, %swap3A_233] {strides = array<i32>} : memref<128x128xf32, #tpu.memory_space<vmem>>, vector<1x16xf32>,
        %swap3A_235 = vector.shape_cast %swap3A_234 : vector<1x16xf32> to vector<16xf32>
        %swap3A_236 = vector.shape_cast %add3A_231 : vector<16xf32> to vector<1x16xf32>
        tpu.vector_store %arg13[%swap3A_232, %swap3A_233], %swap3A_236 {strides = array<i32>} : memref<128x128xf32, #tpu.memory_space<vmem>>, vector<1x16xf32>,
      }
      %scan3A_115 = arith.constant 128 : i32
      %add3A_116 = arith.constant 1 : i32
      %add3A_117 = arith.addi %mul3A_47, %add3A_116 : i32
      %mul3A_118 = arith.constant 128 : i32
      %mul3A_119 = arith.muli %add3A_117, %mul3A_118 : i32
      %add3A_120 = arith.addi %mul3A_2, %mul3A_119 : i32
      %multiple_of3A_121 = tpu.assume_multiple %add3A_120, 8 : i32
      %dma_start3A_122 = arith.constant 0 : i32
      %dma_start3A_123 = tpu.memref_slice %arg6[%multiple_of3A_121, %dma_start3A_122] : memref<163840x128xf32, #tpu.memory_space<hbm>> -> memref<128x128xf32, #tpu.memory_space<hbm>>
      %dma_start3A_124 = arith.constant 0 : i32
      %dma_start3A_125 = tpu.memref_slice %arg6[%multiple_of3A_121, %dma_start3A_124] : memref<163840x128xf32, #tpu.memory_space<hbm>> -> memref<128x128xf32, #tpu.memory_space<hbm>>
      tpu.enqueue_dma source(%arg13 : memref<128x128xf32, #tpu.memory_space<vmem>>) target(%dma_start3A_125 : memref<128x128xf32, #tpu.memory_space<hbm>>) target_semaphore(%arg20 : memref<!tpu.dma_semaphore, #tpu.memory_space<semaphore_mem>>)
    }
    %scan3A_32 = arith.constant 20 : i32
    %dma_wait3A_33 = arith.constant 0 : i32
    %dma_wait3A_34 = arith.constant 0 : i32
    %dma_wait3A_35 = tpu.memref_slice %arg6[%dma_wait3A_33, %dma_wait3A_34] : memref<163840x128xf32, #tpu.memory_space<hbm>> -> memref<128x128xf32, #tpu.memory_space<hbm>>
    %dma_wait3A_36 = arith.constant 0 : i32
    %dma_wait3A_37 = arith.constant 0 : i32
    %dma_wait3A_38 = tpu.memref_slice %arg6[%dma_wait3A_36, %dma_wait3A_37] : memref<163840x128xf32, #tpu.memory_space<hbm>> -> memref<128x128xf32, #tpu.memory_space<hbm>>
    tpu.wait_dma2 semaphore(%arg19 : memref<!tpu.dma_semaphore, #tpu.memory_space<semaphore_mem>>) src(%arg11 : memref<128x128xf32, #tpu.memory_space<vmem>>) dst(%dma_wait3A_38 : memref<128x128xf32, #tpu.memory_space<hbm>>)
    %dma_wait3A_39 = arith.constant 0 : i32
    %dma_wait3A_40 = arith.constant 0 : i32
    %dma_wait3A_41 = tpu.memref_slice %arg6[%dma_wait3A_39, %dma_wait3A_40] : memref<163840x128xf32, #tpu.memory_space<hbm>> -> memref<128x128xf32, #tpu.memory_space<hbm>>
    %dma_wait3A_42 = arith.constant 0 : i32
    %dma_wait3A_43 = arith.constant 0 : i32
    %dma_wait3A_44 = tpu.memref_slice %arg6[%dma_wait3A_42, %dma_wait3A_43] : memref<163840x128xf32, #tpu.memory_space<hbm>> -> memref<128x128xf32, #tpu.memory_space<hbm>>
    tpu.wait_dma2 semaphore(%arg20 : memref<!tpu.dma_semaphore, #tpu.memory_space<semaphore_mem>>) src(%arg13 : memref<128x128xf32, #tpu.memory_space<vmem>>) dst(%dma_wait3A_44 : memref<128x128xf32, #tpu.memory_space<hbm>>)
    return
  }
}

module attributes {stable_mosaic.version = 14 : i64} {
  func.func @_pre_tables_body(%arg0: i32, %arg1: memref<2000x128xf32, #tpu.memory_space<vmem>>, %arg2: memref<128x128xf32, #tpu.memory_space<vmem>>, %arg3: memref<128x128xf32, #tpu.memory_space<vmem>>, %arg4: memref<1x128xf32, #tpu.memory_space<vmem>>, %arg5: memref<2000x128xf32, #tpu.memory_space<vmem>>, %arg6: memref<2000x128xf32, #tpu.memory_space<vmem>>) attributes {dimension_semantics = [#tpu.dimension_semantics<arbitrary>], iteration_bounds = array<i64: 5>, scalar_prefetch = 0 : i64, scratch_operands = 0 : i64, tpu.core_type = #tpu.core_type<tc>, window_params = [{transform_indices = @transform_0, window_bounds = array<i64: 2000, 128>}, {pipeline_mode = #tpu.pipeline_mode<synchronous>, transform_indices = @transform_1, window_bounds = array<i64: 128, 128>}, {pipeline_mode = #tpu.pipeline_mode<synchronous>, transform_indices = @transform_2, window_bounds = array<i64: 128, 128>}, {pipeline_mode = #tpu.pipeline_mode<synchronous>, transform_indices = @transform_3, window_bounds = array<i64: 1, 128>}, {transform_indices = @transform_4, window_bounds = array<i64: 2000, 128>}, {transform_indices = @transform_5, window_bounds = array<i64: 2000, 128>}]} {
    %get3A = arith.constant 0 : index
    %get3A_0 = arith.constant 0 : index
    %get3A_1 = vector.load %arg1[%get3A, %get3A_0] : memref<2000x128xf32, #tpu.memory_space<vmem>>, vector<2000x128xf32>
    %get3A_2 = arith.constant 0 : index
    %get3A_3 = arith.constant 0 : index
    %get3A_4 = vector.load %arg2[%get3A_2, %get3A_3] : memref<128x128xf32, #tpu.memory_space<vmem>>, vector<128x128xf32>
    %dot_general3A = arith.constant dense<0.000000e+00> : vector<2000x128xf32>
    %dot_general3A_5 = tpu.matmul %get3A_1, %get3A_4, %dot_general3A {dimension_numbers = #tpu.dot_dimension_numbers<[1], [0], [0], [1], [0, 0, 1, 1], [], []>, transpose_lhs_hint = false} : vector<2000x128xf32>, vector<128x128xf32>, vector<2000x128xf32> -> vector<2000x128xf32>
    %get3A_6 = arith.constant 0 : index
    %get3A_7 = arith.constant 0 : index
    %get3A_8 = vector.load %arg4[%get3A_6, %get3A_7] : memref<1x128xf32, #tpu.memory_space<vmem>>, vector<1x128xf32>
    %add3A = vector.broadcast %get3A_8 : vector<1x128xf32> to vector<2000x128xf32>
    %add3A_9 = arith.addf %dot_general3A_5, %add3A : vector<2000x128xf32>
    %swap3A = arith.constant 0 : index
    %swap3A_10 = arith.constant 0 : index
    %swap3A_11 = vector.load %arg5[%swap3A, %swap3A_10] : memref<2000x128xf32, #tpu.memory_space<vmem>>, vector<2000x128xf32>
    tpu.vector_store %arg5[%swap3A, %swap3A_10], %add3A_9 {strides = array<i32>} : memref<2000x128xf32, #tpu.memory_space<vmem>>, vector<2000x128xf32>,
    %get3A_12 = arith.constant 0 : index
    %get3A_13 = arith.constant 0 : index
    %get3A_14 = vector.load %arg3[%get3A_12, %get3A_13] : memref<128x128xf32, #tpu.memory_space<vmem>>, vector<128x128xf32>
    %dot_general3A_15 = arith.constant dense<0.000000e+00> : vector<2000x128xf32>
    %dot_general3A_16 = tpu.matmul %get3A_1, %get3A_14, %dot_general3A_15 {dimension_numbers = #tpu.dot_dimension_numbers<[1], [0], [0], [1], [0, 0, 1, 1], [], []>, transpose_lhs_hint = false} : vector<2000x128xf32>, vector<128x128xf32>, vector<2000x128xf32> -> vector<2000x128xf32>
    %swap3A_17 = arith.constant 0 : index
    %swap3A_18 = arith.constant 0 : index
    %swap3A_19 = vector.load %arg6[%swap3A_17, %swap3A_18] : memref<2000x128xf32, #tpu.memory_space<vmem>>, vector<2000x128xf32>
    tpu.vector_store %arg6[%swap3A_17, %swap3A_18], %dot_general3A_16 {strides = array<i32>} : memref<2000x128xf32, #tpu.memory_space<vmem>>, vector<2000x128xf32>,
    return
  }
  func.func @transform_0(%arg0: i32) -> (i32, i32) {
    %c0_i32 = arith.constant 0 : i32
    %c0_i32_0 = arith.constant 0 : i32
    return %arg0, %c0_i32 : i32, i32
  }
  func.func @transform_1(%arg0: i32) -> (i32, i32) {
    %c0_i32 = arith.constant 0 : i32
    %c0_i32_0 = arith.constant 0 : i32
    %c0_i32_1 = arith.constant 0 : i32
    return %c0_i32, %c0_i32_0 : i32, i32
  }
  func.func @transform_2(%arg0: i32) -> (i32, i32) {
    %c0_i32 = arith.constant 0 : i32
    %c0_i32_0 = arith.constant 0 : i32
    %c0_i32_1 = arith.constant 0 : i32
    return %c0_i32, %c0_i32_0 : i32, i32
  }
  func.func @transform_3(%arg0: i32) -> (i32, i32) {
    %c0_i32 = arith.constant 0 : i32
    %c0_i32_0 = arith.constant 0 : i32
    %c0_i32_1 = arith.constant 0 : i32
    return %c0_i32, %c0_i32_0 : i32, i32
  }
  func.func @transform_4(%arg0: i32) -> (i32, i32) {
    %c0_i32 = arith.constant 0 : i32
    %c0_i32_0 = arith.constant 0 : i32
    return %arg0, %c0_i32 : i32, i32
  }
  func.func @transform_5(%arg0: i32) -> (i32, i32) {
    %c0_i32 = arith.constant 0 : i32
    %c0_i32_0 = arith.constant 0 : i32
    return %arg0, %c0_i32 : i32, i32
  }
}

module attributes {stable_mosaic.version = 14 : i64} {
  func.func @_edge_mlp_body(%arg0: i32, %arg1: memref<1280x128xf32, #tpu.memory_space<vmem>>, %arg2: memref<1x10x128xf32, #tpu.memory_space<vmem>>, %arg3: memref<1x128xf32, #tpu.memory_space<vmem>>, %arg4: memref<128x128xf32, #tpu.memory_space<vmem>>, %arg5: memref<1x128xf32, #tpu.memory_space<vmem>>, %arg6: memref<1280x128xf32, #tpu.memory_space<vmem>>) attributes {dimension_semantics = [#tpu.dimension_semantics<arbitrary>], iteration_bounds = array<i64: 128>, scalar_prefetch = 0 : i64, scratch_operands = 0 : i64, tpu.core_type = #tpu.core_type<tc>, window_params = [{transform_indices = @transform_0, window_bounds = array<i64: 1280, 128>}, {transform_indices = @transform_1, window_bounds = array<i64: 1, 10, 128>}, {pipeline_mode = #tpu.pipeline_mode<synchronous>, transform_indices = @transform_2, window_bounds = array<i64: 1, 128>}, {pipeline_mode = #tpu.pipeline_mode<synchronous>, transform_indices = @transform_3, window_bounds = array<i64: 128, 128>}, {pipeline_mode = #tpu.pipeline_mode<synchronous>, transform_indices = @transform_4, window_bounds = array<i64: 1, 128>}, {transform_indices = @transform_5, window_bounds = array<i64: 1280, 128>}]} {
    %get3A = arith.constant 0 : index
    %get3A_0 = arith.constant 0 : index
    %get3A_1 = vector.load %arg3[%get3A, %get3A_0] : memref<1x128xf32, #tpu.memory_space<vmem>>, vector<1x128xf32>
    %get3A_2 = arith.constant 0 : index
    %get3A_3 = arith.constant 0 : index
    %get3A_4 = vector.load %arg4[%get3A_2, %get3A_3] : memref<128x128xf32, #tpu.memory_space<vmem>>, vector<128x128xf32>
    %get3A_5 = arith.constant 0 : index
    %get3A_6 = arith.constant 0 : index
    %get3A_7 = vector.load %arg5[%get3A_5, %get3A_6] : memref<1x128xf32, #tpu.memory_space<vmem>>, vector<1x128xf32>
    %get3A_8 = arith.constant 0 : index
    %get3A_9 = arith.constant 0 : index
    %get3A_10 = arith.constant 0 : index
    %get3A_11 = vector.load %arg2[%get3A_8, %get3A_9, %get3A_10] : memref<1x10x128xf32, #tpu.memory_space<vmem>>, vector<1x1x128xf32>
    %get3A_12 = vector.shape_cast %get3A_11 : vector<1x1x128xf32> to vector<1x128xf32>
    %dot_general3A = arith.constant dense<0.000000e+00> : vector<128x128xf32>
    %dot_general3A_13 = tpu.matmul %get3A_12, %get3A_1, %dot_general3A {dimension_numbers = #tpu.dot_dimension_numbers<[0], [0], [1], [1], [0, 1, 1, 1], [], []>, transpose_lhs_hint = false} : vector<1x128xf32>, vector<1x128xf32>, vector<128x128xf32> -> vector<128x128xf32>
    %get3A_14 = arith.constant 0 : index
    %get3A_15 = arith.constant 0 : index
    %get3A_16 = vector.load %arg1[%get3A_14, %get3A_15] : memref<1280x128xf32, #tpu.memory_space<vmem>>, vector<128x128xf32>
    %add3A = arith.addf %get3A_16, %dot_general3A_13 : vector<128x128xf32>
    %logistic3A = arith.negf %add3A : vector<128x128xf32>
    %logistic3A_17 = math.exp %logistic3A : vector<128x128xf32>
    %logistic3A_18 = arith.constant 1.000000e+00 : f32
    %logistic3A_19 = vector.broadcast %logistic3A_18 : f32 to vector<128x128xf32>
    %logistic3A_20 = arith.addf %logistic3A_19, %logistic3A_17 : vector<128x128xf32>
    %logistic3A_21 = arith.divf %logistic3A_19, %logistic3A_20 : vector<128x128xf32>
    %mul3A = arith.mulf %add3A, %logistic3A_21 : vector<128x128xf32>
    %dot_general3A_22 = arith.constant dense<0.000000e+00> : vector<128x128xf32>
    %dot_general3A_23 = tpu.matmul %mul3A, %get3A_4, %dot_general3A_22 {dimension_numbers = #tpu.dot_dimension_numbers<[1], [0], [0], [1], [0, 0, 1, 1], [], []>, transpose_lhs_hint = false} : vector<128x128xf32>, vector<128x128xf32>, vector<128x128xf32> -> vector<128x128xf32>
    %add3A_24 = vector.broadcast %get3A_7 : vector<1x128xf32> to vector<128x128xf32>
    %add3A_25 = arith.addf %dot_general3A_23, %add3A_24 : vector<128x128xf32>
    %logistic3A_26 = arith.negf %add3A_25 : vector<128x128xf32>
    %logistic3A_27 = math.exp %logistic3A_26 : vector<128x128xf32>
    %logistic3A_28 = arith.constant 1.000000e+00 : f32
    %logistic3A_29 = vector.broadcast %logistic3A_28 : f32 to vector<128x128xf32>
    %logistic3A_30 = arith.addf %logistic3A_29, %logistic3A_27 : vector<128x128xf32>
    %logistic3A_31 = arith.divf %logistic3A_29, %logistic3A_30 : vector<128x128xf32>
    %mul3A_32 = arith.mulf %add3A_25, %logistic3A_31 : vector<128x128xf32>
    %swap3A = arith.constant 0 : index
    %swap3A_33 = arith.constant 0 : index
    %swap3A_34 = vector.load %arg6[%swap3A, %swap3A_33] : memref<1280x128xf32, #tpu.memory_space<vmem>>, vector<128x128xf32>
    tpu.vector_store %arg6[%swap3A, %swap3A_33], %mul3A_32 {strides = array<i32>} : memref<1280x128xf32, #tpu.memory_space<vmem>>, vector<128x128xf32>,
    %get3A_35 = arith.constant 0 : index
    %get3A_36 = arith.constant 1 : index
    %get3A_37 = arith.constant 0 : index
    %get3A_38 = vector.load %arg2[%get3A_35, %get3A_36, %get3A_37] : memref<1x10x128xf32, #tpu.memory_space<vmem>>, vector<1x1x128xf32>
    %get3A_39 = vector.shape_cast %get3A_38 : vector<1x1x128xf32> to vector<1x128xf32>
    %dot_general3A_40 = arith.constant dense<0.000000e+00> : vector<128x128xf32>
    %dot_general3A_41 = tpu.matmul %get3A_39, %get3A_1, %dot_general3A_40 {dimension_numbers = #tpu.dot_dimension_numbers<[0], [0], [1], [1], [0, 1, 1, 1], [], []>, transpose_lhs_hint = false} : vector<1x128xf32>, vector<1x128xf32>, vector<128x128xf32> -> vector<128x128xf32>
    %get3A_42 = arith.constant 128 : index
    %get3A_43 = arith.constant 0 : index
    %get3A_44 = vector.load %arg1[%get3A_42, %get3A_43] : memref<1280x128xf32, #tpu.memory_space<vmem>>, vector<128x128xf32>
    %add3A_45 = arith.addf %get3A_44, %dot_general3A_41 : vector<128x128xf32>
    %logistic3A_46 = arith.negf %add3A_45 : vector<128x128xf32>
    %logistic3A_47 = math.exp %logistic3A_46 : vector<128x128xf32>
    %logistic3A_48 = arith.constant 1.000000e+00 : f32
    %logistic3A_49 = vector.broadcast %logistic3A_48 : f32 to vector<128x128xf32>
    %logistic3A_50 = arith.addf %logistic3A_49, %logistic3A_47 : vector<128x128xf32>
    %logistic3A_51 = arith.divf %logistic3A_49, %logistic3A_50 : vector<128x128xf32>
    %mul3A_52 = arith.mulf %add3A_45, %logistic3A_51 : vector<128x128xf32>
    %dot_general3A_53 = arith.constant dense<0.000000e+00> : vector<128x128xf32>
    %dot_general3A_54 = tpu.matmul %mul3A_52, %get3A_4, %dot_general3A_53 {dimension_numbers = #tpu.dot_dimension_numbers<[1], [0], [0], [1], [0, 0, 1, 1], [], []>, transpose_lhs_hint = false} : vector<128x128xf32>, vector<128x128xf32>, vector<128x128xf32> -> vector<128x128xf32>
    %add3A_55 = vector.broadcast %get3A_7 : vector<1x128xf32> to vector<128x128xf32>
    %add3A_56 = arith.addf %dot_general3A_54, %add3A_55 : vector<128x128xf32>
    %logistic3A_57 = arith.negf %add3A_56 : vector<128x128xf32>
    %logistic3A_58 = math.exp %logistic3A_57 : vector<128x128xf32>
    %logistic3A_59 = arith.constant 1.000000e+00 : f32
    %logistic3A_60 = vector.broadcast %logistic3A_59 : f32 to vector<128x128xf32>
    %logistic3A_61 = arith.addf %logistic3A_60, %logistic3A_58 : vector<128x128xf32>
    %logistic3A_62 = arith.divf %logistic3A_60, %logistic3A_61 : vector<128x128xf32>
    %mul3A_63 = arith.mulf %add3A_56, %logistic3A_62 : vector<128x128xf32>
    %swap3A_64 = arith.constant 128 : index
    %swap3A_65 = arith.constant 0 : index
    %swap3A_66 = vector.load %arg6[%swap3A_64, %swap3A_65] : memref<1280x128xf32, #tpu.memory_space<vmem>>, vector<128x128xf32>
    tpu.vector_store %arg6[%swap3A_64, %swap3A_65], %mul3A_63 {strides = array<i32>} : memref<1280x128xf32, #tpu.memory_space<vmem>>, vector<128x128xf32>,
    %get3A_67 = arith.constant 0 : index
    %get3A_68 = arith.constant 2 : index
    %get3A_69 = arith.constant 0 : index
    %get3A_70 = vector.load %arg2[%get3A_67, %get3A_68, %get3A_69] : memref<1x10x128xf32, #tpu.memory_space<vmem>>, vector<1x1x128xf32>
    %get3A_71 = vector.shape_cast %get3A_70 : vector<1x1x128xf32> to vector<1x128xf32>
    %dot_general3A_72 = arith.constant dense<0.000000e+00> : vector<128x128xf32>
    %dot_general3A_73 = tpu.matmul %get3A_71, %get3A_1, %dot_general3A_72 {dimension_numbers = #tpu.dot_dimension_numbers<[0], [0], [1], [1], [0, 1, 1, 1], [], []>, transpose_lhs_hint = false} : vector<1x128xf32>, vector<1x128xf32>, vector<128x128xf32> -> vector<128x128xf32>
    %get3A_74 = arith.constant 256 : index
    %get3A_75 = arith.constant 0 : index
    %get3A_76 = vector.load %arg1[%get3A_74, %get3A_75] : memref<1280x128xf32, #tpu.memory_space<vmem>>, vector<128x128xf32>
    %add3A_77 = arith.addf %get3A_76, %dot_general3A_73 : vector<128x128xf32>
    %logistic3A_78 = arith.negf %add3A_77 : vector<128x128xf32>
    %logistic3A_79 = math.exp %logistic3A_78 : vector<128x128xf32>
    %logistic3A_80 = arith.constant 1.000000e+00 : f32
    %logistic3A_81 = vector.broadcast %logistic3A_80 : f32 to vector<128x128xf32>
    %logistic3A_82 = arith.addf %logistic3A_81, %logistic3A_79 : vector<128x128xf32>
    %logistic3A_83 = arith.divf %logistic3A_81, %logistic3A_82 : vector<128x128xf32>
    %mul3A_84 = arith.mulf %add3A_77, %logistic3A_83 : vector<128x128xf32>
    %dot_general3A_85 = arith.constant dense<0.000000e+00> : vector<128x128xf32>
    %dot_general3A_86 = tpu.matmul %mul3A_84, %get3A_4, %dot_general3A_85 {dimension_numbers = #tpu.dot_dimension_numbers<[1], [0], [0], [1], [0, 0, 1, 1], [], []>, transpose_lhs_hint = false} : vector<128x128xf32>, vector<128x128xf32>, vector<128x128xf32> -> vector<128x128xf32>
    %add3A_87 = vector.broadcast %get3A_7 : vector<1x128xf32> to vector<128x128xf32>
    %add3A_88 = arith.addf %dot_general3A_86, %add3A_87 : vector<128x128xf32>
    %logistic3A_89 = arith.negf %add3A_88 : vector<128x128xf32>
    %logistic3A_90 = math.exp %logistic3A_89 : vector<128x128xf32>
    %logistic3A_91 = arith.constant 1.000000e+00 : f32
    %logistic3A_92 = vector.broadcast %logistic3A_91 : f32 to vector<128x128xf32>
    %logistic3A_93 = arith.addf %logistic3A_92, %logistic3A_90 : vector<128x128xf32>
    %logistic3A_94 = arith.divf %logistic3A_92, %logistic3A_93 : vector<128x128xf32>
    %mul3A_95 = arith.mulf %add3A_88, %logistic3A_94 : vector<128x128xf32>
    %swap3A_96 = arith.constant 256 : index
    %swap3A_97 = arith.constant 0 : index
    %swap3A_98 = vector.load %arg6[%swap3A_96, %swap3A_97] : memref<1280x128xf32, #tpu.memory_space<vmem>>, vector<128x128xf32>
    tpu.vector_store %arg6[%swap3A_96, %swap3A_97], %mul3A_95 {strides = array<i32>} : memref<1280x128xf32, #tpu.memory_space<vmem>>, vector<128x128xf32>,
    %get3A_99 = arith.constant 0 : index
    %get3A_100 = arith.constant 3 : index
    %get3A_101 = arith.constant 0 : index
    %get3A_102 = vector.load %arg2[%get3A_99, %get3A_100, %get3A_101] : memref<1x10x128xf32, #tpu.memory_space<vmem>>, vector<1x1x128xf32>
    %get3A_103 = vector.shape_cast %get3A_102 : vector<1x1x128xf32> to vector<1x128xf32>
    %dot_general3A_104 = arith.constant dense<0.000000e+00> : vector<128x128xf32>
    %dot_general3A_105 = tpu.matmul %get3A_103, %get3A_1, %dot_general3A_104 {dimension_numbers = #tpu.dot_dimension_numbers<[0], [0], [1], [1], [0, 1, 1, 1], [], []>, transpose_lhs_hint = false} : vector<1x128xf32>, vector<1x128xf32>, vector<128x128xf32> -> vector<128x128xf32>
    %get3A_106 = arith.constant 384 : index
    %get3A_107 = arith.constant 0 : index
    %get3A_108 = vector.load %arg1[%get3A_106, %get3A_107] : memref<1280x128xf32, #tpu.memory_space<vmem>>, vector<128x128xf32>
    %add3A_109 = arith.addf %get3A_108, %dot_general3A_105 : vector<128x128xf32>
    %logistic3A_110 = arith.negf %add3A_109 : vector<128x128xf32>
    %logistic3A_111 = math.exp %logistic3A_110 : vector<128x128xf32>
    %logistic3A_112 = arith.constant 1.000000e+00 : f32
    %logistic3A_113 = vector.broadcast %logistic3A_112 : f32 to vector<128x128xf32>
    %logistic3A_114 = arith.addf %logistic3A_113, %logistic3A_111 : vector<128x128xf32>
    %logistic3A_115 = arith.divf %logistic3A_113, %logistic3A_114 : vector<128x128xf32>
    %mul3A_116 = arith.mulf %add3A_109, %logistic3A_115 : vector<128x128xf32>
    %dot_general3A_117 = arith.constant dense<0.000000e+00> : vector<128x128xf32>
    %dot_general3A_118 = tpu.matmul %mul3A_116, %get3A_4, %dot_general3A_117 {dimension_numbers = #tpu.dot_dimension_numbers<[1], [0], [0], [1], [0, 0, 1, 1], [], []>, transpose_lhs_hint = false} : vector<128x128xf32>, vector<128x128xf32>, vector<128x128xf32> -> vector<128x128xf32>
    %add3A_119 = vector.broadcast %get3A_7 : vector<1x128xf32> to vector<128x128xf32>
    %add3A_120 = arith.addf %dot_general3A_118, %add3A_119 : vector<128x128xf32>
    %logistic3A_121 = arith.negf %add3A_120 : vector<128x128xf32>
    %logistic3A_122 = math.exp %logistic3A_121 : vector<128x128xf32>
    %logistic3A_123 = arith.constant 1.000000e+00 : f32
    %logistic3A_124 = vector.broadcast %logistic3A_123 : f32 to vector<128x128xf32>
    %logistic3A_125 = arith.addf %logistic3A_124, %logistic3A_122 : vector<128x128xf32>
    %logistic3A_126 = arith.divf %logistic3A_124, %logistic3A_125 : vector<128x128xf32>
    %mul3A_127 = arith.mulf %add3A_120, %logistic3A_126 : vector<128x128xf32>
    %swap3A_128 = arith.constant 384 : index
    %swap3A_129 = arith.constant 0 : index
    %swap3A_130 = vector.load %arg6[%swap3A_128, %swap3A_129] : memref<1280x128xf32, #tpu.memory_space<vmem>>, vector<128x128xf32>
    tpu.vector_store %arg6[%swap3A_128, %swap3A_129], %mul3A_127 {strides = array<i32>} : memref<1280x128xf32, #tpu.memory_space<vmem>>, vector<128x128xf32>,
    %get3A_131 = arith.constant 0 : index
    %get3A_132 = arith.constant 4 : index
    %get3A_133 = arith.constant 0 : index
    %get3A_134 = vector.load %arg2[%get3A_131, %get3A_132, %get3A_133] : memref<1x10x128xf32, #tpu.memory_space<vmem>>, vector<1x1x128xf32>
    %get3A_135 = vector.shape_cast %get3A_134 : vector<1x1x128xf32> to vector<1x128xf32>
    %dot_general3A_136 = arith.constant dense<0.000000e+00> : vector<128x128xf32>
    %dot_general3A_137 = tpu.matmul %get3A_135, %get3A_1, %dot_general3A_136 {dimension_numbers = #tpu.dot_dimension_numbers<[0], [0], [1], [1], [0, 1, 1, 1], [], []>, transpose_lhs_hint = false} : vector<1x128xf32>, vector<1x128xf32>, vector<128x128xf32> -> vector<128x128xf32>
    %get3A_138 = arith.constant 512 : index
    %get3A_139 = arith.constant 0 : index
    %get3A_140 = vector.load %arg1[%get3A_138, %get3A_139] : memref<1280x128xf32, #tpu.memory_space<vmem>>, vector<128x128xf32>
    %add3A_141 = arith.addf %get3A_140, %dot_general3A_137 : vector<128x128xf32>
    %logistic3A_142 = arith.negf %add3A_141 : vector<128x128xf32>
    %logistic3A_143 = math.exp %logistic3A_142 : vector<128x128xf32>
    %logistic3A_144 = arith.constant 1.000000e+00 : f32
    %logistic3A_145 = vector.broadcast %logistic3A_144 : f32 to vector<128x128xf32>
    %logistic3A_146 = arith.addf %logistic3A_145, %logistic3A_143 : vector<128x128xf32>
    %logistic3A_147 = arith.divf %logistic3A_145, %logistic3A_146 : vector<128x128xf32>
    %mul3A_148 = arith.mulf %add3A_141, %logistic3A_147 : vector<128x128xf32>
    %dot_general3A_149 = arith.constant dense<0.000000e+00> : vector<128x128xf32>
    %dot_general3A_150 = tpu.matmul %mul3A_148, %get3A_4, %dot_general3A_149 {dimension_numbers = #tpu.dot_dimension_numbers<[1], [0], [0], [1], [0, 0, 1, 1], [], []>, transpose_lhs_hint = false} : vector<128x128xf32>, vector<128x128xf32>, vector<128x128xf32> -> vector<128x128xf32>
    %add3A_151 = vector.broadcast %get3A_7 : vector<1x128xf32> to vector<128x128xf32>
    %add3A_152 = arith.addf %dot_general3A_150, %add3A_151 : vector<128x128xf32>
    %logistic3A_153 = arith.negf %add3A_152 : vector<128x128xf32>
    %logistic3A_154 = math.exp %logistic3A_153 : vector<128x128xf32>
    %logistic3A_155 = arith.constant 1.000000e+00 : f32
    %logistic3A_156 = vector.broadcast %logistic3A_155 : f32 to vector<128x128xf32>
    %logistic3A_157 = arith.addf %logistic3A_156, %logistic3A_154 : vector<128x128xf32>
    %logistic3A_158 = arith.divf %logistic3A_156, %logistic3A_157 : vector<128x128xf32>
    %mul3A_159 = arith.mulf %add3A_152, %logistic3A_158 : vector<128x128xf32>
    %swap3A_160 = arith.constant 512 : index
    %swap3A_161 = arith.constant 0 : index
    %swap3A_162 = vector.load %arg6[%swap3A_160, %swap3A_161] : memref<1280x128xf32, #tpu.memory_space<vmem>>, vector<128x128xf32>
    tpu.vector_store %arg6[%swap3A_160, %swap3A_161], %mul3A_159 {strides = array<i32>} : memref<1280x128xf32, #tpu.memory_space<vmem>>, vector<128x128xf32>,
    %get3A_163 = arith.constant 0 : index
    %get3A_164 = arith.constant 5 : index
    %get3A_165 = arith.constant 0 : index
    %get3A_166 = vector.load %arg2[%get3A_163, %get3A_164, %get3A_165] : memref<1x10x128xf32, #tpu.memory_space<vmem>>, vector<1x1x128xf32>
    %get3A_167 = vector.shape_cast %get3A_166 : vector<1x1x128xf32> to vector<1x128xf32>
    %dot_general3A_168 = arith.constant dense<0.000000e+00> : vector<128x128xf32>
    %dot_general3A_169 = tpu.matmul %get3A_167, %get3A_1, %dot_general3A_168 {dimension_numbers = #tpu.dot_dimension_numbers<[0], [0], [1], [1], [0, 1, 1, 1], [], []>, transpose_lhs_hint = false} : vector<1x128xf32>, vector<1x128xf32>, vector<128x128xf32> -> vector<128x128xf32>
    %get3A_170 = arith.constant 640 : index
    %get3A_171 = arith.constant 0 : index
    %get3A_172 = vector.load %arg1[%get3A_170, %get3A_171] : memref<1280x128xf32, #tpu.memory_space<vmem>>, vector<128x128xf32>
    %add3A_173 = arith.addf %get3A_172, %dot_general3A_169 : vector<128x128xf32>
    %logistic3A_174 = arith.negf %add3A_173 : vector<128x128xf32>
    %logistic3A_175 = math.exp %logistic3A_174 : vector<128x128xf32>
    %logistic3A_176 = arith.constant 1.000000e+00 : f32
    %logistic3A_177 = vector.broadcast %logistic3A_176 : f32 to vector<128x128xf32>
    %logistic3A_178 = arith.addf %logistic3A_177, %logistic3A_175 : vector<128x128xf32>
    %logistic3A_179 = arith.divf %logistic3A_177, %logistic3A_178 : vector<128x128xf32>
    %mul3A_180 = arith.mulf %add3A_173, %logistic3A_179 : vector<128x128xf32>
    %dot_general3A_181 = arith.constant dense<0.000000e+00> : vector<128x128xf32>
    %dot_general3A_182 = tpu.matmul %mul3A_180, %get3A_4, %dot_general3A_181 {dimension_numbers = #tpu.dot_dimension_numbers<[1], [0], [0], [1], [0, 0, 1, 1], [], []>, transpose_lhs_hint = false} : vector<128x128xf32>, vector<128x128xf32>, vector<128x128xf32> -> vector<128x128xf32>
    %add3A_183 = vector.broadcast %get3A_7 : vector<1x128xf32> to vector<128x128xf32>
    %add3A_184 = arith.addf %dot_general3A_182, %add3A_183 : vector<128x128xf32>
    %logistic3A_185 = arith.negf %add3A_184 : vector<128x128xf32>
    %logistic3A_186 = math.exp %logistic3A_185 : vector<128x128xf32>
    %logistic3A_187 = arith.constant 1.000000e+00 : f32
    %logistic3A_188 = vector.broadcast %logistic3A_187 : f32 to vector<128x128xf32>
    %logistic3A_189 = arith.addf %logistic3A_188, %logistic3A_186 : vector<128x128xf32>
    %logistic3A_190 = arith.divf %logistic3A_188, %logistic3A_189 : vector<128x128xf32>
    %mul3A_191 = arith.mulf %add3A_184, %logistic3A_190 : vector<128x128xf32>
    %swap3A_192 = arith.constant 640 : index
    %swap3A_193 = arith.constant 0 : index
    %swap3A_194 = vector.load %arg6[%swap3A_192, %swap3A_193] : memref<1280x128xf32, #tpu.memory_space<vmem>>, vector<128x128xf32>
    tpu.vector_store %arg6[%swap3A_192, %swap3A_193], %mul3A_191 {strides = array<i32>} : memref<1280x128xf32, #tpu.memory_space<vmem>>, vector<128x128xf32>,
    %get3A_195 = arith.constant 0 : index
    %get3A_196 = arith.constant 6 : index
    %get3A_197 = arith.constant 0 : index
    %get3A_198 = vector.load %arg2[%get3A_195, %get3A_196, %get3A_197] : memref<1x10x128xf32, #tpu.memory_space<vmem>>, vector<1x1x128xf32>
    %get3A_199 = vector.shape_cast %get3A_198 : vector<1x1x128xf32> to vector<1x128xf32>
    %dot_general3A_200 = arith.constant dense<0.000000e+00> : vector<128x128xf32>
    %dot_general3A_201 = tpu.matmul %get3A_199, %get3A_1, %dot_general3A_200 {dimension_numbers = #tpu.dot_dimension_numbers<[0], [0], [1], [1], [0, 1, 1, 1], [], []>, transpose_lhs_hint = false} : vector<1x128xf32>, vector<1x128xf32>, vector<128x128xf32> -> vector<128x128xf32>
    %get3A_202 = arith.constant 768 : index
    %get3A_203 = arith.constant 0 : index
    %get3A_204 = vector.load %arg1[%get3A_202, %get3A_203] : memref<1280x128xf32, #tpu.memory_space<vmem>>, vector<128x128xf32>
    %add3A_205 = arith.addf %get3A_204, %dot_general3A_201 : vector<128x128xf32>
    %logistic3A_206 = arith.negf %add3A_205 : vector<128x128xf32>
    %logistic3A_207 = math.exp %logistic3A_206 : vector<128x128xf32>
    %logistic3A_208 = arith.constant 1.000000e+00 : f32
    %logistic3A_209 = vector.broadcast %logistic3A_208 : f32 to vector<128x128xf32>
    %logistic3A_210 = arith.addf %logistic3A_209, %logistic3A_207 : vector<128x128xf32>
    %logistic3A_211 = arith.divf %logistic3A_209, %logistic3A_210 : vector<128x128xf32>
    %mul3A_212 = arith.mulf %add3A_205, %logistic3A_211 : vector<128x128xf32>
    %dot_general3A_213 = arith.constant dense<0.000000e+00> : vector<128x128xf32>
    %dot_general3A_214 = tpu.matmul %mul3A_212, %get3A_4, %dot_general3A_213 {dimension_numbers = #tpu.dot_dimension_numbers<[1], [0], [0], [1], [0, 0, 1, 1], [], []>, transpose_lhs_hint = false} : vector<128x128xf32>, vector<128x128xf32>, vector<128x128xf32> -> vector<128x128xf32>
    %add3A_215 = vector.broadcast %get3A_7 : vector<1x128xf32> to vector<128x128xf32>
    %add3A_216 = arith.addf %dot_general3A_214, %add3A_215 : vector<128x128xf32>
    %logistic3A_217 = arith.negf %add3A_216 : vector<128x128xf32>
    %logistic3A_218 = math.exp %logistic3A_217 : vector<128x128xf32>
    %logistic3A_219 = arith.constant 1.000000e+00 : f32
    %logistic3A_220 = vector.broadcast %logistic3A_219 : f32 to vector<128x128xf32>
    %logistic3A_221 = arith.addf %logistic3A_220, %logistic3A_218 : vector<128x128xf32>
    %logistic3A_222 = arith.divf %logistic3A_220, %logistic3A_221 : vector<128x128xf32>
    %mul3A_223 = arith.mulf %add3A_216, %logistic3A_222 : vector<128x128xf32>
    %swap3A_224 = arith.constant 768 : index
    %swap3A_225 = arith.constant 0 : index
    %swap3A_226 = vector.load %arg6[%swap3A_224, %swap3A_225] : memref<1280x128xf32, #tpu.memory_space<vmem>>, vector<128x128xf32>
    tpu.vector_store %arg6[%swap3A_224, %swap3A_225], %mul3A_223 {strides = array<i32>} : memref<1280x128xf32, #tpu.memory_space<vmem>>, vector<128x128xf32>,
    %get3A_227 = arith.constant 0 : index
    %get3A_228 = arith.constant 7 : index
    %get3A_229 = arith.constant 0 : index
    %get3A_230 = vector.load %arg2[%get3A_227, %get3A_228, %get3A_229] : memref<1x10x128xf32, #tpu.memory_space<vmem>>, vector<1x1x128xf32>
    %get3A_231 = vector.shape_cast %get3A_230 : vector<1x1x128xf32> to vector<1x128xf32>
    %dot_general3A_232 = arith.constant dense<0.000000e+00> : vector<128x128xf32>
    %dot_general3A_233 = tpu.matmul %get3A_231, %get3A_1, %dot_general3A_232 {dimension_numbers = #tpu.dot_dimension_numbers<[0], [0], [1], [1], [0, 1, 1, 1], [], []>, transpose_lhs_hint = false} : vector<1x128xf32>, vector<1x128xf32>, vector<128x128xf32> -> vector<128x128xf32>
    %get3A_234 = arith.constant 896 : index
    %get3A_235 = arith.constant 0 : index
    %get3A_236 = vector.load %arg1[%get3A_234, %get3A_235] : memref<1280x128xf32, #tpu.memory_space<vmem>>, vector<128x128xf32>
    %add3A_237 = arith.addf %get3A_236, %dot_general3A_233 : vector<128x128xf32>
    %logistic3A_238 = arith.negf %add3A_237 : vector<128x128xf32>
    %logistic3A_239 = math.exp %logistic3A_238 : vector<128x128xf32>
    %logistic3A_240 = arith.constant 1.000000e+00 : f32
    %logistic3A_241 = vector.broadcast %logistic3A_240 : f32 to vector<128x128xf32>
    %logistic3A_242 = arith.addf %logistic3A_241, %logistic3A_239 : vector<128x128xf32>
    %logistic3A_243 = arith.divf %logistic3A_241, %logistic3A_242 : vector<128x128xf32>
    %mul3A_244 = arith.mulf %add3A_237, %logistic3A_243 : vector<128x128xf32>
    %dot_general3A_245 = arith.constant dense<0.000000e+00> : vector<128x128xf32>
    %dot_general3A_246 = tpu.matmul %mul3A_244, %get3A_4, %dot_general3A_245 {dimension_numbers = #tpu.dot_dimension_numbers<[1], [0], [0], [1], [0, 0, 1, 1], [], []>, transpose_lhs_hint = false} : vector<128x128xf32>, vector<128x128xf32>, vector<128x128xf32> -> vector<128x128xf32>
    %add3A_247 = vector.broadcast %get3A_7 : vector<1x128xf32> to vector<128x128xf32>
    %add3A_248 = arith.addf %dot_general3A_246, %add3A_247 : vector<128x128xf32>
    %logistic3A_249 = arith.negf %add3A_248 : vector<128x128xf32>
    %logistic3A_250 = math.exp %logistic3A_249 : vector<128x128xf32>
    %logistic3A_251 = arith.constant 1.000000e+00 : f32
    %logistic3A_252 = vector.broadcast %logistic3A_251 : f32 to vector<128x128xf32>
    %logistic3A_253 = arith.addf %logistic3A_252, %logistic3A_250 : vector<128x128xf32>
    %logistic3A_254 = arith.divf %logistic3A_252, %logistic3A_253 : vector<128x128xf32>
    %mul3A_255 = arith.mulf %add3A_248, %logistic3A_254 : vector<128x128xf32>
    %swap3A_256 = arith.constant 896 : index
    %swap3A_257 = arith.constant 0 : index
    %swap3A_258 = vector.load %arg6[%swap3A_256, %swap3A_257] : memref<1280x128xf32, #tpu.memory_space<vmem>>, vector<128x128xf32>
    tpu.vector_store %arg6[%swap3A_256, %swap3A_257], %mul3A_255 {strides = array<i32>} : memref<1280x128xf32, #tpu.memory_space<vmem>>, vector<128x128xf32>,
    %get3A_259 = arith.constant 0 : index
    %get3A_260 = arith.constant 8 : index
    %get3A_261 = arith.constant 0 : index
    %get3A_262 = vector.load %arg2[%get3A_259, %get3A_260, %get3A_261] : memref<1x10x128xf32, #tpu.memory_space<vmem>>, vector<1x1x128xf32>
    %get3A_263 = vector.shape_cast %get3A_262 : vector<1x1x128xf32> to vector<1x128xf32>
    %dot_general3A_264 = arith.constant dense<0.000000e+00> : vector<128x128xf32>
    %dot_general3A_265 = tpu.matmul %get3A_263, %get3A_1, %dot_general3A_264 {dimension_numbers = #tpu.dot_dimension_numbers<[0], [0], [1], [1], [0, 1, 1, 1], [], []>, transpose_lhs_hint = false} : vector<1x128xf32>, vector<1x128xf32>, vector<128x128xf32> -> vector<128x128xf32>
    %get3A_266 = arith.constant 1024 : index
    %get3A_267 = arith.constant 0 : index
    %get3A_268 = vector.load %arg1[%get3A_266, %get3A_267] : memref<1280x128xf32, #tpu.memory_space<vmem>>, vector<128x128xf32>
    %add3A_269 = arith.addf %get3A_268, %dot_general3A_265 : vector<128x128xf32>
    %logistic3A_270 = arith.negf %add3A_269 : vector<128x128xf32>
    %logistic3A_271 = math.exp %logistic3A_270 : vector<128x128xf32>
    %logistic3A_272 = arith.constant 1.000000e+00 : f32
    %logistic3A_273 = vector.broadcast %logistic3A_272 : f32 to vector<128x128xf32>
    %logistic3A_274 = arith.addf %logistic3A_273, %logistic3A_271 : vector<128x128xf32>
    %logistic3A_275 = arith.divf %logistic3A_273, %logistic3A_274 : vector<128x128xf32>
    %mul3A_276 = arith.mulf %add3A_269, %logistic3A_275 : vector<128x128xf32>
    %dot_general3A_277 = arith.constant dense<0.000000e+00> : vector<128x128xf32>
    %dot_general3A_278 = tpu.matmul %mul3A_276, %get3A_4, %dot_general3A_277 {dimension_numbers = #tpu.dot_dimension_numbers<[1], [0], [0], [1], [0, 0, 1, 1], [], []>, transpose_lhs_hint = false} : vector<128x128xf32>, vector<128x128xf32>, vector<128x128xf32> -> vector<128x128xf32>
    %add3A_279 = vector.broadcast %get3A_7 : vector<1x128xf32> to vector<128x128xf32>
    %add3A_280 = arith.addf %dot_general3A_278, %add3A_279 : vector<128x128xf32>
    %logistic3A_281 = arith.negf %add3A_280 : vector<128x128xf32>
    %logistic3A_282 = math.exp %logistic3A_281 : vector<128x128xf32>
    %logistic3A_283 = arith.constant 1.000000e+00 : f32
    %logistic3A_284 = vector.broadcast %logistic3A_283 : f32 to vector<128x128xf32>
    %logistic3A_285 = arith.addf %logistic3A_284, %logistic3A_282 : vector<128x128xf32>
    %logistic3A_286 = arith.divf %logistic3A_284, %logistic3A_285 : vector<128x128xf32>
    %mul3A_287 = arith.mulf %add3A_280, %logistic3A_286 : vector<128x128xf32>
    %swap3A_288 = arith.constant 1024 : index
    %swap3A_289 = arith.constant 0 : index
    %swap3A_290 = vector.load %arg6[%swap3A_288, %swap3A_289] : memref<1280x128xf32, #tpu.memory_space<vmem>>, vector<128x128xf32>
    tpu.vector_store %arg6[%swap3A_288, %swap3A_289], %mul3A_287 {strides = array<i32>} : memref<1280x128xf32, #tpu.memory_space<vmem>>, vector<128x128xf32>,
    %get3A_291 = arith.constant 0 : index
    %get3A_292 = arith.constant 9 : index
    %get3A_293 = arith.constant 0 : index
    %get3A_294 = vector.load %arg2[%get3A_291, %get3A_292, %get3A_293] : memref<1x10x128xf32, #tpu.memory_space<vmem>>, vector<1x1x128xf32>
    %get3A_295 = vector.shape_cast %get3A_294 : vector<1x1x128xf32> to vector<1x128xf32>
    %dot_general3A_296 = arith.constant dense<0.000000e+00> : vector<128x128xf32>
    %dot_general3A_297 = tpu.matmul %get3A_295, %get3A_1, %dot_general3A_296 {dimension_numbers = #tpu.dot_dimension_numbers<[0], [0], [1], [1], [0, 1, 1, 1], [], []>, transpose_lhs_hint = false} : vector<1x128xf32>, vector<1x128xf32>, vector<128x128xf32> -> vector<128x128xf32>
    %get3A_298 = arith.constant 1152 : index
    %get3A_299 = arith.constant 0 : index
    %get3A_300 = vector.load %arg1[%get3A_298, %get3A_299] : memref<1280x128xf32, #tpu.memory_space<vmem>>, vector<128x128xf32>
    %add3A_301 = arith.addf %get3A_300, %dot_general3A_297 : vector<128x128xf32>
    %logistic3A_302 = arith.negf %add3A_301 : vector<128x128xf32>
    %logistic3A_303 = math.exp %logistic3A_302 : vector<128x128xf32>
    %logistic3A_304 = arith.constant 1.000000e+00 : f32
    %logistic3A_305 = vector.broadcast %logistic3A_304 : f32 to vector<128x128xf32>
    %logistic3A_306 = arith.addf %logistic3A_305, %logistic3A_303 : vector<128x128xf32>
    %logistic3A_307 = arith.divf %logistic3A_305, %logistic3A_306 : vector<128x128xf32>
    %mul3A_308 = arith.mulf %add3A_301, %logistic3A_307 : vector<128x128xf32>
    %dot_general3A_309 = arith.constant dense<0.000000e+00> : vector<128x128xf32>
    %dot_general3A_310 = tpu.matmul %mul3A_308, %get3A_4, %dot_general3A_309 {dimension_numbers = #tpu.dot_dimension_numbers<[1], [0], [0], [1], [0, 0, 1, 1], [], []>, transpose_lhs_hint = false} : vector<128x128xf32>, vector<128x128xf32>, vector<128x128xf32> -> vector<128x128xf32>
    %add3A_311 = vector.broadcast %get3A_7 : vector<1x128xf32> to vector<128x128xf32>
    %add3A_312 = arith.addf %dot_general3A_310, %add3A_311 : vector<128x128xf32>
    %logistic3A_313 = arith.negf %add3A_312 : vector<128x128xf32>
    %logistic3A_314 = math.exp %logistic3A_313 : vector<128x128xf32>
    %logistic3A_315 = arith.constant 1.000000e+00 : f32
    %logistic3A_316 = vector.broadcast %logistic3A_315 : f32 to vector<128x128xf32>
    %logistic3A_317 = arith.addf %logistic3A_316, %logistic3A_314 : vector<128x128xf32>
    %logistic3A_318 = arith.divf %logistic3A_316, %logistic3A_317 : vector<128x128xf32>
    %mul3A_319 = arith.mulf %add3A_312, %logistic3A_318 : vector<128x128xf32>
    %swap3A_320 = arith.constant 1152 : index
    %swap3A_321 = arith.constant 0 : index
    %swap3A_322 = vector.load %arg6[%swap3A_320, %swap3A_321] : memref<1280x128xf32, #tpu.memory_space<vmem>>, vector<128x128xf32>
    tpu.vector_store %arg6[%swap3A_320, %swap3A_321], %mul3A_319 {strides = array<i32>} : memref<1280x128xf32, #tpu.memory_space<vmem>>, vector<128x128xf32>,
    return
  }
  func.func @transform_0(%arg0: i32) -> (i32, i32) {
    %c0_i32 = arith.constant 0 : i32
    %c0_i32_0 = arith.constant 0 : i32
    return %arg0, %c0_i32 : i32, i32
  }
  func.func @transform_1(%arg0: i32) -> (i32, i32, i32) {
    %c0_i32 = arith.constant 0 : i32
    %c0_i32_0 = arith.constant 0 : i32
    %c0_i32_1 = arith.constant 0 : i32
    return %arg0, %c0_i32, %c0_i32_0 : i32, i32, i32
  }
  func.func @transform_2(%arg0: i32) -> (i32, i32) {
    %c0_i32 = arith.constant 0 : i32
    %c0_i32_0 = arith.constant 0 : i32
    %c0_i32_1 = arith.constant 0 : i32
    return %c0_i32, %c0_i32_0 : i32, i32
  }
  func.func @transform_3(%arg0: i32) -> (i32, i32) {
    %c0_i32 = arith.constant 0 : i32
    %c0_i32_0 = arith.constant 0 : i32
    %c0_i32_1 = arith.constant 0 : i32
    return %c0_i32, %c0_i32_0 : i32, i32
  }
  func.func @transform_4(%arg0: i32) -> (i32, i32) {
    %c0_i32 = arith.constant 0 : i32
    %c0_i32_0 = arith.constant 0 : i32
    %c0_i32_1 = arith.constant 0 : i32
    return %c0_i32, %c0_i32_0 : i32, i32
  }
  func.func @transform_5(%arg0: i32) -> (i32, i32) {
    %c0_i32 = arith.constant 0 : i32
    %c0_i32_0 = arith.constant 0 : i32
    return %arg0, %c0_i32 : i32, i32
  }
}

module attributes {stable_mosaic.version = 14 : i64} {
  func.func @_node_mlp_body(%arg0: i32, %arg1: memref<2000x128xf32, #tpu.memory_space<vmem>>, %arg2: memref<2x2000x128xf32, #tpu.memory_space<vmem>>, %arg3: memref<128x128xf32, #tpu.memory_space<vmem>>, %arg4: memref<128x128xf32, #tpu.memory_space<vmem>>, %arg5: memref<1x128xf32, #tpu.memory_space<vmem>>, %arg6: memref<128x128xf32, #tpu.memory_space<vmem>>, %arg7: memref<1x128xf32, #tpu.memory_space<vmem>>, %arg8: memref<2000x128xf32, #tpu.memory_space<vmem>>) attributes {dimension_semantics = [#tpu.dimension_semantics<arbitrary>], iteration_bounds = array<i64: 5>, scalar_prefetch = 0 : i64, scratch_operands = 0 : i64, tpu.core_type = #tpu.core_type<tc>, window_params = [{transform_indices = @transform_0, window_bounds = array<i64: 2000, 128>}, {transform_indices = @transform_1, window_bounds = array<i64: 2, 2000, 128>}, {pipeline_mode = #tpu.pipeline_mode<synchronous>, transform_indices = @transform_2, window_bounds = array<i64: 128, 128>}, {pipeline_mode = #tpu.pipeline_mode<synchronous>, transform_indices = @transform_3, window_bounds = array<i64: 128, 128>}, {pipeline_mode = #tpu.pipeline_mode<synchronous>, transform_indices = @transform_4, window_bounds = array<i64: 1, 128>}, {pipeline_mode = #tpu.pipeline_mode<synchronous>, transform_indices = @transform_5, window_bounds = array<i64: 128, 128>}, {pipeline_mode = #tpu.pipeline_mode<synchronous>, transform_indices = @transform_6, window_bounds = array<i64: 1, 128>}, {transform_indices = @transform_7, window_bounds = array<i64: 2000, 128>}]} {
    %get3A = arith.constant 0 : index
    %get3A_0 = arith.constant 0 : index
    %get3A_1 = arith.constant 0 : index
    %get3A_2 = vector.load %arg2[%get3A, %get3A_0, %get3A_1] : memref<2x2000x128xf32, #tpu.memory_space<vmem>>, vector<1x2000x128xf32>
    %get3A_3 = vector.shape_cast %get3A_2 : vector<1x2000x128xf32> to vector<2000x128xf32>
    %get3A_4 = arith.constant 1 : index
    %get3A_5 = arith.constant 0 : index
    %get3A_6 = arith.constant 0 : index
    %get3A_7 = vector.load %arg2[%get3A_4, %get3A_5, %get3A_6] : memref<2x2000x128xf32, #tpu.memory_space<vmem>>, vector<1x2000x128xf32>
    %get3A_8 = vector.shape_cast %get3A_7 : vector<1x2000x128xf32> to vector<2000x128xf32>
    %add3A = arith.addf %get3A_3, %get3A_8 : vector<2000x128xf32>
    %get3A_9 = arith.constant 0 : index
    %get3A_10 = arith.constant 0 : index
    %get3A_11 = vector.load %arg1[%get3A_9, %get3A_10] : memref<2000x128xf32, #tpu.memory_space<vmem>>, vector<2000x128xf32>
    %get3A_12 = arith.constant 0 : index
    %get3A_13 = arith.constant 0 : index
    %get3A_14 = vector.load %arg3[%get3A_12, %get3A_13] : memref<128x128xf32, #tpu.memory_space<vmem>>, vector<128x128xf32>
    %dot_general3A = arith.constant dense<0.000000e+00> : vector<2000x128xf32>
    %dot_general3A_15 = tpu.matmul %get3A_11, %get3A_14, %dot_general3A {dimension_numbers = #tpu.dot_dimension_numbers<[1], [0], [0], [1], [0, 0, 1, 1], [], []>, transpose_lhs_hint = false} : vector<2000x128xf32>, vector<128x128xf32>, vector<2000x128xf32> -> vector<2000x128xf32>
    %get3A_16 = arith.constant 0 : index
    %get3A_17 = arith.constant 0 : index
    %get3A_18 = vector.load %arg4[%get3A_16, %get3A_17] : memref<128x128xf32, #tpu.memory_space<vmem>>, vector<128x128xf32>
    %dot_general3A_19 = arith.constant dense<0.000000e+00> : vector<2000x128xf32>
    %dot_general3A_20 = tpu.matmul %add3A, %get3A_18, %dot_general3A_19 {dimension_numbers = #tpu.dot_dimension_numbers<[1], [0], [0], [1], [0, 0, 1, 1], [], []>, transpose_lhs_hint = false} : vector<2000x128xf32>, vector<128x128xf32>, vector<2000x128xf32> -> vector<2000x128xf32>
    %add3A_21 = arith.addf %dot_general3A_15, %dot_general3A_20 : vector<2000x128xf32>
    %get3A_22 = arith.constant 0 : index
    %get3A_23 = arith.constant 0 : index
    %get3A_24 = vector.load %arg5[%get3A_22, %get3A_23] : memref<1x128xf32, #tpu.memory_space<vmem>>, vector<1x128xf32>
    %add3A_25 = vector.broadcast %get3A_24 : vector<1x128xf32> to vector<2000x128xf32>
    %add3A_26 = arith.addf %add3A_21, %add3A_25 : vector<2000x128xf32>
    %logistic3A = arith.negf %add3A_26 : vector<2000x128xf32>
    %logistic3A_27 = math.exp %logistic3A : vector<2000x128xf32>
    %logistic3A_28 = arith.constant 1.000000e+00 : f32
    %logistic3A_29 = vector.broadcast %logistic3A_28 : f32 to vector<2000x128xf32>
    %logistic3A_30 = arith.addf %logistic3A_29, %logistic3A_27 : vector<2000x128xf32>
    %logistic3A_31 = arith.divf %logistic3A_29, %logistic3A_30 : vector<2000x128xf32>
    %mul3A = arith.mulf %add3A_26, %logistic3A_31 : vector<2000x128xf32>
    %get3A_32 = arith.constant 0 : index
    %get3A_33 = arith.constant 0 : index
    %get3A_34 = vector.load %arg6[%get3A_32, %get3A_33] : memref<128x128xf32, #tpu.memory_space<vmem>>, vector<128x128xf32>
    %dot_general3A_35 = arith.constant dense<0.000000e+00> : vector<2000x128xf32>
    %dot_general3A_36 = tpu.matmul %mul3A, %get3A_34, %dot_general3A_35 {dimension_numbers = #tpu.dot_dimension_numbers<[1], [0], [0], [1], [0, 0, 1, 1], [], []>, transpose_lhs_hint = false} : vector<2000x128xf32>, vector<128x128xf32>, vector<2000x128xf32> -> vector<2000x128xf32>
    %add3A_37 = arith.addf %get3A_11, %dot_general3A_36 : vector<2000x128xf32>
    %get3A_38 = arith.constant 0 : index
    %get3A_39 = arith.constant 0 : index
    %get3A_40 = vector.load %arg7[%get3A_38, %get3A_39] : memref<1x128xf32, #tpu.memory_space<vmem>>, vector<1x128xf32>
    %add3A_41 = vector.broadcast %get3A_40 : vector<1x128xf32> to vector<2000x128xf32>
    %add3A_42 = arith.addf %add3A_37, %add3A_41 : vector<2000x128xf32>
    %swap3A = arith.constant 0 : index
    %swap3A_43 = arith.constant 0 : index
    %swap3A_44 = vector.load %arg8[%swap3A, %swap3A_43] : memref<2000x128xf32, #tpu.memory_space<vmem>>, vector<2000x128xf32>
    tpu.vector_store %arg8[%swap3A, %swap3A_43], %add3A_42 {strides = array<i32>} : memref<2000x128xf32, #tpu.memory_space<vmem>>, vector<2000x128xf32>,
    return
  }
  func.func @transform_0(%arg0: i32) -> (i32, i32) {
    %c0_i32 = arith.constant 0 : i32
    %c0_i32_0 = arith.constant 0 : i32
    return %arg0, %c0_i32 : i32, i32
  }
  func.func @transform_1(%arg0: i32) -> (i32, i32, i32) {
    %c0_i32 = arith.constant 0 : i32
    %c0_i32_0 = arith.constant 0 : i32
    %c0_i32_1 = arith.constant 0 : i32
    return %c0_i32, %arg0, %c0_i32_0 : i32, i32, i32
  }
  func.func @transform_2(%arg0: i32) -> (i32, i32) {
    %c0_i32 = arith.constant 0 : i32
    %c0_i32_0 = arith.constant 0 : i32
    %c0_i32_1 = arith.constant 0 : i32
    return %c0_i32, %c0_i32_0 : i32, i32
  }
  func.func @transform_3(%arg0: i32) -> (i32, i32) {
    %c0_i32 = arith.constant 0 : i32
    %c0_i32_0 = arith.constant 0 : i32
    %c0_i32_1 = arith.constant 0 : i32
    return %c0_i32, %c0_i32_0 : i32, i32
  }
  func.func @transform_4(%arg0: i32) -> (i32, i32) {
    %c0_i32 = arith.constant 0 : i32
    %c0_i32_0 = arith.constant 0 : i32
    %c0_i32_1 = arith.constant 0 : i32
    return %c0_i32, %c0_i32_0 : i32, i32
  }
  func.func @transform_5(%arg0: i32) -> (i32, i32) {
    %c0_i32 = arith.constant 0 : i32
    %c0_i32_0 = arith.constant 0 : i32
    %c0_i32_1 = arith.constant 0 : i32
    return %c0_i32, %c0_i32_0 : i32, i32
  }
  func.func @transform_6(%arg0: i32) -> (i32, i32) {
    %c0_i32 = arith.constant 0 : i32
    %c0_i32_0 = arith.constant 0 : i32
    %c0_i32_1 = arith.constant 0 : i32
    return %c0_i32, %c0_i32_0 : i32, i32
  }
  func.func @transform_7(%arg0: i32) -> (i32, i32) {
    %c0_i32 = arith.constant 0 : i32
    %c0_i32_0 = arith.constant 0 : i32
    return %arg0, %c0_i32 : i32, i32
  }
}

</mosaic_0001>

<sc_bundles>
// kernel: kernel.12.cloned.1.call-start
scs
__scs_entry_jumppad:
0x0: {  	(pc) =	sbr.rel $0x88, $3  }
0x1: {  	(tag) =	ssettag $0x0;
	lr =	simm.s32 $0x1  }
0x2: {  	[smem:$0x3F96] =	sst lr;
	_ =	strace $0xD0000000  }
0x3: {  	_ = 	snop  }
0x4: {  	_ = 	snop  }
0x5: {  	_ = 	snop  }
0x6: {  	_ = 	snop  }
0x7: {  	_ = 	snop  }
__scs_overlays_trampoline_lowered:
0x8: {  	[smem:$0x3FA5] =	sst s0  }
0x9: {  	[smem:$0x3FA6] =	sst s1  }
0xa: {  	[smem:$0x3FA7] =	sst s2  }
0xb: {  	[smem:$0x3FA8] =	sst s3  }
0xc: {  	[smem:$0x3FA9] =	sst s4  }
0xd: {  	[smem:$0x3FAA] =	sst s5  }
0xe: {  	[smem:$0x3FAB] =	sst s6  }
0xf: {  	[smem:$0x3FAC] =	sst s7  }
0x10: {  	[smem:$0x3FAD] =	sst s8  }
0x11: {  	[smem:$0x3FAE] =	sst s9;
	s0 =	simm.s32 @!p0 $0x0  }
0x12: {  	s1 =	sld [smem:$0x3F94];
	s0 =	simm.s32 @p0 $0x1  }
0x13: {  	[smem:$0x3FAF] =	sst s0;
	s0 =	simm.s32 @!p1 $0x0  }
0x14: {  	s2 =	sld [smem:$0x3F93];
	s0 =	simm.s32 @p1 $0x1  }
0x15: {  	[smem:$0x3FB0] =	sst s0;
	s0 =	simm.s32 @!p2 $0x0  }
0x16: {  	s3 =	sld [smem:$0x3FDB];
	s0 =	simm.s32 @p2 $0x1  }
0x17: {  	s4 =	simm.s32 $0x1BF5;
	[smem:$0x3FB2] =	sst s0  }
0x18: {  	s0 =	sld [smem:$0x3F95];
	_ =	swait.ge [sflag:s4], $0x0  }
0x19: {  	s7 =	sld [smem:$0x3F96]  }
0x1a: {  	s8 =	sadd.s32 $0xFFFFE003, lr  }
0x1b: {  	s9 =	sadd.s32 $0xFFFFFEF7, lr;
	s5 =	simm.s32 $0xFFFFFFFF;
	p2 =	slt.u32 s8, $0xFFFFF086  }
0x1c: {  	p1 =	slt.u32 s9, $0xF7A;
	s5 =	simm.s32 @!p2 $0x0  }
0x1d: {  	s5 =	simm.s32 @p1 $0x1;
	p0 =	seq.s32 s7, s2  }
0x1e: {  	s7 =	smul.u32 @!p0 $0xF7A, s2;
	p2 =	seq.s32 @!p0 s5, $0x0  }
0x1f: {  	s9 =	smul.u32 $0xF7A, s1;
	s8 =	simm.s32 @!p0 $0x1BF5;
	p2 =	por !p2, p0  }
0x20: {  	[sflag:s8] =	ssyncset.s32 @!p0 $0xFFFFF086;
	s6 =	sadd.s32 @!p0 s3, s7;
	s7 =	simm.s32 @!p0 $0x108  }
0x21: {  	s3 =	sadd.s32 s3, s9;
	s6 =	sadd.s32 @!p0 $0x88, s6;
	s7 =	simm.s32 @p2 $0x1082  }
0x22: {  	[simem:s7], [sflag:s8] =	dma.local @!p0 [hbm:s6], $0xF7A  }
0x23: {  	s9 =	sor.u32 $0xD0000000, s2;
	s6 =	simm.s32 $0x108;
	_ =	swait.ge @!p0 [sflag:s8], $0x0  }
0x24: {  	s3 =	sadd.s32 $0x88, s3;
	s6 =	simm.s32 @!p1 $0x1082;
	[sflag:s4] =	ssyncset.s32 $0xFFFFF086  }
0x25: {  	[simem:s6], [sflag:s4] =	dma.local [hbm:s3], $0xF7A  }
0x26: {  	[smem:$0x3F96] =	sst s1;
	(tag) =	ssettag s2;
	_ =	strace s9  }
0x27: {  	s1 =	sld [smem:$0x3FA6]  }
0x28: {  	s2 =	sld [smem:$0x3FA7]  }
0x29: {  	s4 =	sld [smem:$0x3FA9]  }
0x2a: {  	p0 =	seq.s32 s5, $0x0;
	s5 =	sld [smem:$0x3FAA]  }
0x2b: {  	s6 =	sld [smem:$0x3FAB]  }
0x2c: {  	s7 =	sld [smem:$0x3FAC]  }
0x2d: {  	s3 =	simm.s32 $0x108;
	s8 =	sld [smem:$0x3FAD]  }
0x2e: {  	s3 =	simm.s32 @!p0 $0x1082;
	s9 =	sld [smem:$0x3FAE]  }
0x2f: {  	lr =	sadd.s32 s0, s3;
	s0 =	sld [smem:$0x3FA5]  }
0x30: {  	s3 =	sld [smem:$0x3FA8]  }
0x31: {  	[smem:$0x3FB1] =	sst s10  }
0x32: {  	s10 =	sld [smem:$0x3FAF];
	_ =	sdelay $0x3  }
0x33: {  	p0 =	seq.s32 s10, $0x1;
	s10 =	sld [smem:$0x3FB1];
	_ =	sdelay $0x3  }
0x34: {  	[smem:$0x3FB1] =	sst s10  }
0x35: {  	s10 =	sld [smem:$0x3FB0];
	_ =	sdelay $0x3  }
0x36: {  	p1 =	seq.s32 s10, $0x1;
	s10 =	sld [smem:$0x3FB1];
	_ =	sdelay $0x3  }
0x37: {  	[smem:$0x3FB1] =	sst s10  }
0x38: {  	s10 =	sld [smem:$0x3FB2]  }
0x39: {  	_ = 	snop;
	(pc) =	sbr.ind lr, $3  }
0x3a: {  	_ = 	snop  }
0x3b: {  	_ = 	snop  }
0x3c: {  	p2 =	seq.s32 s10, $0x1;
	s10 =	sld [smem:$0x3FB1]  }
0x3d: {  	_ =	shalt  }
0x3e: {  	_ =	shalt  }
0x3f: {  	_ =	shalt  }
0x40: {  	_ =	shalt  }
0x41: {  	_ =	shalt  }
0x42: {  	_ =	shalt  }
0x43: {  	_ =	shalt  }
0x44: {  	_ =	shalt  }
0x45: {  	_ =	shalt  }
0x46: {  	_ =	shalt  }
0x47: {  	_ =	shalt  }
0x48: {  	_ =	shalt  }
0x49: {  	_ =	shalt  }
0x4a: {  	_ =	shalt  }
0x4b: {  	_ =	shalt  }
0x4c: {  	_ =	shalt  }
0x4d: {  	_ =	shalt  }
0x4e: {  	_ =	shalt  }
0x4f: {  	_ =	shalt  }
0x50: {  	_ =	shalt  }
0x51: {  	_ =	shalt  }
0x52: {  	_ =	shalt  }
0x53: {  	_ =	shalt  }
0x54: {  	_ =	shalt  }
0x55: {  	_ =	shalt  }
0x56: {  	_ =	shalt  }
0x57: {  	_ =	shalt  }
0x58: {  	_ =	shalt  }
0x59: {  	_ =	shalt  }
0x5a: {  	_ =	shalt  }
0x5b: {  	_ =	shalt  }
0x5c: {  	_ =	shalt  }
0x5d: {  	_ =	shalt  }
0x5e: {  	_ =	shalt  }
0x5f: {  	_ =	shalt  }
0x60: {  	_ =	shalt  }
0x61: {  	_ =	shalt  }
0x62: {  	_ =	shalt  }
0x63: {  	_ =	shalt  }
0x64: {  	_ =	shalt  }
0x65: {  	_ =	shalt  }
0x66: {  	_ =	shalt  }
0x67: {  	_ =	shalt  }
0x68: {  	_ =	shalt  }
0x69: {  	_ =	shalt  }
0x6a: {  	_ =	shalt  }
0x6b: {  	_ =	shalt  }
0x6c: {  	_ =	shalt  }
0x6d: {  	_ =	shalt  }
0x6e: {  	_ =	shalt  }
0x6f: {  	_ =	shalt  }
0x70: {  	_ =	shalt  }
0x71: {  	_ =	shalt  }
0x72: {  	_ =	shalt  }
0x73: {  	_ =	shalt  }
0x74: {  	_ =	shalt  }
0x75: {  	_ =	shalt  }
0x76: {  	_ =	shalt  }
0x77: {  	_ =	shalt  }
0x78: {  	_ =	shalt  }
0x79: {  	_ =	shalt  }
0x7a: {  	_ =	shalt  }
0x7b: {  	_ =	shalt  }
0x7c: {  	_ =	shalt  }
0x7d: {  	_ =	shalt  }
0x7e: {  	_ =	shalt  }
0x7f: {  	_ =	shalt  }
0x80: {  	_ =	shalt  }
0x81: {  	_ =	shalt  }
0x82: {  	_ =	shalt  }
0x83: {  	_ =	shalt  }
0x84: {  	_ =	shalt  }
0x85: {  	_ =	shalt  }
0x86: {  	_ =	shalt  }
0x87: {  	_ =	shalt  }
.Lfunc_end0:
.L_simem_size_0:
called_computation.1_lowered:
.L_overlay_start_0:
0x88: {  	s2 =	sld [smem:$0x3FD9]  }
0x89: {  	s3 =	sld [smem:$0x3FFE];
	_ =	sdelay $0x1  }
0x8a: {  	s1 =	srdreg.scid  }
0x8b: {  	s0 =	sand.u32 $0x1, s1  }
0x8c: {  	s17 =	sshll.u32 s0, $0xA;
	s2 =	sadd.s32 s3, s2  }
0x8d: {  	s2 =	sadd.s32 s2, s17  }
0x8e: {  	[smem:$0x3FBD] =	sst s2  }
0x8f: {  	_ = 	snop  }
0x90: {  	s2 =	sld [smem:$0x3FD0];
	(tm) =	ssettm $0x1  }
0x91: {  	s18 =	sld [smem:$0x3FFB];
	_ =	sdelay $0x3  }
0x92: {  	_ =	strace s18  }
0x93: {  	s3 =	sld [smem:$0x3FFC];
	_ =	sdelay $0x3  }
0x94: {  	_ =	strace s3  }
0x95: {  	s3 =	sld [smem:$0x3FFD];
	_ =	sdelay $0x3  }
0x96: {  	_ =	strace s3  }
0x97: {  	_ =	strace $0x8FFFFFFF  }
0x98: {  	s19 =	sld [smem:$0x3FDB];
	_ =	sdelay $0x1  }
0x99: {  	s4 =	simm.s32 $_scs_section_size  }
0x9a: {  	s5 =	simm.s32 $_size__tile_overlayer_lowered;
	s6 =	simm.s32 $_tile_overlayer_lowered  }
0x9b: {  	s22 =	simm.s32 $0x1BFF;
	s21 =	sshll.u32 s6, $0x1;
	s3 =	sadd.s32 s4, s19  }
0x9c: {  	s7 =	simm.s32 $0x0;
	s20 =	sshll.u32 s5, $0x1;
	s5 =	sadd.s32 s21, s3  }
0x9d: {  	[timem:s7], [sflag:s22] =	dma.local [hbm:s5], s20  }
0x9e: {  	_ =	swait.ge [sflag:s22], s20  }
0x9f: {  	s4 =	ssub.s32 $0x0, s20;
	[sflag:s22] =	ssyncset.done $0x0  }
0xa0: {  	[sflag:s22] =	ssyncadd.s32 s4;
	_ =	sdelay $0x1  }
0xa1: {  	s23 =	simm.s32 $0x1B8B  }
0xa2: {  	_ =	swait.ge [sflag:s23], $0x1  }
0xa3: {  	[sflag:s23] =	ssyncset.done $0x0  }
0xa4: {  	s25 =	simm.s32 $0x1B8E;
	s24 =	sld [smem:$0x3FFE];
	[sflag:s23] =	ssyncadd.s32 $0xFFFFFFFF  }
0xa5: {  	s26 =	simm.s32 $execute0_lowered;
	[smem:$0x3FD2] =	sst s25  }
0xa6: {  	s5 =	sshll.u32 s26, $0x1;
	_ =	strace $0x80000046;
	[dreg:$0x1] =	wrdreg $0xFFFFFFFF  }
0xa7: {  	s28 =	simm.s32 $_size_execute0_lowered;
	s3 =	sadd.s32 s3, s5;
	[dreg:$0x0] =	wrdreg $0x0  }
0xa8: {  	s5 =	sshll.u32 s28, $0x1;
	[dreg:$0x2] =	wrdreg s3  }
0xa9: {  	[dreg:$0x3] =	wrdreg s5  }
0xaa: {  	[dreg:$0x4] =	wrdreg $0xC0  }
0xab: {  	_ =	task [dreg:s7], $0x5FFFF  }
0xac: {  	[dreg:$0x1] =	wrdreg $0xFFFFFFFF  }
0xad: {  	[dreg:$0x0] =	wrdreg $0x60  }
0xae: {  	[dreg:$0x2] =	wrdreg s2  }
0xaf: {  	[dreg:$0x3] =	wrdreg s24  }
0xb0: {  	[dreg:$0x4] =	wrdreg $0xA  }
0xb1: {  	_ =	task.clear_ibuf [dreg:s7], $0x5FFFF;
	_ =	strace $0x90000046  }
0xb2: {  	s29 =	simm.s32 $0xA;
	_ =	strace $0x80000048  }
0xb3: {  	_ =	swait.ge [sflag:s29], $0x1  }
0xb4: {  	[sflag:s29] =	ssyncadd.s32 $0xFFFFFFFF  }
0xb5: {  	_ =	strace $0x90000048  }
0xb6: {  	_ =	sfence  }
0xb7: {  	s30 =	sld [smem:$0x0];
	_ =	sdelay $0x2  }
0xb8: {  	s31 =	sshll.u32 s1, $0xD;
	s1 =	sshrl.u32 s1, $0x2  }
0xb9: {  	s3 =	sand.u32 $0x4000, s31;
	s1 =	sadd.s32 s1, s30  }
0xba: {  	s0 =	sor.u32 s3, s0;
	s1 =	sshll.u32 s1, $0x11  }
0xbb: {  	s0 =	sor.u32 s1, s0  }
0xbc: {  	s0 =	sadd.s32 $0x8F2B, s0  }
0xbd: {  	[sflag:s0] =	ssyncadd.remote.s32 $0x1  }
0xbe: {  	_ =	sfence.sel $0xFFFF  }
0xbf: {  	[dreg:$0x0] =	wrdreg $0xFFFFFFFF;
	(pc) =	sbr.abs _section_cstart, $3  }
0xc0: {  	[dreg:$0x1] =	wrdreg $0xFFFFFFFF  }
0xc1: {  	_ =	task.clear_ibuf [dreg:s7], $0x2FFFF;
	_ =	strace $0x9FFFFFFF  }
0xc2: {  	(tm) =	ssettm $0x7FFFFFFF  }
0xc3: {  	_ =	shalt  }
tec
execute0_lowered:
.L_overlay_start_1:
0x0: {  	(tag) =	ssettag $0x1  }
0x1: {  	s1 =	rddreg [dreg:$0x0]  }
0x2: {  	s0 =	rddreg [dreg:$0x1];
	s3 =	simm.s32 $0x0  }
0x3: {  	s2 =	srdreg.scid;
	s4 =	stileid.u32;
	s17 =	simm.s32 $0x80  }
0x4: {  	s18 =	simm.s32 $0x100;
	s19 =	simm.s32 $0x180;
	s20 =	simm.s32 $0x1  }
0x5: {  	s21 =	simm.s32 $0x200;
	s28 =	simm.s32 $0x4;
	s29 =	simm.s32 $0x5  }
0x6: {  	s30 =	simm.s32 $0x6;
	s31 =	simm.s32 $0x0;
	[smem:$0x7FF] =	sst s3  }
0x7: {  	s2 =	sand.u32 $0x1, s2;
	s4 =	sshll.u32 s4, $0x1;
	s5 =	sadd.s32 $0x29000, s0  }
0x8: {  	s6 =	sadd.s32 $0x2E000, s0;
	s7 =	sadd.s32 $0x38000, s0;
	s8 =	sor.u32 s2, s4  }
0x9: {  	_ =	strace $0x80000047;
	s2 =	ssub.s32 $0x2, s2;
	s15 =	smul.u32 $0x1400, s8  }
0xa: {  	s4 =	sadd.s32 $0x1E00, s0;
	s9 =	sshrl.u32 s2, $0x1;
	s13 =	smul.u32 $0xA0000, s8  }
0xb: {  	s22 =	ssub.s32 s2, s9;
	s23 =	sshrl.u32 s15, $0x3;
	s12 =	sor.u32 $0x100, s15  }
0xc: {  	s14 =	sor.u32 $0x180, s15;
	s15 =	sor.u32 $0x80, s15;
	s24 =	sadd.s32 s5, s23  }
0xd: {  	s16 =	smax.u32 s22, $0x1;
	s25 =	sadd.s32 s6, s23;
	[dreg:$0x3] =	wrdreg s24  }
0xe: {  	s2 =	sor.u32 $0x10, s23;
	s23 =	simm.s32 $0x3;
	[dreg:$0x4] =	wrdreg s25  }
0xf: {  	s26 =	sadd.s32 s5, s2;
	s11 =	sadd.s32 s6, s2;
	s24 =	simm.s32 $0x2  }
0x10: {  	s25 =	simm.s32 $0x8200;
	[dreg:$0x5] =	wrdreg s26;
	s26 =	simm.s32 $0xC200  }
.LBB2_1:
0x11: {  	s0 =	rddreg [dreg:$0x3]  }
0x12: {  	[tilespmem:s3], [sflag:$0x1] =	stream.linear.gather [hbm4b:s0+s3], $0x80, $0x38;
	[tilespmem:$0x10200] =	vst v63  }
0x13: {  	s9 =	rddreg [dreg:$0x4]  }
0x14: {  	[tilespmem:s17], [sflag:$0x1] =	stream.linear.gather [hbm4b:s9+s3], $0x80, $0x38;
	[tilespmem:$0x10200] =	vst v63  }
0x15: {  	s10 =	rddreg [dreg:$0x5]  }
0x16: {  	[tilespmem:s18], [sflag:$0x2] =	stream.linear.gather [hbm4b:s10+s3], $0x80, $0x38;
	[tilespmem:$0x10200] =	vst v63  }
0x17: {  	_ = 	snop  }
0x18: {  	[tilespmem:s19], [sflag:$0x2] =	stream.linear.gather [hbm4b:s11+s3], $0x80, $0x38;
	[tilespmem:$0x10200] =	vst v63  }
0x19: {  	_ =	swait.ge [sflag:s20], $0x80  }
0x1a: {  	[sflag:s20] =	ssyncset.done $0x0  }
0x1b: {  	[sflag:s20] =	ssyncadd.s32 $0xFFFFFF80  }
0x1c: {  	_ =	swait.ge [sflag:s20], $0x80  }
0x1d: {  	[sflag:s20] =	ssyncset.done $0x0  }
0x1e: {  	[sflag:s20] =	ssyncadd.s32 $0xFFFFFF80  }
0x1f: {  	[tilespmem:s21], [sflag:$0x3] =	stream.indirect.gather [hbm4b:s1+s17], $0x80, s3, s17, $0xb8;
	[tilespmem:$0x10200] =	vst v63  }
0x20: {  	s22 =	simm.s32 $0x4200;
	s0 =	simm.s32 $0x0  }
0x21: {  	[tilespmem:s22], [sflag:$0x3] =	stream.indirect.gather [hbm4b:s4+s17], $0x80, s17, s17, $0xb8;
	[tilespmem:$0x10200] =	vst v63  }
.LBB2_2:
0x22: {  	_ =	swait.ge [sflag:s23], $0x4000  }
0x23: {  	[sflag:s23] =	ssyncset.done $0x0  }
0x24: {  	s2 =	sshll.u32 s0, $0x8;
	p0 =	seq.s32 s0, $0x13;
	[sflag:s23] =	ssyncadd.s32 $0xFFFFC000  }
0x25: {  	s8 =	sadd.s32 @!p0 s2, s12;
	_ =	swait.ge [sflag:s23], $0x4000  }
0x26: {  	s9 =	simm.s32 @!p0 $0x0;
	s8 =	sshrl.u32 @!p0 s8, $0x3;
	[sflag:s23] =	ssyncset.done $0x0  }
0x27: {  	p1 =	seq.s32 @!p0 s0, $0x0;
	s22 =	sadd.s32 @!p0 s5, s8;
	[sflag:s23] =	ssyncadd.s32 $0xFFFFC000  }
0x28: {  	[tilespmem:s9], [sflag:$0x1] =	stream.linear.gather @!p0 [hbm4b:s22+s9], $0x80, $0x38;
	[tilespmem:$0x10200] =	vst v63  }
0x29: {  	p1 =	por p0, !p1;
	s8 =	sadd.s32 @!p0 s6, s8;
	s22 =	simm.s32 @!p0 $0x80  }
0x2a: {  	[tilespmem:s22], [sflag:$0x1] =	stream.linear.gather @!p0 [hbm4b:s8+s9], $0x80, $0x38;
	[tilespmem:$0x10200] =	vst v63  }
0x2b: {  	_ =	swait.ge @p1 [sflag:s30], $0x4000  }
0x2c: {  	[sflag:s30] =	ssyncset.done @p1 $0x0  }
0x2d: {  	[sflag:s30] =	ssyncadd.s32 @p1 $0xFFFFC000  }
0x2e: {  	_ =	swait.ge [sflag:s24], $0x80  }
0x2f: {  	[sflag:s24] =	ssyncset.done $0x0  }
0x30: {  	[sflag:s24] =	ssyncadd.s32 $0xFFFFFF80  }
0x31: {  	_ =	swait.ge [sflag:s24], $0x80  }
0x32: {  	[sflag:s24] =	ssyncset.done $0x0  }
0x33: {  	[sflag:s24] =	ssyncadd.s32 $0xFFFFFF80  }
0x34: {  	[tilespmem:s25], [sflag:$0x4] =	stream.indirect.gather [hbm4b:s1+s17], $0x80, s18, s17, $0xb8;
	[tilespmem:$0x10200] =	vst v63  }
0x35: {  	s22 =	simm.s32 $0x0  }
0x36: {  	[tilespmem:s26], [sflag:$0x4] =	stream.indirect.gather [hbm4b:s4+s17], $0x80, s19, s17, $0xb8;
	[tilespmem:$0x10200] =	vst v63  }
0x37: {  	v7 =	vld [tilespmem:s22+$0x4200]  }
0x38: {  	v11 =	vld [tilespmem:s22+$0x4210]  }
0x39: {  	v5 =	vld [tilespmem:s22+$0x4220]  }
0x3a: {  	v4 =	vld [tilespmem:s22+$0x4230]  }
0x3b: {  	v3 =	vld [tilespmem:s22+$0x4240]  }
0x3c: {  	v2 =	vld [tilespmem:s22+$0x4250]  }
0x3d: {  	v1 =	vld [tilespmem:s22+$0x4260]  }
0x3e: {  	v0 =	vld [tilespmem:s22+$0x4270]  }
0x3f: {  	v12 =	vld [tilespmem:s22+$0x200]  }
0x40: {  	v13 =	vld [tilespmem:s22+$0x210]  }
0x41: {  	v10 =	vld [tilespmem:s22+$0x220]  }
0x42: {  	v9 =	vld [tilespmem:s22+$0x230]  }
0x43: {  	v8 =	vld [tilespmem:s22+$0x240]  }
0x44: {  	v6 =	vld [tilespmem:s22+$0x250];
	v12 =	vadd.f32 v7, v12  }
0x45: {  	s8 =	simm.s32 $0x200;
	v11 =	vadd.f32 v11, v13;
	v7 =	vld [tilespmem:s22+$0x260]  }
.LBB2_3:
0x46: {  	s9 =	sshra.s32 s8, $0x2;
	p1 =	sne.s32 s8, $0xFE00;
	[tilespmem:s22+$0x200] =	vst v12;
	v5 =	vadd.f32 v5, v10;
	v10 =	vld [tilespmem:s22+$0x270]  }
0x47: {  	v12 =	vld [tilespmem:s9+$0x4200];
	[tilespmem:s22+$0x210] =	vst v11;
	v4 =	vadd.f32 v4, v9  }
0x48: {  	v11 =	vld [tilespmem:s9+$0x4210];
	[tilespmem:s22+$0x220] =	vst v5;
	v3 =	vadd.f32 v3, v8  }
0x49: {  	v5 =	vld [tilespmem:s9+$0x4220];
	[tilespmem:s22+$0x230] =	vst v4;
	v2 =	vadd.f32 v2, v6  }
0x4a: {  	v4 =	vld [tilespmem:s9+$0x4230];
	[tilespmem:s22+$0x240] =	vst v3;
	v1 =	vadd.f32 v1, v7  }
0x4b: {  	v3 =	vld [tilespmem:s9+$0x4240];
	[tilespmem:s22+$0x250] =	vst v2;
	v0 =	vadd.f32 v0, v10  }
0x4c: {  	v2 =	vld [tilespmem:s9+$0x4250];
	[tilespmem:s22+$0x260] =	vst v1  }
0x4d: {  	v1 =	vld [tilespmem:s9+$0x4260];
	[tilespmem:s22+$0x270] =	vst v0;
	s22 =	smov.u32 s9  }
0x4e: {  	v0 =	vld [tilespmem:s22+$0x4270]  }
0x4f: {  	v6 =	vld [tilespmem:s22+$0x200]  }
0x50: {  	v7 =	vld [tilespmem:s22+$0x210]  }
.Ltmp0:
0x51: {  	v10 =	vld [tilespmem:s22+$0x220];
	(pc) =	sbr.rel @p1 .LBB2_3-.Ltmp0, $4  }
0x52: {  	v9 =	vld [tilespmem:s22+$0x230]  }
0x53: {  	v8 =	vld [tilespmem:s22+$0x240]  }
0x54: {  	v12 =	vadd.f32 v12, v6;
	v6 =	vld [tilespmem:s22+$0x250]  }
0x55: {  	s8 =	sadd.s32 $0x200, s8;
	v11 =	vadd.f32 v11, v7;
	v7 =	vld [tilespmem:s22+$0x260]  }
0x56: {  	[tilespmem:s22+$0x200] =	vst v12;
	v5 =	vadd.f32 v5, v10;
	v10 =	vld [tilespmem:s22+$0x270]  }
0x57: {  	[tilespmem:s22+$0x210] =	vst v11;
	v4 =	vadd.f32 v4, v9  }
0x58: {  	[tilespmem:s22+$0x220] =	vst v5;
	v3 =	vadd.f32 v3, v8  }
0x59: {  	[tilespmem:s22+$0x230] =	vst v4;
	v2 =	vadd.f32 v2, v6  }
0x5a: {  	s8 =	sshll.u32 s0, $0xF;
	[tilespmem:s22+$0x240] =	vst v3;
	v1 =	vadd.f32 v1, v7  }
0x5b: {  	s8 =	sadd.s32 s13, s8;
	[tilespmem:s22+$0x250] =	vst v2;
	v0 =	vadd.f32 v0, v10  }
0x5c: {  	s8 =	sshrl.u32 s8, $0x3;
	[tilespmem:s22+$0x260] =	vst v1  }
0x5d: {  	s8 =	sadd.s32 s7, s8;
	[tilespmem:s22+$0x270] =	vst v0  }
0x5e: {  	[hbm4b:s8+s3] =	stream.linear.scatter [tilespmem:s21], [sflag:$0x5], $0x4000, $0x38;
	[tilespmem:$0x10200] =	vst v63  }
0x5f: {  	_ =	swait.ge [sflag:s28], $0x4000  }
0x60: {  	[sflag:s28] =	ssyncset.done $0x0  }
0x61: {  	[sflag:s28] =	ssyncadd.s32 $0xFFFFC000  }
0x62: {  	s8 =	sadd.s32 @!p0 s2, s14;
	_ =	swait.ge [sflag:s28], $0x4000  }
0x63: {  	s10 =	simm.s32 @!p0 $0x100;
	s8 =	sshrl.u32 @!p0 s8, $0x3;
	[sflag:s28] =	ssyncset.done $0x0  }
0x64: {  	s22 =	simm.s32 @!p0 $0x0;
	s9 =	sadd.s32 @!p0 s5, s8;
	[sflag:s28] =	ssyncadd.s32 $0xFFFFC000  }
0x65: {  	[tilespmem:s10], [sflag:$0x2] =	stream.linear.gather @!p0 [hbm4b:s9+s22], $0x80, $0x38;
	[tilespmem:$0x10200] =	vst v63  }
0x66: {  	s8 =	sadd.s32 @!p0 s6, s8;
	s9 =	simm.s32 @!p0 $0x180  }
0x67: {  	[tilespmem:s9], [sflag:$0x2] =	stream.linear.gather @!p0 [hbm4b:s8+s22], $0x80, $0x38;
	[tilespmem:$0x10200] =	vst v63  }
0x68: {  	s8 =	simm.s32 @!p0 $0x5  }
0x69: {  	_ =	swait.ge @!p0 [sflag:s8], $0x4000  }
0x6a: {  	[sflag:s8] =	ssyncset.done @!p0 $0x0  }
0x6b: {  	[sflag:s8] =	ssyncadd.s32 @!p0 $0xFFFFC000;
	s8 =	simm.s32 @!p0 $0x1  }
0x6c: {  	_ =	swait.ge @!p0 [sflag:s8], $0x80  }
0x6d: {  	[sflag:s8] =	ssyncset.done @!p0 $0x0  }
0x6e: {  	[sflag:s8] =	ssyncadd.s32 @!p0 $0xFFFFFF80  }
0x6f: {  	_ =	swait.ge @!p0 [sflag:s8], $0x80  }
0x70: {  	[sflag:s8] =	ssyncset.done @!p0 $0x0  }
0x71: {  	s9 =	simm.s32 @!p0 $0x200;
	[sflag:s8] =	ssyncadd.s32 @!p0 $0xFFFFFF80;
	s8 =	simm.s32 @!p0 $0x80  }
0x72: {  	[tilespmem:s9], [sflag:$0x3] =	stream.indirect.gather @!p0 [hbm4b:s1+s8], $0x80, s22, s8, $0xb8;
	[tilespmem:$0x10200] =	vst v63  }
0x73: {  	s9 =	simm.s32 @!p0 $0x4200;
	s22 =	simm.s32 $0x0  }
0x74: {  	[tilespmem:s9], [sflag:$0x3] =	stream.indirect.gather @!p0 [hbm4b:s4+s8], $0x80, s8, s8, $0xb8;
	[tilespmem:$0x10200] =	vst v63  }
0x75: {  	v7 =	vld [tilespmem:s22+$0xC200]  }
0x76: {  	v11 =	vld [tilespmem:s22+$0xC210]  }
0x77: {  	v5 =	vld [tilespmem:s22+$0xC220]  }
0x78: {  	v4 =	vld [tilespmem:s22+$0xC230]  }
0x79: {  	v3 =	vld [tilespmem:s22+$0xC240]  }
0x7a: {  	v2 =	vld [tilespmem:s22+$0xC250]  }
0x7b: {  	v1 =	vld [tilespmem:s22+$0xC260]  }
0x7c: {  	v0 =	vld [tilespmem:s22+$0xC270]  }
0x7d: {  	v12 =	vld [tilespmem:s22+$0x8200]  }
0x7e: {  	v13 =	vld [tilespmem:s22+$0x8210]  }
0x7f: {  	v10 =	vld [tilespmem:s22+$0x8220]  }
0x80: {  	v9 =	vld [tilespmem:s22+$0x8230]  }
0x81: {  	v8 =	vld [tilespmem:s22+$0x8240]  }
0x82: {  	v6 =	vld [tilespmem:s22+$0x8250];
	v12 =	vadd.f32 v7, v12  }
0x83: {  	s8 =	simm.s32 $0x200;
	v11 =	vadd.f32 v11, v13;
	v7 =	vld [tilespmem:s22+$0x8260]  }
.LBB2_5:
0x84: {  	s9 =	sshra.s32 s8, $0x2;
	p0 =	sne.s32 s8, $0xFE00;
	[tilespmem:s22+$0x8200] =	vst v12;
	v5 =	vadd.f32 v5, v10;
	v10 =	vld [tilespmem:s22+$0x8270]  }
0x85: {  	v12 =	vld [tilespmem:s9+$0xC200];
	[tilespmem:s22+$0x8210] =	vst v11;
	v4 =	vadd.f32 v4, v9  }
0x86: {  	v11 =	vld [tilespmem:s9+$0xC210];
	[tilespmem:s22+$0x8220] =	vst v5;
	v3 =	vadd.f32 v3, v8  }
0x87: {  	v5 =	vld [tilespmem:s9+$0xC220];
	[tilespmem:s22+$0x8230] =	vst v4;
	v2 =	vadd.f32 v2, v6  }
0x88: {  	v4 =	vld [tilespmem:s9+$0xC230];
	[tilespmem:s22+$0x8240] =	vst v3;
	v1 =	vadd.f32 v1, v7  }
0x89: {  	v3 =	vld [tilespmem:s9+$0xC240];
	[tilespmem:s22+$0x8250] =	vst v2;
	v0 =	vadd.f32 v0, v10  }
0x8a: {  	v2 =	vld [tilespmem:s9+$0xC250];
	[tilespmem:s22+$0x8260] =	vst v1  }
0x8b: {  	v1 =	vld [tilespmem:s9+$0xC260];
	[tilespmem:s22+$0x8270] =	vst v0;
	s22 =	smov.u32 s9  }
0x8c: {  	v0 =	vld [tilespmem:s22+$0xC270]  }
0x8d: {  	v6 =	vld [tilespmem:s22+$0x8200]  }
0x8e: {  	v7 =	vld [tilespmem:s22+$0x8210]  }
.Ltmp1:
0x8f: {  	v10 =	vld [tilespmem:s22+$0x8220];
	(pc) =	sbr.rel @p0 .LBB2_5-.Ltmp1, $4  }
0x90: {  	v9 =	vld [tilespmem:s22+$0x8230]  }
0x91: {  	v8 =	vld [tilespmem:s22+$0x8240]  }
0x92: {  	v12 =	vadd.f32 v12, v6;
	v6 =	vld [tilespmem:s22+$0x8250]  }
0x93: {  	s8 =	sadd.s32 $0x200, s8;
	v11 =	vadd.f32 v11, v7;
	v7 =	vld [tilespmem:s22+$0x8260]  }
0x94: {  	[tilespmem:s22+$0x8200] =	vst v12;
	v5 =	vadd.f32 v5, v10;
	v63 =	vld [tilespmem:s22+$0x8270]  }
0x95: {  	[tilespmem:s22+$0x8210] =	vst v11;
	v4 =	vadd.f32 v4, v9  }
0x96: {  	s0 =	sadd.s32 $0x1, s0;
	[tilespmem:s22+$0x8220] =	vst v5;
	v3 =	vadd.f32 v3, v8  }
0x97: {  	p0 =	sne.s32 s0, $0x14;
	[tilespmem:s22+$0x8230] =	vst v4;
	v2 =	vadd.f32 v2, v6  }
.Ltmp2:
0x98: {  	[tilespmem:s22+$0x8240] =	vst v3;
	v1 =	vadd.f32 v1, v7;
	(pc) =	sbr.rel @p0 .LBB2_2-.Ltmp2, $4  }
0x99: {  	s2 =	sadd.s32 s2, s15;
	[tilespmem:s22+$0x8250] =	vst v2;
	v0 =	vadd.f32 v0, v63  }
0x9a: {  	s2 =	sshll.u32 s2, $0x4;
	[tilespmem:s22+$0x8260] =	vst v1  }
0x9b: {  	s2 =	sadd.s32 s7, s2;
	[tilespmem:s22+$0x8270] =	vst v0  }
0x9c: {  	[hbm4b:s2+s3] =	stream.linear.scatter [tilespmem:s25], [sflag:$0x6], $0x4000, $0x38;
	[tilespmem:$0x10200] =	vst v63  }
0x9d: {  	s31 =	sadd.s32 $0x1, s31  }
0x9e: {  	_ =	swait.ge [sflag:s29], $0x4000;
	p0 =	sne.s32 s31, s16  }
.Ltmp3:
0x9f: {  	[sflag:s29] =	ssyncset.done $0x0;
	(pc) =	sbr.rel @p0 .LBB2_1-.Ltmp3, $4  }
0xa0: {  	[sflag:s29] =	ssyncadd.s32 $0xFFFFC000  }
0xa1: {  	_ =	swait.ge [sflag:s30], $0x4000  }
0xa2: {  	[sflag:s30] =	ssyncset.done $0x0  }
0xa3: {  	[sflag:s30] =	ssyncadd.s32 $0xFFFFC000  }
0xa4: {  	_ =	sfence.sel $0x180000  }
0xa5: {  	[bflag:$0x0] =	sbarrier.arrive $0xFFFF  }
0xa6: {  	_ =	strace $0x90000047  }
0xa7: {  	s0 =	stileid.u32;
	[bflag:$0x2] =	sbarrier.arrive $0xFFFF  }
0xa8: {  	p0 =	sne.s32 s0, $0x0;
	s0 =	rddreg [dreg:$0x2]  }
0xa9: {  	s0 =	sadd.s32 @!p0 $0x100000, s0  }
0xaa: {  	[sflag:s0] =	ssyncadd.tile.s32 @!p0 $0x1;
	_ =	shalt  }
.Lfunc_end2:
_tile_overlayer_lowered:
.L_overlay_start_2:
0xab: {  	(tag) =	ssettag $0x2  }
0xac: {  	s0 =	rddreg [dreg:$0x0];
	s2 =	stileid.u32  }
0xad: {  	s1 =	rddreg [dreg:$0x1];
	p0 =	sne.s32 s2, $0x0  }
0xae: {  	s3 =	rddreg [dreg:$0x2];
	[bflag:$0x3] =	sbarrier.arrive $0xFFFF;
	s2 =	simm.s32 @!p0 $0x1C07  }
0xaf: {  	[timem:s3], [sflag:s2] =	dma.local @!p0 [hbm:s0], s1  }
0xb0: {  	s0 =	simm.s32 @!p0 $0x7  }
0xb1: {  	_ =	swait.ge @!p0 [sflag:s0], s1  }
0xb2: {  	s1 =	ssub.s32 @!p0 $0x0, s1;
	[sflag:s0] =	ssyncset.done @!p0 $0x0  }
0xb3: {  	[sflag:s0] =	ssyncadd.s32 @!p0 s1  }
0xb4: {  	[bflag:$0x3] =	sbarrier.arrive $0xFFFF  }
0xb5: {  	_ =	shalt  }

// kernel: kernel.15.cloned.1.call-start
scs
__scs_entry_jumppad:
0x0: {  	(pc) =	sbr.rel $0x88, $3  }
0x1: {  	(tag) =	ssettag $0x0;
	lr =	simm.s32 $0x1  }
0x2: {  	[smem:$0x3F96] =	sst lr;
	_ =	strace $0xD0000000  }
0x3: {  	_ = 	snop  }
0x4: {  	_ = 	snop  }
0x5: {  	_ = 	snop  }
0x6: {  	_ = 	snop  }
0x7: {  	_ = 	snop  }
__scs_overlays_trampoline_lowered:
0x8: {  	[smem:$0x3FA5] =	sst s0  }
0x9: {  	[smem:$0x3FA6] =	sst s1  }
0xa: {  	[smem:$0x3FA7] =	sst s2  }
0xb: {  	[smem:$0x3FA8] =	sst s3  }
0xc: {  	[smem:$0x3FA9] =	sst s4  }
0xd: {  	[smem:$0x3FAA] =	sst s5  }
0xe: {  	[smem:$0x3FAB] =	sst s6  }
0xf: {  	[smem:$0x3FAC] =	sst s7  }
0x10: {  	[smem:$0x3FAD] =	sst s8  }
0x11: {  	[smem:$0x3FAE] =	sst s9;
	s0 =	simm.s32 @!p0 $0x0  }
0x12: {  	s1 =	sld [smem:$0x3F94];
	s0 =	simm.s32 @p0 $0x1  }
0x13: {  	[smem:$0x3FAF] =	sst s0;
	s0 =	simm.s32 @!p1 $0x0  }
0x14: {  	s2 =	sld [smem:$0x3F93];
	s0 =	simm.s32 @p1 $0x1  }
0x15: {  	[smem:$0x3FB0] =	sst s0;
	s0 =	simm.s32 @!p2 $0x0  }
0x16: {  	s3 =	sld [smem:$0x3FDB];
	s0 =	simm.s32 @p2 $0x1  }
0x17: {  	s4 =	simm.s32 $0x1BF5;
	[smem:$0x3FB2] =	sst s0  }
0x18: {  	s0 =	sld [smem:$0x3F95];
	_ =	swait.ge [sflag:s4], $0x0  }
0x19: {  	s7 =	sld [smem:$0x3F96]  }
0x1a: {  	s8 =	sadd.s32 $0xFFFFE003, lr  }
0x1b: {  	s9 =	sadd.s32 $0xFFFFFEF7, lr;
	s5 =	simm.s32 $0xFFFFFFFF;
	p2 =	slt.u32 s8, $0xFFFFF086  }
0x1c: {  	p1 =	slt.u32 s9, $0xF7A;
	s5 =	simm.s32 @!p2 $0x0  }
0x1d: {  	s5 =	simm.s32 @p1 $0x1;
	p0 =	seq.s32 s7, s2  }
0x1e: {  	s7 =	smul.u32 @!p0 $0xF7A, s2;
	p2 =	seq.s32 @!p0 s5, $0x0  }
0x1f: {  	s9 =	smul.u32 $0xF7A, s1;
	s8 =	simm.s32 @!p0 $0x1BF5;
	p2 =	por !p2, p0  }
0x20: {  	[sflag:s8] =	ssyncset.s32 @!p0 $0xFFFFF086;
	s6 =	sadd.s32 @!p0 s3, s7;
	s7 =	simm.s32 @!p0 $0x108  }
0x21: {  	s3 =	sadd.s32 s3, s9;
	s6 =	sadd.s32 @!p0 $0x88, s6;
	s7 =	simm.s32 @p2 $0x1082  }
0x22: {  	[simem:s7], [sflag:s8] =	dma.local @!p0 [hbm:s6], $0xF7A  }
0x23: {  	s9 =	sor.u32 $0xD0000000, s2;
	s6 =	simm.s32 $0x108;
	_ =	swait.ge @!p0 [sflag:s8], $0x0  }
0x24: {  	s3 =	sadd.s32 $0x88, s3;
	s6 =	simm.s32 @!p1 $0x1082;
	[sflag:s4] =	ssyncset.s32 $0xFFFFF086  }
0x25: {  	[simem:s6], [sflag:s4] =	dma.local [hbm:s3], $0xF7A  }
0x26: {  	[smem:$0x3F96] =	sst s1;
	(tag) =	ssettag s2;
	_ =	strace s9  }
0x27: {  	s1 =	sld [smem:$0x3FA6]  }
0x28: {  	s2 =	sld [smem:$0x3FA7]  }
0x29: {  	s4 =	sld [smem:$0x3FA9]  }
0x2a: {  	p0 =	seq.s32 s5, $0x0;
	s5 =	sld [smem:$0x3FAA]  }
0x2b: {  	s6 =	sld [smem:$0x3FAB]  }
0x2c: {  	s7 =	sld [smem:$0x3FAC]  }
0x2d: {  	s3 =	simm.s32 $0x108;
	s8 =	sld [smem:$0x3FAD]  }
0x2e: {  	s3 =	simm.s32 @!p0 $0x1082;
	s9 =	sld [smem:$0x3FAE]  }
0x2f: {  	lr =	sadd.s32 s0, s3;
	s0 =	sld [smem:$0x3FA5]  }
0x30: {  	s3 =	sld [smem:$0x3FA8]  }
0x31: {  	[smem:$0x3FB1] =	sst s10  }
0x32: {  	s10 =	sld [smem:$0x3FAF];
	_ =	sdelay $0x3  }
0x33: {  	p0 =	seq.s32 s10, $0x1;
	s10 =	sld [smem:$0x3FB1];
	_ =	sdelay $0x3  }
0x34: {  	[smem:$0x3FB1] =	sst s10  }
0x35: {  	s10 =	sld [smem:$0x3FB0];
	_ =	sdelay $0x3  }
0x36: {  	p1 =	seq.s32 s10, $0x1;
	s10 =	sld [smem:$0x3FB1];
	_ =	sdelay $0x3  }
0x37: {  	[smem:$0x3FB1] =	sst s10  }
0x38: {  	s10 =	sld [smem:$0x3FB2]  }
0x39: {  	_ = 	snop;
	(pc) =	sbr.ind lr, $3  }
0x3a: {  	_ = 	snop  }
0x3b: {  	_ = 	snop  }
0x3c: {  	p2 =	seq.s32 s10, $0x1;
	s10 =	sld [smem:$0x3FB1]  }
0x3d: {  	_ =	shalt  }
0x3e: {  	_ =	shalt  }
0x3f: {  	_ =	shalt  }
0x40: {  	_ =	shalt  }
0x41: {  	_ =	shalt  }
0x42: {  	_ =	shalt  }
0x43: {  	_ =	shalt  }
0x44: {  	_ =	shalt  }
0x45: {  	_ =	shalt  }
0x46: {  	_ =	shalt  }
0x47: {  	_ =	shalt  }
0x48: {  	_ =	shalt  }
0x49: {  	_ =	shalt  }
0x4a: {  	_ =	shalt  }
0x4b: {  	_ =	shalt  }
0x4c: {  	_ =	shalt  }
0x4d: {  	_ =	shalt  }
0x4e: {  	_ =	shalt  }
0x4f: {  	_ =	shalt  }
0x50: {  	_ =	shalt  }
0x51: {  	_ =	shalt  }
0x52: {  	_ =	shalt  }
0x53: {  	_ =	shalt  }
0x54: {  	_ =	shalt  }
0x55: {  	_ =	shalt  }
0x56: {  	_ =	shalt  }
0x57: {  	_ =	shalt  }
0x58: {  	_ =	shalt  }
0x59: {  	_ =	shalt  }
0x5a: {  	_ =	shalt  }
0x5b: {  	_ =	shalt  }
0x5c: {  	_ =	shalt  }
0x5d: {  	_ =	shalt  }
0x5e: {  	_ =	shalt  }
0x5f: {  	_ =	shalt  }
0x60: {  	_ =	shalt  }
0x61: {  	_ =	shalt  }
0x62: {  	_ =	shalt  }
0x63: {  	_ =	shalt  }
0x64: {  	_ =	shalt  }
0x65: {  	_ =	shalt  }
0x66: {  	_ =	shalt  }
0x67: {  	_ =	shalt  }
0x68: {  	_ =	shalt  }
0x69: {  	_ =	shalt  }
0x6a: {  	_ =	shalt  }
0x6b: {  	_ =	shalt  }
0x6c: {  	_ =	shalt  }
0x6d: {  	_ =	shalt  }
0x6e: {  	_ =	shalt  }
0x6f: {  	_ =	shalt  }
0x70: {  	_ =	shalt  }
0x71: {  	_ =	shalt  }
0x72: {  	_ =	shalt  }
0x73: {  	_ =	shalt  }
0x74: {  	_ =	shalt  }
0x75: {  	_ =	shalt  }
0x76: {  	_ =	shalt  }
0x77: {  	_ =	shalt  }
0x78: {  	_ =	shalt  }
0x79: {  	_ =	shalt  }
0x7a: {  	_ =	shalt  }
0x7b: {  	_ =	shalt  }
0x7c: {  	_ =	shalt  }
0x7d: {  	_ =	shalt  }
0x7e: {  	_ =	shalt  }
0x7f: {  	_ =	shalt  }
0x80: {  	_ =	shalt  }
0x81: {  	_ =	shalt  }
0x82: {  	_ =	shalt  }
0x83: {  	_ =	shalt  }
0x84: {  	_ =	shalt  }
0x85: {  	_ =	shalt  }
0x86: {  	_ =	shalt  }
0x87: {  	_ =	shalt  }
.Lfunc_end0:
.L_simem_size_0:
called_computation.2_lowered:
.L_overlay_start_0:
0x88: {  	s2 =	sld [smem:$0x3FD9]  }
0x89: {  	s3 =	sld [smem:$0x3FFE];
	_ =	sdelay $0x1  }
0x8a: {  	s1 =	srdreg.scid  }
0x8b: {  	s0 =	sand.u32 $0x1, s1  }
0x8c: {  	s16 =	sshll.u32 s0, $0xA;
	s2 =	sadd.s32 s3, s2  }
0x8d: {  	s2 =	sadd.s32 s2, s16  }
0x8e: {  	[smem:$0x3FBD] =	sst s2  }
0x8f: {  	_ = 	snop  }
0x90: {  	(tm) =	ssettm $0x1  }
0x91: {  	s17 =	sld [smem:$0x3FFB];
	_ =	sdelay $0x3  }
0x92: {  	_ =	strace s17  }
0x93: {  	s2 =	sld [smem:$0x3FFC];
	_ =	sdelay $0x3  }
0x94: {  	_ =	strace s2  }
0x95: {  	s2 =	sld [smem:$0x3FFD];
	_ =	sdelay $0x3  }
0x96: {  	_ =	strace s2  }
0x97: {  	_ =	strace $0x8FFFFFFF  }
0x98: {  	s18 =	sld [smem:$0x3FDB];
	_ =	sdelay $0x1  }
0x99: {  	s19 =	simm.s32 $_scs_section_size  }
0x9a: {  	s4 =	simm.s32 $_size__tile_overlayer_lowered;
	s5 =	simm.s32 $_tile_overlayer_lowered  }
0x9b: {  	s22 =	simm.s32 $0x1BFF;
	s21 =	sshll.u32 s5, $0x1;
	s2 =	sadd.s32 s19, s18  }
0x9c: {  	s6 =	simm.s32 $0x0;
	s20 =	sshll.u32 s4, $0x1;
	s4 =	sadd.s32 s21, s2  }
0x9d: {  	[timem:s6], [sflag:s22] =	dma.local [hbm:s4], s20  }
0x9e: {  	_ =	swait.ge [sflag:s22], s20  }
0x9f: {  	s3 =	ssub.s32 $0x0, s20;
	[sflag:s22] =	ssyncset.done $0x0  }
0xa0: {  	[sflag:s22] =	ssyncadd.s32 s3;
	_ =	sdelay $0x1  }
0xa1: {  	s23 =	simm.s32 $0x1B8B  }
0xa2: {  	_ =	swait.ge [sflag:s23], $0x1  }
0xa3: {  	[sflag:s23] =	ssyncset.done $0x0  }
0xa4: {  	s25 =	simm.s32 $0x1B8E;
	s24 =	sld [smem:$0x3FFE];
	[sflag:s23] =	ssyncadd.s32 $0xFFFFFFFF  }
0xa5: {  	s26 =	simm.s32 $execute0_lowered;
	[smem:$0x3FD2] =	sst s25  }
0xa6: {  	s4 =	sshll.u32 s26, $0x1;
	_ =	strace $0x8000004C;
	[dreg:$0x1] =	wrdreg $0xFFFFFFFF  }
0xa7: {  	s28 =	simm.s32 $_size_execute0_lowered;
	s2 =	sadd.s32 s2, s4;
	[dreg:$0x0] =	wrdreg $0x0  }
0xa8: {  	s4 =	sshll.u32 s28, $0x1;
	[dreg:$0x2] =	wrdreg s2  }
0xa9: {  	[dreg:$0x3] =	wrdreg s4  }
0xaa: {  	[dreg:$0x4] =	wrdreg $0xC0  }
0xab: {  	_ =	task [dreg:s6], $0x5FFFF  }
0xac: {  	[dreg:$0x1] =	wrdreg $0xFFFFFFFF  }
0xad: {  	[dreg:$0x0] =	wrdreg $0x60  }
0xae: {  	[dreg:$0x2] =	wrdreg s24  }
0xaf: {  	[dreg:$0x3] =	wrdreg $0xA1000  }
0xb0: {  	[dreg:$0x4] =	wrdreg $0x9  }
0xb1: {  	_ =	task.clear_ibuf [dreg:s6], $0x5FFFF;
	_ =	strace $0x9000004C  }
0xb2: {  	s29 =	simm.s32 $0x9;
	_ =	strace $0x8000004E  }
0xb3: {  	_ =	swait.ge [sflag:s29], $0x1  }
0xb4: {  	[sflag:s29] =	ssyncadd.s32 $0xFFFFFFFF  }
0xb5: {  	_ =	strace $0x9000004E  }
0xb6: {  	_ =	sfence  }
0xb7: {  	s30 =	sld [smem:$0x0];
	_ =	sdelay $0x2  }
0xb8: {  	s31 =	sshll.u32 s1, $0xD;
	s1 =	sshrl.u32 s1, $0x2  }
0xb9: {  	s3 =	sand.u32 $0x4000, s31;
	s1 =	sadd.s32 s1, s30  }
0xba: {  	s0 =	sor.u32 s3, s0;
	s1 =	sshll.u32 s1, $0x11  }
0xbb: {  	s0 =	sor.u32 s1, s0  }
0xbc: {  	s0 =	sadd.s32 $0x8F2B, s0  }
0xbd: {  	[sflag:s0] =	ssyncadd.remote.s32 $0x1  }
0xbe: {  	_ =	sfence.sel $0xFFFF  }
0xbf: {  	[dreg:$0x0] =	wrdreg $0xFFFFFFFF;
	(pc) =	sbr.abs _section_cstart, $3  }
0xc0: {  	[dreg:$0x1] =	wrdreg $0xFFFFFFFF  }
0xc1: {  	_ =	task.clear_ibuf [dreg:s6], $0x2FFFF;
	_ =	strace $0x9FFFFFFF  }
0xc2: {  	(tm) =	ssettm $0x7FFFFFFF  }
0xc3: {  	_ =	shalt  }
tec
execute0_lowered:
.L_overlay_start_1:
0x0: {  	(tag) =	ssettag $0x1  }
0x1: {  	s0 =	rddreg [dreg:$0x0]  }
0x2: {  	s1 =	rddreg [dreg:$0x1];
	s16 =	stileid.u32  }
0x3: {  	s2 =	srdreg.scid;
	s3 =	simm.s32 $0x0;
	s5 =	smul.u32 $0x14000, s16  }
0x4: {  	s31 =	simm.s32 $0x8100;
	s2 =	sand.u32 $0x1, s2;
	s8 =	smul.u32 $0x50000, s16  }
0x5: {  	[smem:$0x7FF] =	sst s3;
	s6 =	sadd.s32 $0x38000, s0;
	s13 =	smul.u32 $0x2800, s16  }
0x6: {  	s7 =	sadd.s32 $0x2BD000, s0;
	s22 =	sshll.u32 s16, $0x1;
	s4 =	smul.u32 $0x140000, s2  }
0x7: {  	s9 =	sadd.s32 $0x33000, s0;
	s11 =	sor.u32 s2, s22;
	s22 =	smul.u32 $0x28000, s16  }
0x8: {  	_ =	strace $0x8000004D;
	s10 =	ssub.s32 $0x2, s2;
	s12 =	smul.u32 $0x1400, s11  }
0x9: {  	s23 =	sshrl.u32 s8, $0x2;
	s24 =	sshrl.u32 s10, $0x1;
	s26 =	smul.u32 $0x14000, s11  }
0xa: {  	s4 =	sadd.s32 s5, s4;
	s5 =	sadd.s32 $0x542000, s0;
	s8 =	ssub.s32 s10, s24  }
0xb: {  	s4 =	sshrl.u32 s4, $0x3;
	s18 =	sadd.s32 s6, s26;
	s19 =	sor.u32 $0x80, s12  }
0xc: {  	s12 =	sshrl.u32 s12, $0x3;
	s10 =	sadd.s32 s5, s26;
	s0 =	sadd.s32 s4, s0  }
0xd: {  	s4 =	sadd.s32 s23, s1;
	[dreg:$0x7] =	wrdreg s18;
	s11 =	sshrl.u32 s19, $0x3  }
0xe: {  	[dreg:$0xb] =	wrdreg s10;
	s23 =	sadd.s32 s9, s12;
	s25 =	sadd.s32 $0x2000, s4  }
0xf: {  	s14 =	sadd.s32 $0x4000, s4;
	s15 =	sadd.s32 $0x6000, s4;
	[dreg:$0xc] =	wrdreg s23  }
0x10: {  	s17 =	sadd.s32 $0x8000, s4;
	s21 =	sadd.s32 s7, s11;
	[dreg:$0x3] =	wrdreg s25  }
0x11: {  	s16 =	sadd.s32 s9, s11;
	s23 =	smax.u32 s8, $0x1;
	[dreg:$0x4] =	wrdreg s14  }
0x12: {  	s28 =	sadd.s32 $0xE000, s4;
	s29 =	sadd.s32 $0x10000, s4;
	[dreg:$0x5] =	wrdreg s15  }
0x13: {  	s30 =	sadd.s32 $0x12000, s4;
	s8 =	simm.s32 $0x2;
	[dreg:$0x6] =	wrdreg s17  }
0x14: {  	s14 =	sshll.u32 s19, $0x4;
	s15 =	smul.u32 $0x1400, s2;
	s17 =	sadd.s32 s7, s12  }
0x15: {  	[dreg:$0xa] =	wrdreg s21;
	s2 =	smul.u32 $0x14000, s2;
	s21 =	sadd.s32 $0xA000, s4  }
0x16: {  	[dreg:$0x8] =	wrdreg s17;
	s20 =	sadd.s32 s6, s14;
	s24 =	sadd.s32 s5, s14  }
0x17: {  	s6 =	sadd.s32 s22, s6;
	s5 =	sadd.s32 s22, s5;
	s22 =	sadd.s32 $0x2C2000, s0  }
0x18: {  	s0 =	simm.s32 $0x5;
	[dreg:$0x9] =	wrdreg s20;
	s13 =	sadd.s32 s15, s13  }
0x19: {  	[dreg:$0xd] =	wrdreg s24;
	s6 =	sadd.s32 s2, s6;
	s2 =	sadd.s32 s2, s5  }
0x1a: {  	s5 =	simm.s32 $0x4100;
	s25 =	sor.u32 $0x180, s13;
	s26 =	sor.u32 $0x100, s13  }
0x1b: {  	s24 =	sadd.s32 $0x1800, s6;
	s6 =	simm.s32 $0x80;
	s10 =	sshrl.u32 s25, $0x3  }
0x1c: {  	s11 =	sshrl.u32 s26, $0x3;
	s25 =	sadd.s32 $0x1800, s2;
	s26 =	sadd.s32 $0xC000, s4  }
0x1d: {  	s2 =	simm.s32 $0x100;
	s17 =	sadd.s32 s10, s7;
	s18 =	sadd.s32 s11, s7  }
0x1e: {  	s19 =	sadd.s32 s10, s9;
	s20 =	sadd.s32 s11, s9;
	s7 =	simm.s32 $0x1  }
0x1f: {  	v0 =	vimm.f32 $0.0e+00;
	s9 =	simm.s32 $0x3;
	s10 =	simm.s32 $0x4;
	s11 =	simm.s32 $0x0  }
.LBB2_1:
0x20: {  	s12 =	simm.s32 $0x0;
	s13 =	simm.s32 $0x200  }
.LBB2_2:
0x21: {  	p0 =	sne.s32 s13, $0x7E00;
	[tilespmem:s12+$0x8170] =	vst v0  }
0x22: {  	[tilespmem:s12+$0x8100] =	vst v0  }
0x23: {  	[tilespmem:s12+$0x8110] =	vst v0  }
.Ltmp0:
0x24: {  	[tilespmem:s12+$0x8120] =	vst v0;
	(pc) =	sbr.rel @p0 .LBB2_2-.Ltmp0, $4  }
0x25: {  	[tilespmem:s12+$0x8130] =	vst v0  }
0x26: {  	[tilespmem:s12+$0x8140] =	vst v0  }
0x27: {  	[tilespmem:s12+$0x8150] =	vst v0  }
0x28: {  	[tilespmem:s12+$0x8160] =	vst v0;
	s12 =	sshra.s32 s13, $0x2;
	s13 =	sadd.s32 $0x200, s13  }
0x29: {  	[tilespmem:s12+$0x8170] =	vst v0  }
0x2a: {  	[tilespmem:s12+$0x8100] =	vst v0  }
0x2b: {  	[tilespmem:s12+$0x8110] =	vst v0  }
0x2c: {  	[tilespmem:s12+$0x8120] =	vst v0  }
0x2d: {  	[tilespmem:s12+$0x8130] =	vst v0  }
0x2e: {  	[tilespmem:s12+$0x8140] =	vst v0  }
0x2f: {  	[tilespmem:s12+$0x8150] =	vst v0  }
0x30: {  	[tilespmem:s12+$0x8160] =	vst v0  }
0x31: {  	[spmem:s4] =	stream.linear.scatter [tilespmem:s31], [sflag:$0x5], $0x2000, $0x38;
	[tilespmem:$0x1E100] =	vst v63  }
0x32: {  	_ =	swait.ge [sflag:s0], $0x2000  }
0x33: {  	[sflag:s0] =	ssyncset.done $0x0  }
0x34: {  	s14 =	rddreg [dreg:$0x3];
	[sflag:s0] =	ssyncadd.s32 $0xFFFFE000  }
0x35: {  	[spmem:s14] =	stream.linear.scatter [tilespmem:s31], [sflag:$0x5], $0x2000, $0x38;
	[tilespmem:$0x1E100] =	vst v63  }
0x36: {  	_ =	swait.ge [sflag:s0], $0x2000  }
0x37: {  	[sflag:s0] =	ssyncset.done $0x0  }
0x38: {  	s15 =	rddreg [dreg:$0x4];
	[sflag:s0] =	ssyncadd.s32 $0xFFFFE000  }
0x39: {  	[spmem:s15] =	stream.linear.scatter [tilespmem:s31], [sflag:$0x5], $0x2000, $0x38;
	[tilespmem:$0x1E100] =	vst v63  }
0x3a: {  	_ =	swait.ge [sflag:s0], $0x2000  }
0x3b: {  	[sflag:s0] =	ssyncset.done $0x0  }
0x3c: {  	s13 =	rddreg [dreg:$0x5];
	[sflag:s0] =	ssyncadd.s32 $0xFFFFE000  }
0x3d: {  	[spmem:s13] =	stream.linear.scatter [tilespmem:s31], [sflag:$0x5], $0x2000, $0x38;
	[tilespmem:$0x1E100] =	vst v63  }
0x3e: {  	_ =	swait.ge [sflag:s0], $0x2000  }
0x3f: {  	[sflag:s0] =	ssyncset.done $0x0  }
0x40: {  	s14 =	rddreg [dreg:$0x6];
	[sflag:s0] =	ssyncadd.s32 $0xFFFFE000  }
0x41: {  	[spmem:s14] =	stream.linear.scatter [tilespmem:s31], [sflag:$0x5], $0x2000, $0x38;
	[tilespmem:$0x1E100] =	vst v63  }
0x42: {  	_ =	swait.ge [sflag:s0], $0x2000  }
0x43: {  	[sflag:s0] =	ssyncset.done $0x0  }
0x44: {  	[sflag:s0] =	ssyncadd.s32 $0xFFFFE000  }
0x45: {  	[spmem:s21] =	stream.linear.scatter [tilespmem:s31], [sflag:$0x5], $0x2000, $0x38;
	[tilespmem:$0x1E100] =	vst v63  }
0x46: {  	_ =	swait.ge [sflag:s0], $0x2000  }
0x47: {  	[sflag:s0] =	ssyncset.done $0x0  }
0x48: {  	[sflag:s0] =	ssyncadd.s32 $0xFFFFE000  }
0x49: {  	[spmem:s26] =	stream.linear.scatter [tilespmem:s31], [sflag:$0x5], $0x2000, $0x38;
	[tilespmem:$0x1E100] =	vst v63  }
0x4a: {  	_ =	swait.ge [sflag:s0], $0x2000  }
0x4b: {  	[sflag:s0] =	ssyncset.done $0x0  }
0x4c: {  	[sflag:s0] =	ssyncadd.s32 $0xFFFFE000  }
0x4d: {  	[spmem:s28] =	stream.linear.scatter [tilespmem:s31], [sflag:$0x5], $0x2000, $0x38;
	[tilespmem:$0x1E100] =	vst v63  }
0x4e: {  	_ =	swait.ge [sflag:s0], $0x2000  }
0x4f: {  	[sflag:s0] =	ssyncset.done $0x0  }
0x50: {  	[sflag:s0] =	ssyncadd.s32 $0xFFFFE000  }
0x51: {  	[spmem:s29] =	stream.linear.scatter [tilespmem:s31], [sflag:$0x5], $0x2000, $0x38;
	[tilespmem:$0x1E100] =	vst v63  }
0x52: {  	_ =	swait.ge [sflag:s0], $0x2000  }
0x53: {  	[sflag:s0] =	ssyncset.done $0x0  }
0x54: {  	[sflag:s0] =	ssyncadd.s32 $0xFFFFE000  }
0x55: {  	[spmem:s30] =	stream.linear.scatter [tilespmem:s31], [sflag:$0x5], $0x2000, $0x38;
	[tilespmem:$0x1E100] =	vst v63  }
0x56: {  	_ =	swait.ge [sflag:s0], $0x2000  }
0x57: {  	[sflag:s0] =	ssyncset.done $0x0  }
0x58: {  	[sflag:s0] =	ssyncadd.s32 $0xFFFFE000  }
0x59: {  	[bflag:$0x0] =	sbarrier.arrive $0xFFFF  }
0x5a: {  	s12 =	simm.s32 $0x0;
	s13 =	rddreg [dreg:$0x7]  }
0x5b: {  	[tilespmem:s2], [sflag:$0x1] =	stream.linear.gather [hbm4b:s13+s12], $0x4000, $0x38;
	[tilespmem:$0x1E100] =	vst v63  }
0x5c: {  	s15 =	rddreg [dreg:$0x8]  }
0x5d: {  	[tilespmem:s12], [sflag:$0x1] =	stream.linear.gather [hbm4b:s15+s12], $0x80, $0x38;
	[tilespmem:$0x1E100] =	vst v63  }
0x5e: {  	s14 =	rddreg [dreg:$0x9]  }
0x5f: {  	[tilespmem:s5], [sflag:$0x2] =	stream.linear.gather [hbm4b:s14+s12], $0x4000, $0x38;
	[tilespmem:$0x1E100] =	vst v63  }
0x60: {  	s15 =	rddreg [dreg:$0xa]  }
0x61: {  	[tilespmem:s6], [sflag:$0x2] =	stream.linear.gather [hbm4b:s15+s12], $0x80, $0x38;
	[tilespmem:$0x1E100] =	vst v63  }
0x62: {  	_ =	swait.ge [sflag:s7], $0x4000  }
0x63: {  	[sflag:s7] =	ssyncset.done $0x0  }
0x64: {  	[sflag:s7] =	ssyncadd.s32 $0xFFFFC000  }
0x65: {  	_ =	swait.ge [sflag:s7], $0x80  }
0x66: {  	[sflag:s7] =	ssyncset.done $0x0  }
0x67: {  	[sflag:s7] =	ssyncadd.s32 $0xFFFFFF80  }
0x68: {  	[spmem:s1] =	stream.indirect.scatter.add.f32 [tilespmem:s2], [sflag:$0x3], $0x80, s3, s6, $0xb8;
	[tilespmem:$0x1E100] =	vst v63  }
0x69: {  	_ =	swait.ge [sflag:s8], $0x4000  }
0x6a: {  	[sflag:s8] =	ssyncset.done $0x0  }
0x6b: {  	[sflag:s8] =	ssyncadd.s32 $0xFFFFC000  }
0x6c: {  	_ =	swait.ge [sflag:s8], $0x80  }
0x6d: {  	[sflag:s8] =	ssyncset.done $0x0  }
0x6e: {  	[sflag:s8] =	ssyncadd.s32 $0xFFFFFF80  }
0x6f: {  	[spmem:s1] =	stream.indirect.scatter.add.f32 [tilespmem:s5], [sflag:$0x4], $0x80, s6, s6, $0xb8;
	[tilespmem:$0x1E100] =	vst v63  }
0x70: {  	_ =	swait.ge [sflag:s9], $0x4000  }
0x71: {  	[sflag:s9] =	ssyncset.done $0x0  }
0x72: {  	s14 =	sadd.s32 $0xFFFFF800, s24;
	[sflag:s9] =	ssyncadd.s32 $0xFFFFC000  }
0x73: {  	[tilespmem:s2], [sflag:$0x1] =	stream.linear.gather [hbm4b:s14+s3], $0x4000, $0x38;
	[tilespmem:$0x1E100] =	vst v63  }
0x74: {  	s15 =	sadd.s32 $0x0, s18  }
0x75: {  	[tilespmem:s3], [sflag:$0x1] =	stream.linear.gather [hbm4b:s15+s3], $0x80, $0x38;
	[tilespmem:$0x1E100] =	vst v63  }
0x76: {  	_ =	swait.ge [sflag:s10], $0x4000  }
0x77: {  	s13 =	sadd.s32 $0x1000, s24;
	[sflag:s10] =	ssyncset.done $0x0  }
0x78: {  	s12 =	simm.s32 $0x20;
	s14 =	sadd.s32 $0x0, s17;
	[sflag:s10] =	ssyncadd.s32 $0xFFFFC000  }
0x79: {  	[tilespmem:s5], [sflag:$0x2] =	stream.linear.gather [hbm4b:s24+s3], $0x4000, $0x38;
	[tilespmem:$0x1E100] =	vst v63  }
.LBB2_4:
0x7a: {  	[tilespmem:s6], [sflag:$0x2] =	stream.linear.gather [hbm4b:s14+s3], $0x80, $0x38;
	[tilespmem:$0x1E100] =	vst v63  }
0x7b: {  	s14 =	smov.u32 s12  }
0x7c: {  	p0 =	sne.s32 s12, $0x240;
	s12 =	sadd.s32 $0x20, s12;
	_ =	swait.ge [sflag:s7], $0x4000  }
0x7d: {  	[sflag:s7] =	ssyncset.done $0x0  }
0x7e: {  	[sflag:s7] =	ssyncadd.s32 $0xFFFFC000  }
0x7f: {  	_ =	swait.ge [sflag:s7], $0x80  }
0x80: {  	[sflag:s7] =	ssyncset.done $0x0  }
0x81: {  	[sflag:s7] =	ssyncadd.s32 $0xFFFFFF80  }
0x82: {  	[spmem:s1] =	stream.indirect.scatter.add.f32 [tilespmem:s2], [sflag:$0x3], $0x80, s3, s6, $0xb8;
	[tilespmem:$0x1E100] =	vst v63  }
0x83: {  	_ =	swait.ge [sflag:s8], $0x4000  }
0x84: {  	[sflag:s8] =	ssyncset.done $0x0  }
0x85: {  	[sflag:s8] =	ssyncadd.s32 $0xFFFFC000  }
0x86: {  	_ =	swait.ge [sflag:s8], $0x80  }
0x87: {  	[sflag:s8] =	ssyncset.done $0x0  }
0x88: {  	[sflag:s8] =	ssyncadd.s32 $0xFFFFFF80  }
0x89: {  	[spmem:s1] =	stream.indirect.scatter.add.f32 [tilespmem:s5], [sflag:$0x4], $0x80, s6, s6, $0xb8;
	[tilespmem:$0x1E100] =	vst v63  }
0x8a: {  	_ =	swait.ge [sflag:s9], $0x4000  }
0x8b: {  	[sflag:s9] =	ssyncset.done $0x0  }
0x8c: {  	s15 =	sadd.s32 $0xFFFFF800, s13;
	[sflag:s9] =	ssyncadd.s32 $0xFFFFC000  }
0x8d: {  	[tilespmem:s2], [sflag:$0x1] =	stream.linear.gather [hbm4b:s15+s3], $0x4000, $0x38;
	[tilespmem:$0x1E100] =	vst v63  }
0x8e: {  	s15 =	sadd.s32 s14, s18  }
0x8f: {  	[tilespmem:s3], [sflag:$0x1] =	stream.linear.gather [hbm4b:s15+s3], $0x80, $0x38;
	[tilespmem:$0x1E100] =	vst v63  }
.Ltmp1:
0x90: {  	_ =	swait.ge [sflag:s10], $0x4000;
	(pc) =	sbr.rel @p0 .LBB2_4-.Ltmp1, $4  }
0x91: {  	[sflag:s10] =	ssyncset.done $0x0  }
0x92: {  	[sflag:s10] =	ssyncadd.s32 $0xFFFFC000  }
0x93: {  	[tilespmem:s5], [sflag:$0x2] =	stream.linear.gather [hbm4b:s13+s3], $0x4000, $0x38;
	[tilespmem:$0x1E100] =	vst v63  }
0x94: {  	s14 =	sadd.s32 s14, s17;
	s13 =	sadd.s32 $0x1000, s13  }
0x95: {  	[tilespmem:s6], [sflag:$0x2] =	stream.linear.gather [hbm4b:s14+s3], $0x80, $0x38;
	[tilespmem:$0x1E100] =	vst v63  }
0x96: {  	_ =	swait.ge [sflag:s7], $0x4000  }
0x97: {  	[sflag:s7] =	ssyncset.done $0x0  }
0x98: {  	[sflag:s7] =	ssyncadd.s32 $0xFFFFC000  }
0x99: {  	_ =	swait.ge [sflag:s7], $0x80  }
0x9a: {  	[sflag:s7] =	ssyncset.done $0x0  }
0x9b: {  	s12 =	simm.s32 $0x0;
	[sflag:s7] =	ssyncadd.s32 $0xFFFFFF80  }
0x9c: {  	[spmem:s1] =	stream.indirect.scatter.add.f32 [tilespmem:s2], [sflag:$0x3], $0x80, s12, s6, $0xb8;
	[tilespmem:$0x1E100] =	vst v63  }
0x9d: {  	_ =	swait.ge [sflag:s8], $0x4000  }
0x9e: {  	[sflag:s8] =	ssyncset.done $0x0  }
0x9f: {  	[sflag:s8] =	ssyncadd.s32 $0xFFFFC000  }
0xa0: {  	_ =	swait.ge [sflag:s8], $0x80  }
0xa1: {  	[sflag:s8] =	ssyncset.done $0x0  }
0xa2: {  	[sflag:s8] =	ssyncadd.s32 $0xFFFFFF80  }
0xa3: {  	[spmem:s1] =	stream.indirect.scatter.add.f32 [tilespmem:s5], [sflag:$0x4], $0x80, s6, s6, $0xb8;
	[tilespmem:$0x1E100] =	vst v63  }
0xa4: {  	_ =	swait.ge [sflag:s9], $0x4000  }
0xa5: {  	[sflag:s9] =	ssyncset.done $0x0  }
0xa6: {  	[sflag:s9] =	ssyncadd.s32 $0xFFFFC000  }
0xa7: {  	_ =	swait.ge [sflag:s10], $0x4000  }
0xa8: {  	[sflag:s10] =	ssyncset.done $0x0  }
0xa9: {  	s13 =	rddreg [dreg:$0xb];
	[sflag:s10] =	ssyncadd.s32 $0xFFFFC000  }
0xaa: {  	[tilespmem:s2], [sflag:$0x1] =	stream.linear.gather [hbm4b:s13+s12], $0x4000, $0x38;
	[tilespmem:$0x1E100] =	vst v63  }
0xab: {  	s14 =	rddreg [dreg:$0xc]  }
0xac: {  	[tilespmem:s12], [sflag:$0x1] =	stream.linear.gather [hbm4b:s14+s12], $0x80, $0x38;
	[tilespmem:$0x1E100] =	vst v63  }
0xad: {  	s15 =	rddreg [dreg:$0xd]  }
0xae: {  	[tilespmem:s5], [sflag:$0x2] =	stream.linear.gather [hbm4b:s15+s12], $0x4000, $0x38;
	[tilespmem:$0x1E100] =	vst v63  }
0xaf: {  	_ = 	snop  }
0xb0: {  	[tilespmem:s6], [sflag:$0x2] =	stream.linear.gather [hbm4b:s16+s12], $0x80, $0x38;
	[tilespmem:$0x1E100] =	vst v63  }
0xb1: {  	_ =	swait.ge [sflag:s7], $0x4000  }
0xb2: {  	[sflag:s7] =	ssyncset.done $0x0  }
0xb3: {  	[sflag:s7] =	ssyncadd.s32 $0xFFFFC000  }
0xb4: {  	_ =	swait.ge [sflag:s7], $0x80  }
0xb5: {  	[sflag:s7] =	ssyncset.done $0x0  }
0xb6: {  	[sflag:s7] =	ssyncadd.s32 $0xFFFFFF80  }
0xb7: {  	[spmem:s1] =	stream.indirect.scatter.add.f32 [tilespmem:s2], [sflag:$0x3], $0x80, s3, s6, $0xb8;
	[tilespmem:$0x1E100] =	vst v63  }
0xb8: {  	_ =	swait.ge [sflag:s8], $0x4000  }
0xb9: {  	[sflag:s8] =	ssyncset.done $0x0  }
0xba: {  	[sflag:s8] =	ssyncadd.s32 $0xFFFFC000  }
0xbb: {  	_ =	swait.ge [sflag:s8], $0x80  }
0xbc: {  	[sflag:s8] =	ssyncset.done $0x0  }
0xbd: {  	[sflag:s8] =	ssyncadd.s32 $0xFFFFFF80  }
0xbe: {  	[spmem:s1] =	stream.indirect.scatter.add.f32 [tilespmem:s5], [sflag:$0x4], $0x80, s6, s6, $0xb8;
	[tilespmem:$0x1E100] =	vst v63  }
0xbf: {  	_ =	swait.ge [sflag:s9], $0x4000  }
0xc0: {  	[sflag:s9] =	ssyncset.done $0x0  }
0xc1: {  	s14 =	sadd.s32 $0xFFFFF800, s25;
	[sflag:s9] =	ssyncadd.s32 $0xFFFFC000  }
0xc2: {  	[tilespmem:s2], [sflag:$0x1] =	stream.linear.gather [hbm4b:s14+s3], $0x4000, $0x38;
	[tilespmem:$0x1E100] =	vst v63  }
0xc3: {  	s15 =	sadd.s32 $0x0, s20  }
0xc4: {  	[tilespmem:s3], [sflag:$0x1] =	stream.linear.gather [hbm4b:s15+s3], $0x80, $0x38;
	[tilespmem:$0x1E100] =	vst v63  }
0xc5: {  	_ =	swait.ge [sflag:s10], $0x4000  }
0xc6: {  	s13 =	sadd.s32 $0x1000, s25;
	[sflag:s10] =	ssyncset.done $0x0  }
0xc7: {  	s12 =	simm.s32 $0x20;
	s14 =	sadd.s32 $0x0, s19;
	[sflag:s10] =	ssyncadd.s32 $0xFFFFC000  }
0xc8: {  	[tilespmem:s5], [sflag:$0x2] =	stream.linear.gather [hbm4b:s25+s3], $0x4000, $0x38;
	[tilespmem:$0x1E100] =	vst v63  }
.LBB2_6:
0xc9: {  	[tilespmem:s6], [sflag:$0x2] =	stream.linear.gather [hbm4b:s14+s3], $0x80, $0x38;
	[tilespmem:$0x1E100] =	vst v63  }
0xca: {  	s14 =	smov.u32 s12  }
0xcb: {  	p0 =	sne.s32 s12, $0x240;
	s12 =	sadd.s32 $0x20, s12;
	_ =	swait.ge [sflag:s7], $0x4000  }
0xcc: {  	[sflag:s7] =	ssyncset.done $0x0  }
0xcd: {  	[sflag:s7] =	ssyncadd.s32 $0xFFFFC000  }
0xce: {  	_ =	swait.ge [sflag:s7], $0x80  }
0xcf: {  	[sflag:s7] =	ssyncset.done $0x0  }
0xd0: {  	[sflag:s7] =	ssyncadd.s32 $0xFFFFFF80  }
0xd1: {  	[spmem:s1] =	stream.indirect.scatter.add.f32 [tilespmem:s2], [sflag:$0x3], $0x80, s3, s6, $0xb8;
	[tilespmem:$0x1E100] =	vst v63  }
0xd2: {  	_ =	swait.ge [sflag:s8], $0x4000  }
0xd3: {  	[sflag:s8] =	ssyncset.done $0x0  }
0xd4: {  	[sflag:s8] =	ssyncadd.s32 $0xFFFFC000  }
0xd5: {  	_ =	swait.ge [sflag:s8], $0x80  }
0xd6: {  	[sflag:s8] =	ssyncset.done $0x0  }
0xd7: {  	[sflag:s8] =	ssyncadd.s32 $0xFFFFFF80  }
0xd8: {  	[spmem:s1] =	stream.indirect.scatter.add.f32 [tilespmem:s5], [sflag:$0x4], $0x80, s6, s6, $0xb8;
	[tilespmem:$0x1E100] =	vst v63  }
0xd9: {  	_ =	swait.ge [sflag:s9], $0x4000  }
0xda: {  	[sflag:s9] =	ssyncset.done $0x0  }
0xdb: {  	s15 =	sadd.s32 $0xFFFFF800, s13;
	[sflag:s9] =	ssyncadd.s32 $0xFFFFC000  }
0xdc: {  	[tilespmem:s2], [sflag:$0x1] =	stream.linear.gather [hbm4b:s15+s3], $0x4000, $0x38;
	[tilespmem:$0x1E100] =	vst v63  }
0xdd: {  	s15 =	sadd.s32 s14, s20  }
0xde: {  	[tilespmem:s3], [sflag:$0x1] =	stream.linear.gather [hbm4b:s15+s3], $0x80, $0x38;
	[tilespmem:$0x1E100] =	vst v63  }
.Ltmp2:
0xdf: {  	_ =	swait.ge [sflag:s10], $0x4000;
	(pc) =	sbr.rel @p0 .LBB2_6-.Ltmp2, $4  }
0xe0: {  	[sflag:s10] =	ssyncset.done $0x0  }
0xe1: {  	[sflag:s10] =	ssyncadd.s32 $0xFFFFC000  }
0xe2: {  	[tilespmem:s5], [sflag:$0x2] =	stream.linear.gather [hbm4b:s13+s3], $0x4000, $0x38;
	[tilespmem:$0x1E100] =	vst v63  }
0xe3: {  	s14 =	sadd.s32 s14, s19;
	s13 =	sadd.s32 $0x1000, s13  }
0xe4: {  	[tilespmem:s6], [sflag:$0x2] =	stream.linear.gather [hbm4b:s14+s3], $0x80, $0x38;
	[tilespmem:$0x1E100] =	vst v63  }
0xe5: {  	_ =	swait.ge [sflag:s7], $0x4000  }
0xe6: {  	[sflag:s7] =	ssyncset.done $0x0  }
0xe7: {  	[sflag:s7] =	ssyncadd.s32 $0xFFFFC000  }
0xe8: {  	_ =	swait.ge [sflag:s7], $0x80  }
0xe9: {  	[sflag:s7] =	ssyncset.done $0x0  }
0xea: {  	[sflag:s7] =	ssyncadd.s32 $0xFFFFFF80  }
0xeb: {  	[spmem:s1] =	stream.indirect.scatter.add.f32 [tilespmem:s2], [sflag:$0x3], $0x80, s3, s6, $0xb8;
	[tilespmem:$0x1E100] =	vst v63  }
0xec: {  	_ =	swait.ge [sflag:s8], $0x4000  }
0xed: {  	[sflag:s8] =	ssyncset.done $0x0  }
0xee: {  	[sflag:s8] =	ssyncadd.s32 $0xFFFFC000  }
0xef: {  	_ =	swait.ge [sflag:s8], $0x80  }
0xf0: {  	[sflag:s8] =	ssyncset.done $0x0  }
0xf1: {  	[sflag:s8] =	ssyncadd.s32 $0xFFFFFF80  }
0xf2: {  	[spmem:s1] =	stream.indirect.scatter.add.f32 [tilespmem:s5], [sflag:$0x4], $0x80, s6, s6, $0xb8;
	[tilespmem:$0x1E100] =	vst v63  }
0xf3: {  	_ =	swait.ge [sflag:s9], $0x4000  }
0xf4: {  	[sflag:s9] =	ssyncset.done $0x0  }
0xf5: {  	[sflag:s9] =	ssyncadd.s32 $0xFFFFC000  }
0xf6: {  	s12 =	stileid.u32;
	_ =	swait.ge [sflag:s10], $0x4000  }
0xf7: {  	s13 =	sshrl.u32 s4, $0x3;
	s11 =	sadd.s32 $0x1, s11;
	[sflag:s10] =	ssyncset.done $0x0  }
0xf8: {  	s12 =	sshll.u32 s12, $0x6;
	p0 =	sne.s32 s11, s23;
	[sflag:s10] =	ssyncadd.s32 $0xFFFFC000  }
.Ltmp3:
0xf9: {  	s12 =	sor.u32 $0x1C05, s12;
	[bflag:$0x0] =	sbarrier.arrive $0xFFFF;
	(pc) =	sbr.rel @p0 .LBB2_1-.Ltmp3, $4  }
0xfa: {  	[hbm:s22], [sflag:s12] =	dma.local [spmem:s13], $0x2800  }
0xfb: {  	_ =	swait.ge [sflag:s0], $0x2800  }
0xfc: {  	[sflag:s0] =	ssyncset.done $0x0  }
0xfd: {  	[sflag:s0] =	ssyncadd.s32 $0xFFFFD800  }
0xfe: {  	_ =	sfence.sel $0x180000  }
0xff: {  	[bflag:$0x0] =	sbarrier.arrive $0xFFFF  }
0x100: {  	_ =	strace $0x9000004D  }
0x101: {  	s0 =	stileid.u32;
	[bflag:$0x2] =	sbarrier.arrive $0xFFFF  }
0x102: {  	p0 =	sne.s32 s0, $0x0;
	s0 =	rddreg [dreg:$0x2]  }
0x103: {  	s0 =	sadd.s32 @!p0 $0x100000, s0  }
0x104: {  	[sflag:s0] =	ssyncadd.tile.s32 @!p0 $0x1;
	_ =	shalt  }
.Lfunc_end2:
_tile_overlayer_lowered:
.L_overlay_start_2:
0x105: {  	(tag) =	ssettag $0x2  }
0x106: {  	s0 =	rddreg [dreg:$0x0];
	s2 =	stileid.u32  }
0x107: {  	s1 =	rddreg [dreg:$0x1];
	p0 =	sne.s32 s2, $0x0  }
0x108: {  	s3 =	rddreg [dreg:$0x2];
	[bflag:$0x3] =	sbarrier.arrive $0xFFFF;
	s2 =	simm.s32 @!p0 $0x1C05  }
0x109: {  	[timem:s3], [sflag:s2] =	dma.local @!p0 [hbm:s0], s1  }
0x10a: {  	s0 =	simm.s32 @!p0 $0x5  }
0x10b: {  	_ =	swait.ge @!p0 [sflag:s0], s1  }
0x10c: {  	s1 =	ssub.s32 @!p0 $0x0, s1;
	[sflag:s0] =	ssyncset.done @!p0 $0x0  }
0x10d: {  	[sflag:s0] =	ssyncadd.s32 @!p0 s1  }
0x10e: {  	[bflag:$0x3] =	sbarrier.arrive $0xFFFF  }
0x10f: {  	_ =	shalt  }

// kernel: kernel.9.cloned.1.call-start
scs
__scs_entry_jumppad:
0x0: {  	(pc) =	sbr.rel $0x88, $3  }
0x1: {  	(tag) =	ssettag $0x0;
	lr =	simm.s32 $0x1  }
0x2: {  	[smem:$0x3F96] =	sst lr;
	_ =	strace $0xD0000000  }
0x3: {  	_ = 	snop  }
0x4: {  	_ = 	snop  }
0x5: {  	_ = 	snop  }
0x6: {  	_ = 	snop  }
0x7: {  	_ = 	snop  }
__scs_overlays_trampoline_lowered:
0x8: {  	[smem:$0x3FA5] =	sst s0  }
0x9: {  	[smem:$0x3FA6] =	sst s1  }
0xa: {  	[smem:$0x3FA7] =	sst s2  }
0xb: {  	[smem:$0x3FA8] =	sst s3  }
0xc: {  	[smem:$0x3FA9] =	sst s4  }
0xd: {  	[smem:$0x3FAA] =	sst s5  }
0xe: {  	[smem:$0x3FAB] =	sst s6  }
0xf: {  	[smem:$0x3FAC] =	sst s7  }
0x10: {  	[smem:$0x3FAD] =	sst s8  }
0x11: {  	[smem:$0x3FAE] =	sst s9;
	s0 =	simm.s32 @!p0 $0x0  }
0x12: {  	s1 =	sld [smem:$0x3F94];
	s0 =	simm.s32 @p0 $0x1  }
0x13: {  	[smem:$0x3FAF] =	sst s0;
	s0 =	simm.s32 @!p1 $0x0  }
0x14: {  	s2 =	sld [smem:$0x3F93];
	s0 =	simm.s32 @p1 $0x1  }
0x15: {  	[smem:$0x3FB0] =	sst s0;
	s0 =	simm.s32 @!p2 $0x0  }
0x16: {  	s3 =	sld [smem:$0x3FDB];
	s0 =	simm.s32 @p2 $0x1  }
0x17: {  	s4 =	simm.s32 $0x1BF5;
	[smem:$0x3FB2] =	sst s0  }
0x18: {  	s0 =	sld [smem:$0x3F95];
	_ =	swait.ge [sflag:s4], $0x0  }
0x19: {  	s7 =	sld [smem:$0x3F96]  }
0x1a: {  	s8 =	sadd.s32 $0xFFFFE003, lr  }
0x1b: {  	s9 =	sadd.s32 $0xFFFFFEF7, lr;
	s5 =	simm.s32 $0xFFFFFFFF;
	p2 =	slt.u32 s8, $0xFFFFF086  }
0x1c: {  	p1 =	slt.u32 s9, $0xF7A;
	s5 =	simm.s32 @!p2 $0x0  }
0x1d: {  	s5 =	simm.s32 @p1 $0x1;
	p0 =	seq.s32 s7, s2  }
0x1e: {  	s7 =	smul.u32 @!p0 $0xF7A, s2;
	p2 =	seq.s32 @!p0 s5, $0x0  }
0x1f: {  	s9 =	smul.u32 $0xF7A, s1;
	s8 =	simm.s32 @!p0 $0x1BF5;
	p2 =	por !p2, p0  }
0x20: {  	[sflag:s8] =	ssyncset.s32 @!p0 $0xFFFFF086;
	s6 =	sadd.s32 @!p0 s3, s7;
	s7 =	simm.s32 @!p0 $0x108  }
0x21: {  	s3 =	sadd.s32 s3, s9;
	s6 =	sadd.s32 @!p0 $0x88, s6;
	s7 =	simm.s32 @p2 $0x1082  }
0x22: {  	[simem:s7], [sflag:s8] =	dma.local @!p0 [hbm:s6], $0xF7A  }
0x23: {  	s9 =	sor.u32 $0xD0000000, s2;
	s6 =	simm.s32 $0x108;
	_ =	swait.ge @!p0 [sflag:s8], $0x0  }
0x24: {  	s3 =	sadd.s32 $0x88, s3;
	s6 =	simm.s32 @!p1 $0x1082;
	[sflag:s4] =	ssyncset.s32 $0xFFFFF086  }
0x25: {  	[simem:s6], [sflag:s4] =	dma.local [hbm:s3], $0xF7A  }
0x26: {  	[smem:$0x3F96] =	sst s1;
	(tag) =	ssettag s2;
	_ =	strace s9  }
0x27: {  	s1 =	sld [smem:$0x3FA6]  }
0x28: {  	s2 =	sld [smem:$0x3FA7]  }
0x29: {  	s4 =	sld [smem:$0x3FA9]  }
0x2a: {  	p0 =	seq.s32 s5, $0x0;
	s5 =	sld [smem:$0x3FAA]  }
0x2b: {  	s6 =	sld [smem:$0x3FAB]  }
0x2c: {  	s7 =	sld [smem:$0x3FAC]  }
0x2d: {  	s3 =	simm.s32 $0x108;
	s8 =	sld [smem:$0x3FAD]  }
0x2e: {  	s3 =	simm.s32 @!p0 $0x1082;
	s9 =	sld [smem:$0x3FAE]  }
0x2f: {  	lr =	sadd.s32 s0, s3;
	s0 =	sld [smem:$0x3FA5]  }
0x30: {  	s3 =	sld [smem:$0x3FA8]  }
0x31: {  	[smem:$0x3FB1] =	sst s10  }
0x32: {  	s10 =	sld [smem:$0x3FAF];
	_ =	sdelay $0x3  }
0x33: {  	p0 =	seq.s32 s10, $0x1;
	s10 =	sld [smem:$0x3FB1];
	_ =	sdelay $0x3  }
0x34: {  	[smem:$0x3FB1] =	sst s10  }
0x35: {  	s10 =	sld [smem:$0x3FB0];
	_ =	sdelay $0x3  }
0x36: {  	p1 =	seq.s32 s10, $0x1;
	s10 =	sld [smem:$0x3FB1];
	_ =	sdelay $0x3  }
0x37: {  	[smem:$0x3FB1] =	sst s10  }
0x38: {  	s10 =	sld [smem:$0x3FB2]  }
0x39: {  	_ = 	snop;
	(pc) =	sbr.ind lr, $3  }
0x3a: {  	_ = 	snop  }
0x3b: {  	_ = 	snop  }
0x3c: {  	p2 =	seq.s32 s10, $0x1;
	s10 =	sld [smem:$0x3FB1]  }
0x3d: {  	_ =	shalt  }
0x3e: {  	_ =	shalt  }
0x3f: {  	_ =	shalt  }
0x40: {  	_ =	shalt  }
0x41: {  	_ =	shalt  }
0x42: {  	_ =	shalt  }
0x43: {  	_ =	shalt  }
0x44: {  	_ =	shalt  }
0x45: {  	_ =	shalt  }
0x46: {  	_ =	shalt  }
0x47: {  	_ =	shalt  }
0x48: {  	_ =	shalt  }
0x49: {  	_ =	shalt  }
0x4a: {  	_ =	shalt  }
0x4b: {  	_ =	shalt  }
0x4c: {  	_ =	shalt  }
0x4d: {  	_ =	shalt  }
0x4e: {  	_ =	shalt  }
0x4f: {  	_ =	shalt  }
0x50: {  	_ =	shalt  }
0x51: {  	_ =	shalt  }
0x52: {  	_ =	shalt  }
0x53: {  	_ =	shalt  }
0x54: {  	_ =	shalt  }
0x55: {  	_ =	shalt  }
0x56: {  	_ =	shalt  }
0x57: {  	_ =	shalt  }
0x58: {  	_ =	shalt  }
0x59: {  	_ =	shalt  }
0x5a: {  	_ =	shalt  }
0x5b: {  	_ =	shalt  }
0x5c: {  	_ =	shalt  }
0x5d: {  	_ =	shalt  }
0x5e: {  	_ =	shalt  }
0x5f: {  	_ =	shalt  }
0x60: {  	_ =	shalt  }
0x61: {  	_ =	shalt  }
0x62: {  	_ =	shalt  }
0x63: {  	_ =	shalt  }
0x64: {  	_ =	shalt  }
0x65: {  	_ =	shalt  }
0x66: {  	_ =	shalt  }
0x67: {  	_ =	shalt  }
0x68: {  	_ =	shalt  }
0x69: {  	_ =	shalt  }
0x6a: {  	_ =	shalt  }
0x6b: {  	_ =	shalt  }
0x6c: {  	_ =	shalt  }
0x6d: {  	_ =	shalt  }
0x6e: {  	_ =	shalt  }
0x6f: {  	_ =	shalt  }
0x70: {  	_ =	shalt  }
0x71: {  	_ =	shalt  }
0x72: {  	_ =	shalt  }
0x73: {  	_ =	shalt  }
0x74: {  	_ =	shalt  }
0x75: {  	_ =	shalt  }
0x76: {  	_ =	shalt  }
0x77: {  	_ =	shalt  }
0x78: {  	_ =	shalt  }
0x79: {  	_ =	shalt  }
0x7a: {  	_ =	shalt  }
0x7b: {  	_ =	shalt  }
0x7c: {  	_ =	shalt  }
0x7d: {  	_ =	shalt  }
0x7e: {  	_ =	shalt  }
0x7f: {  	_ =	shalt  }
0x80: {  	_ =	shalt  }
0x81: {  	_ =	shalt  }
0x82: {  	_ =	shalt  }
0x83: {  	_ =	shalt  }
0x84: {  	_ =	shalt  }
0x85: {  	_ =	shalt  }
0x86: {  	_ =	shalt  }
0x87: {  	_ =	shalt  }
.Lfunc_end0:
.L_simem_size_0:
called_computation_lowered:
.L_overlay_start_0:
0x88: {  	s2 =	sld [smem:$0x3FD9]  }
0x89: {  	s3 =	sld [smem:$0x3FFE];
	_ =	sdelay $0x1  }
0x8a: {  	s1 =	srdreg.scid  }
0x8b: {  	s0 =	sand.u32 $0x1, s1  }
0x8c: {  	s17 =	sshll.u32 s0, $0xA;
	s2 =	sadd.s32 s3, s2  }
0x8d: {  	s2 =	sadd.s32 s2, s17  }
0x8e: {  	[smem:$0x3FBD] =	sst s2  }
0x8f: {  	_ = 	snop  }
0x90: {  	s18 =	sld [smem:$0x3FD0];
	(tm) =	ssettm $0x1  }
0x91: {  	s19 =	sld [smem:$0x3FFB];
	_ =	sdelay $0x3  }
0x92: {  	_ =	strace s19  }
0x93: {  	s2 =	sld [smem:$0x3FFC];
	_ =	sdelay $0x3  }
0x94: {  	_ =	strace s2  }
0x95: {  	s2 =	sld [smem:$0x3FFD];
	_ =	sdelay $0x3  }
0x96: {  	_ =	strace s2  }
0x97: {  	_ =	strace $0x8FFFFFFF  }
0x98: {  	s20 =	sld [smem:$0x3FDB];
	_ =	sdelay $0x1  }
0x99: {  	s4 =	simm.s32 $_scs_section_size  }
0x9a: {  	s5 =	simm.s32 $_size__tile_overlayer_lowered;
	s6 =	simm.s32 $_tile_overlayer_lowered  }
0x9b: {  	s7 =	simm.s32 $0x1BFF;
	s21 =	sshll.u32 s6, $0x1;
	s4 =	sadd.s32 s4, s20  }
0x9c: {  	s22 =	simm.s32 $0x0;
	s5 =	sshll.u32 s5, $0x1;
	s6 =	sadd.s32 s21, s4  }
0x9d: {  	[timem:s22], [sflag:s7] =	dma.local [hbm:s6], s5  }
0x9e: {  	_ =	swait.ge [sflag:s7], s5  }
0x9f: {  	s5 =	ssub.s32 $0x0, s5;
	[sflag:s7] =	ssyncset.done $0x0  }
0xa0: {  	[sflag:s7] =	ssyncadd.s32 s5;
	_ =	sdelay $0x1  }
0xa1: {  	s23 =	simm.s32 $0x1B8B  }
0xa2: {  	_ =	swait.ge [sflag:s23], $0x1  }
0xa3: {  	[sflag:s23] =	ssyncset.done $0x0  }
0xa4: {  	[sflag:s23] =	ssyncadd.s32 $0xFFFFFFFF  }
0xa5: {  	s5 =	sld [smem:$0x0]  }
0xa6: {  	s6 =	sand.u32 $0xFFFFFFFE, s1  }
0xa7: {  	p0 =	sne.s32 s1, s6  }
0xa8: {  	s6 =	sshll.u32 @p0 s6, $0xE  }
0xa9: {  	s6 =	sadd.s32 @p0 $0x11B8D, s6;
	s7 =	sshll.u32 @p0 s5, $0x11  }
0xaa: {  	s6 =	sor.u32 @p0 s7, s6  }
0xab: {  	[sflag:s6] =	ssyncadd.remote.s32 @p0 $0x1;
	_ =	sdelay $0x1  }
0xac: {  	s6 =	simm.s32 @p0 $0x1B8D  }
0xad: {  	_ =	swait.eq @p0 [sflag:s6], $0x1  }
0xae: {  	[sflag:s6] =	ssyncadd.s32 @p0 $0xFFFFFFFF  }
0xaf: {  	s7 =	sshll.u32 @!p0 s1, $0xE  }
0xb0: {  	s7 =	sor.u32 @!p0 $0x4000, s7;
	s6 =	simm.s32 @!p0 $0x1B8D  }
0xb1: {  	s5 =	sshll.u32 @!p0 s5, $0x11;
	s7 =	sadd.s32 @!p0 $0x11B8D, s7;
	_ =	swait.eq @!p0 [sflag:s6], $0x1  }
0xb2: {  	s5 =	sor.u32 @!p0 s5, s7;
	[sflag:s6] =	ssyncadd.s32 @!p0 $0xFFFFFFFF  }
0xb3: {  	s25 =	simm.s32 $0x1B8E;
	s24 =	sld [smem:$0x3FFE];
	[sflag:s5] =	ssyncadd.remote.s32 @!p0 $0x1  }
0xb4: {  	s26 =	simm.s32 $execute0_lowered;
	[smem:$0x3FD2] =	sst s25  }
0xb5: {  	s6 =	sshll.u32 s26, $0x1;
	_ =	strace $0x80000049;
	[dreg:$0x1] =	wrdreg $0xFFFFFFFF  }
0xb6: {  	s28 =	simm.s32 $_size_execute0_lowered;
	s4 =	sadd.s32 s4, s6;
	[dreg:$0x0] =	wrdreg $0x0  }
0xb7: {  	s6 =	sshll.u32 s28, $0x1;
	[dreg:$0x2] =	wrdreg s4  }
0xb8: {  	[dreg:$0x3] =	wrdreg s6  }
0xb9: {  	[dreg:$0x4] =	wrdreg $0xC0  }
0xba: {  	_ =	task [dreg:s22], $0x5FFFF  }
0xbb: {  	[dreg:$0x1] =	wrdreg $0xFFFFFFFF  }
0xbc: {  	[dreg:$0x0] =	wrdreg $0x60  }
0xbd: {  	[dreg:$0x2] =	wrdreg s18  }
0xbe: {  	[dreg:$0x3] =	wrdreg s24  }
0xbf: {  	[dreg:$0x4] =	wrdreg $0x9  }
0xc0: {  	_ =	task.clear_ibuf [dreg:s22], $0x5FFFF;
	_ =	strace $0x90000049  }
0xc1: {  	s29 =	simm.s32 $0x9;
	_ =	strace $0x8000004B  }
0xc2: {  	_ =	swait.ge [sflag:s29], $0x1  }
0xc3: {  	[sflag:s29] =	ssyncadd.s32 $0xFFFFFFFF  }
0xc4: {  	_ =	strace $0x9000004B  }
0xc5: {  	_ =	sfence  }
0xc6: {  	s30 =	sld [smem:$0x0];
	_ =	sdelay $0x2  }
0xc7: {  	s31 =	sshll.u32 s1, $0xD;
	s1 =	sshrl.u32 s1, $0x2  }
0xc8: {  	s4 =	sand.u32 $0x4000, s31;
	s1 =	sadd.s32 s1, s30  }
0xc9: {  	s0 =	sor.u32 s4, s0;
	s1 =	sshll.u32 s1, $0x11  }
0xca: {  	s0 =	sor.u32 s1, s0  }
0xcb: {  	s0 =	sadd.s32 $0x8F2B, s0  }
0xcc: {  	[sflag:s0] =	ssyncadd.remote.s32 $0x1  }
0xcd: {  	_ =	sfence.sel $0xFFFF  }
0xce: {  	[dreg:$0x0] =	wrdreg $0xFFFFFFFF;
	(pc) =	sbr.abs _section_cstart, $3  }
0xcf: {  	[dreg:$0x1] =	wrdreg $0xFFFFFFFF  }
0xd0: {  	_ =	task.clear_ibuf [dreg:s22], $0x2FFFF;
	_ =	strace $0x9FFFFFFF  }
0xd1: {  	(tm) =	ssettm $0x7FFFFFFF  }
tec
execute0_lowered:
.L_overlay_start_1:
0x0: {  	(tag) =	ssettag $0x1  }
0x1: {  	s1 =	rddreg [dreg:$0x0]  }
0x2: {  	s0 =	rddreg [dreg:$0x1];
	s3 =	simm.s32 $0x0  }
0x3: {  	s2 =	srdreg.scid;
	s4 =	stileid.u32;
	s17 =	simm.s32 $0x80  }
0x4: {  	s18 =	simm.s32 $0x100;
	s19 =	simm.s32 $0x180;
	s20 =	simm.s32 $0x1  }
0x5: {  	s21 =	simm.s32 $0x200;
	s28 =	simm.s32 $0x4;
	s29 =	simm.s32 $0x5  }
0x6: {  	s30 =	simm.s32 $0x6;
	s31 =	simm.s32 $0x0;
	[smem:$0x7FF] =	sst s3  }
0x7: {  	s2 =	sand.u32 $0x1, s2;
	s4 =	sshll.u32 s4, $0x1;
	s5 =	sadd.s32 $0x2BD000, s0  }
0x8: {  	s6 =	sadd.s32 $0x2B8000, s0;
	s7 =	sadd.s32 $0x2C2000, s0;
	s8 =	sor.u32 s2, s4  }
0x9: {  	_ =	strace $0x8000004A;
	s2 =	ssub.s32 $0x2, s2;
	s15 =	smul.u32 $0x1400, s8  }
0xa: {  	s4 =	sadd.s32 $0x1E00, s0;
	s9 =	sshrl.u32 s2, $0x1;
	s13 =	smul.u32 $0xA0000, s8  }
0xb: {  	s22 =	ssub.s32 s2, s9;
	s23 =	sshrl.u32 s15, $0x3;
	s12 =	sor.u32 $0x100, s15  }
0xc: {  	s14 =	sor.u32 $0x180, s15;
	s15 =	sor.u32 $0x80, s15;
	s24 =	sadd.s32 s5, s23  }
0xd: {  	s16 =	smax.u32 s22, $0x1;
	s25 =	sadd.s32 s6, s23;
	[dreg:$0x3] =	wrdreg s24  }
0xe: {  	s2 =	sor.u32 $0x10, s23;
	s23 =	simm.s32 $0x3;
	[dreg:$0x4] =	wrdreg s25  }
0xf: {  	s26 =	sadd.s32 s5, s2;
	s11 =	sadd.s32 s6, s2;
	s24 =	simm.s32 $0x2  }
0x10: {  	s25 =	simm.s32 $0x8200;
	[dreg:$0x5] =	wrdreg s26;
	s26 =	simm.s32 $0xC200  }
.LBB2_1:
0x11: {  	s0 =	rddreg [dreg:$0x3]  }
0x12: {  	[tilespmem:s3], [sflag:$0x1] =	stream.linear.gather [hbm4b:s0+s3], $0x80, $0x38;
	[tilespmem:$0x10200] =	vst v63  }
0x13: {  	s9 =	rddreg [dreg:$0x4]  }
0x14: {  	[tilespmem:s17], [sflag:$0x1] =	stream.linear.gather [hbm4b:s9+s3], $0x80, $0x38;
	[tilespmem:$0x10200] =	vst v63  }
0x15: {  	s10 =	rddreg [dreg:$0x5]  }
0x16: {  	[tilespmem:s18], [sflag:$0x2] =	stream.linear.gather [hbm4b:s10+s3], $0x80, $0x38;
	[tilespmem:$0x10200] =	vst v63  }
0x17: {  	_ = 	snop  }
0x18: {  	[tilespmem:s19], [sflag:$0x2] =	stream.linear.gather [hbm4b:s11+s3], $0x80, $0x38;
	[tilespmem:$0x10200] =	vst v63  }
0x19: {  	_ =	swait.ge [sflag:s20], $0x80  }
0x1a: {  	[sflag:s20] =	ssyncset.done $0x0  }
0x1b: {  	[sflag:s20] =	ssyncadd.s32 $0xFFFFFF80  }
0x1c: {  	_ =	swait.ge [sflag:s20], $0x80  }
0x1d: {  	[sflag:s20] =	ssyncset.done $0x0  }
0x1e: {  	[sflag:s20] =	ssyncadd.s32 $0xFFFFFF80  }
0x1f: {  	[tilespmem:s21], [sflag:$0x3] =	stream.indirect.gather [hbm4b:s1+s17], $0x80, s3, s17, $0xb8;
	[tilespmem:$0x10200] =	vst v63  }
0x20: {  	s22 =	simm.s32 $0x4200;
	s0 =	simm.s32 $0x0  }
0x21: {  	[tilespmem:s22], [sflag:$0x3] =	stream.indirect.gather [hbm4b:s4+s17], $0x80, s17, s17, $0xb8;
	[tilespmem:$0x10200] =	vst v63  }
.LBB2_2:
0x22: {  	_ =	swait.ge [sflag:s23], $0x4000  }
0x23: {  	[sflag:s23] =	ssyncset.done $0x0  }
0x24: {  	s2 =	sshll.u32 s0, $0x8;
	p0 =	seq.s32 s0, $0x13;
	[sflag:s23] =	ssyncadd.s32 $0xFFFFC000  }
0x25: {  	s8 =	sadd.s32 @!p0 s2, s12;
	_ =	swait.ge [sflag:s23], $0x4000  }
0x26: {  	s9 =	simm.s32 @!p0 $0x0;
	s8 =	sshrl.u32 @!p0 s8, $0x3;
	[sflag:s23] =	ssyncset.done $0x0  }
0x27: {  	p1 =	seq.s32 @!p0 s0, $0x0;
	s22 =	sadd.s32 @!p0 s5, s8;
	[sflag:s23] =	ssyncadd.s32 $0xFFFFC000  }
0x28: {  	[tilespmem:s9], [sflag:$0x1] =	stream.linear.gather @!p0 [hbm4b:s22+s9], $0x80, $0x38;
	[tilespmem:$0x10200] =	vst v63  }
0x29: {  	p1 =	por p0, !p1;
	s8 =	sadd.s32 @!p0 s6, s8;
	s22 =	simm.s32 @!p0 $0x80  }
0x2a: {  	[tilespmem:s22], [sflag:$0x1] =	stream.linear.gather @!p0 [hbm4b:s8+s9], $0x80, $0x38;
	[tilespmem:$0x10200] =	vst v63  }
0x2b: {  	_ =	swait.ge @p1 [sflag:s30], $0x4000  }
0x2c: {  	[sflag:s30] =	ssyncset.done @p1 $0x0  }
0x2d: {  	[sflag:s30] =	ssyncadd.s32 @p1 $0xFFFFC000  }
0x2e: {  	_ =	swait.ge [sflag:s24], $0x80  }
0x2f: {  	[sflag:s24] =	ssyncset.done $0x0  }
0x30: {  	[sflag:s24] =	ssyncadd.s32 $0xFFFFFF80  }
0x31: {  	_ =	swait.ge [sflag:s24], $0x80  }
0x32: {  	[sflag:s24] =	ssyncset.done $0x0  }
0x33: {  	[sflag:s24] =	ssyncadd.s32 $0xFFFFFF80  }
0x34: {  	[tilespmem:s25], [sflag:$0x4] =	stream.indirect.gather [hbm4b:s1+s17], $0x80, s18, s17, $0xb8;
	[tilespmem:$0x10200] =	vst v63  }
0x35: {  	s22 =	simm.s32 $0x0  }
0x36: {  	[tilespmem:s26], [sflag:$0x4] =	stream.indirect.gather [hbm4b:s4+s17], $0x80, s19, s17, $0xb8;
	[tilespmem:$0x10200] =	vst v63  }
0x37: {  	v7 =	vld [tilespmem:s22+$0x4200]  }
0x38: {  	v11 =	vld [tilespmem:s22+$0x4210]  }
0x39: {  	v5 =	vld [tilespmem:s22+$0x4220]  }
0x3a: {  	v4 =	vld [tilespmem:s22+$0x4230]  }
0x3b: {  	v3 =	vld [tilespmem:s22+$0x4240]  }
0x3c: {  	v2 =	vld [tilespmem:s22+$0x4250]  }
0x3d: {  	v1 =	vld [tilespmem:s22+$0x4260]  }
0x3e: {  	v0 =	vld [tilespmem:s22+$0x4270]  }
0x3f: {  	v12 =	vld [tilespmem:s22+$0x200]  }
0x40: {  	v13 =	vld [tilespmem:s22+$0x210]  }
0x41: {  	v10 =	vld [tilespmem:s22+$0x220]  }
0x42: {  	v9 =	vld [tilespmem:s22+$0x230]  }
0x43: {  	v8 =	vld [tilespmem:s22+$0x240]  }
0x44: {  	v6 =	vld [tilespmem:s22+$0x250];
	v12 =	vadd.f32 v7, v12  }
0x45: {  	s8 =	simm.s32 $0x200;
	v11 =	vadd.f32 v11, v13;
	v7 =	vld [tilespmem:s22+$0x260]  }
.LBB2_3:
0x46: {  	s9 =	sshra.s32 s8, $0x2;
	p1 =	sne.s32 s8, $0xFE00;
	[tilespmem:s22+$0x200] =	vst v12;
	v5 =	vadd.f32 v5, v10;
	v10 =	vld [tilespmem:s22+$0x270]  }
0x47: {  	v12 =	vld [tilespmem:s9+$0x4200];
	[tilespmem:s22+$0x210] =	vst v11;
	v4 =	vadd.f32 v4, v9  }
0x48: {  	v11 =	vld [tilespmem:s9+$0x4210];
	[tilespmem:s22+$0x220] =	vst v5;
	v3 =	vadd.f32 v3, v8  }
0x49: {  	v5 =	vld [tilespmem:s9+$0x4220];
	[tilespmem:s22+$0x230] =	vst v4;
	v2 =	vadd.f32 v2, v6  }
0x4a: {  	v4 =	vld [tilespmem:s9+$0x4230];
	[tilespmem:s22+$0x240] =	vst v3;
	v1 =	vadd.f32 v1, v7  }
0x4b: {  	v3 =	vld [tilespmem:s9+$0x4240];
	[tilespmem:s22+$0x250] =	vst v2;
	v0 =	vadd.f32 v0, v10  }
0x4c: {  	v2 =	vld [tilespmem:s9+$0x4250];
	[tilespmem:s22+$0x260] =	vst v1  }
0x4d: {  	v1 =	vld [tilespmem:s9+$0x4260];
	[tilespmem:s22+$0x270] =	vst v0;
	s22 =	smov.u32 s9  }
0x4e: {  	v0 =	vld [tilespmem:s22+$0x4270]  }
0x4f: {  	v6 =	vld [tilespmem:s22+$0x200]  }
0x50: {  	v7 =	vld [tilespmem:s22+$0x210]  }
.Ltmp0:
0x51: {  	v10 =	vld [tilespmem:s22+$0x220];
	(pc) =	sbr.rel @p1 .LBB2_3-.Ltmp0, $4  }
0x52: {  	v9 =	vld [tilespmem:s22+$0x230]  }
0x53: {  	v8 =	vld [tilespmem:s22+$0x240]  }
0x54: {  	v12 =	vadd.f32 v12, v6;
	v6 =	vld [tilespmem:s22+$0x250]  }
0x55: {  	s8 =	sadd.s32 $0x200, s8;
	v11 =	vadd.f32 v11, v7;
	v7 =	vld [tilespmem:s22+$0x260]  }
0x56: {  	[tilespmem:s22+$0x200] =	vst v12;
	v5 =	vadd.f32 v5, v10;
	v10 =	vld [tilespmem:s22+$0x270]  }
0x57: {  	[tilespmem:s22+$0x210] =	vst v11;
	v4 =	vadd.f32 v4, v9  }
0x58: {  	[tilespmem:s22+$0x220] =	vst v5;
	v3 =	vadd.f32 v3, v8  }
0x59: {  	[tilespmem:s22+$0x230] =	vst v4;
	v2 =	vadd.f32 v2, v6  }
0x5a: {  	s8 =	sshll.u32 s0, $0xF;
	[tilespmem:s22+$0x240] =	vst v3;
	v1 =	vadd.f32 v1, v7  }
0x5b: {  	s8 =	sadd.s32 s13, s8;
	[tilespmem:s22+$0x250] =	vst v2;
	v0 =	vadd.f32 v0, v10  }
0x5c: {  	s8 =	sshrl.u32 s8, $0x3;
	[tilespmem:s22+$0x260] =	vst v1  }
0x5d: {  	s8 =	sadd.s32 s7, s8;
	[tilespmem:s22+$0x270] =	vst v0  }
0x5e: {  	[hbm4b:s8+s3] =	stream.linear.scatter [tilespmem:s21], [sflag:$0x5], $0x4000, $0x38;
	[tilespmem:$0x10200] =	vst v63  }
0x5f: {  	_ =	swait.ge [sflag:s28], $0x4000  }
0x60: {  	[sflag:s28] =	ssyncset.done $0x0  }
0x61: {  	[sflag:s28] =	ssyncadd.s32 $0xFFFFC000  }
0x62: {  	s8 =	sadd.s32 @!p0 s2, s14;
	_ =	swait.ge [sflag:s28], $0x4000  }
0x63: {  	s10 =	simm.s32 @!p0 $0x100;
	s8 =	sshrl.u32 @!p0 s8, $0x3;
	[sflag:s28] =	ssyncset.done $0x0  }
0x64: {  	s22 =	simm.s32 @!p0 $0x0;
	s9 =	sadd.s32 @!p0 s5, s8;
	[sflag:s28] =	ssyncadd.s32 $0xFFFFC000  }
0x65: {  	[tilespmem:s10], [sflag:$0x2] =	stream.linear.gather @!p0 [hbm4b:s9+s22], $0x80, $0x38;
	[tilespmem:$0x10200] =	vst v63  }
0x66: {  	s8 =	sadd.s32 @!p0 s6, s8;
	s9 =	simm.s32 @!p0 $0x180  }
0x67: {  	[tilespmem:s9], [sflag:$0x2] =	stream.linear.gather @!p0 [hbm4b:s8+s22], $0x80, $0x38;
	[tilespmem:$0x10200] =	vst v63  }
0x68: {  	s8 =	simm.s32 @!p0 $0x5  }
0x69: {  	_ =	swait.ge @!p0 [sflag:s8], $0x4000  }
0x6a: {  	[sflag:s8] =	ssyncset.done @!p0 $0x0  }
0x6b: {  	[sflag:s8] =	ssyncadd.s32 @!p0 $0xFFFFC000;
	s8 =	simm.s32 @!p0 $0x1  }
0x6c: {  	_ =	swait.ge @!p0 [sflag:s8], $0x80  }
0x6d: {  	[sflag:s8] =	ssyncset.done @!p0 $0x0  }
0x6e: {  	[sflag:s8] =	ssyncadd.s32 @!p0 $0xFFFFFF80  }
0x6f: {  	_ =	swait.ge @!p0 [sflag:s8], $0x80  }
0x70: {  	[sflag:s8] =	ssyncset.done @!p0 $0x0  }
0x71: {  	s9 =	simm.s32 @!p0 $0x200;
	[sflag:s8] =	ssyncadd.s32 @!p0 $0xFFFFFF80;
	s8 =	simm.s32 @!p0 $0x80  }
0x72: {  	[tilespmem:s9], [sflag:$0x3] =	stream.indirect.gather @!p0 [hbm4b:s1+s8], $0x80, s22, s8, $0xb8;
	[tilespmem:$0x10200] =	vst v63  }
0x73: {  	s9 =	simm.s32 @!p0 $0x4200;
	s22 =	simm.s32 $0x0  }
0x74: {  	[tilespmem:s9], [sflag:$0x3] =	stream.indirect.gather @!p0 [hbm4b:s4+s8], $0x80, s8, s8, $0xb8;
	[tilespmem:$0x10200] =	vst v63  }
0x75: {  	v7 =	vld [tilespmem:s22+$0xC200]  }
0x76: {  	v11 =	vld [tilespmem:s22+$0xC210]  }
0x77: {  	v5 =	vld [tilespmem:s22+$0xC220]  }
0x78: {  	v4 =	vld [tilespmem:s22+$0xC230]  }
0x79: {  	v3 =	vld [tilespmem:s22+$0xC240]  }
0x7a: {  	v2 =	vld [tilespmem:s22+$0xC250]  }
0x7b: {  	v1 =	vld [tilespmem:s22+$0xC260]  }
0x7c: {  	v0 =	vld [tilespmem:s22+$0xC270]  }
0x7d: {  	v12 =	vld [tilespmem:s22+$0x8200]  }
0x7e: {  	v13 =	vld [tilespmem:s22+$0x8210]  }
0x7f: {  	v10 =	vld [tilespmem:s22+$0x8220]  }
0x80: {  	v9 =	vld [tilespmem:s22+$0x8230]  }
0x81: {  	v8 =	vld [tilespmem:s22+$0x8240]  }
0x82: {  	v6 =	vld [tilespmem:s22+$0x8250];
	v12 =	vadd.f32 v7, v12  }
0x83: {  	s8 =	simm.s32 $0x200;
	v11 =	vadd.f32 v11, v13;
	v7 =	vld [tilespmem:s22+$0x8260]  }
.LBB2_5:
0x84: {  	s9 =	sshra.s32 s8, $0x2;
	p0 =	sne.s32 s8, $0xFE00;
	[tilespmem:s22+$0x8200] =	vst v12;
	v5 =	vadd.f32 v5, v10;
	v10 =	vld [tilespmem:s22+$0x8270]  }
0x85: {  	v12 =	vld [tilespmem:s9+$0xC200];
	[tilespmem:s22+$0x8210] =	vst v11;
	v4 =	vadd.f32 v4, v9  }
0x86: {  	v11 =	vld [tilespmem:s9+$0xC210];
	[tilespmem:s22+$0x8220] =	vst v5;
	v3 =	vadd.f32 v3, v8  }
0x87: {  	v5 =	vld [tilespmem:s9+$0xC220];
	[tilespmem:s22+$0x8230] =	vst v4;
	v2 =	vadd.f32 v2, v6  }
0x88: {  	v4 =	vld [tilespmem:s9+$0xC230];
	[tilespmem:s22+$0x8240] =	vst v3;
	v1 =	vadd.f32 v1, v7  }
0x89: {  	v3 =	vld [tilespmem:s9+$0xC240];
	[tilespmem:s22+$0x8250] =	vst v2;
	v0 =	vadd.f32 v0, v10  }
0x8a: {  	v2 =	vld [tilespmem:s9+$0xC250];
	[tilespmem:s22+$0x8260] =	vst v1  }
0x8b: {  	v1 =	vld [tilespmem:s9+$0xC260];
	[tilespmem:s22+$0x8270] =	vst v0;
	s22 =	smov.u32 s9  }
0x8c: {  	v0 =	vld [tilespmem:s22+$0xC270]  }
0x8d: {  	v6 =	vld [tilespmem:s22+$0x8200]  }
0x8e: {  	v7 =	vld [tilespmem:s22+$0x8210]  }
.Ltmp1:
0x8f: {  	v10 =	vld [tilespmem:s22+$0x8220];
	(pc) =	sbr.rel @p0 .LBB2_5-.Ltmp1, $4  }
0x90: {  	v9 =	vld [tilespmem:s22+$0x8230]  }
0x91: {  	v8 =	vld [tilespmem:s22+$0x8240]  }
0x92: {  	v12 =	vadd.f32 v12, v6;
	v6 =	vld [tilespmem:s22+$0x8250]  }
0x93: {  	s8 =	sadd.s32 $0x200, s8;
	v11 =	vadd.f32 v11, v7;
	v7 =	vld [tilespmem:s22+$0x8260]  }
0x94: {  	[tilespmem:s22+$0x8200] =	vst v12;
	v5 =	vadd.f32 v5, v10;
	v63 =	vld [tilespmem:s22+$0x8270]  }
0x95: {  	[tilespmem:s22+$0x8210] =	vst v11;
	v4 =	vadd.f32 v4, v9  }
0x96: {  	s0 =	sadd.s32 $0x1, s0;
	[tilespmem:s22+$0x8220] =	vst v5;
	v3 =	vadd.f32 v3, v8  }
0x97: {  	p0 =	sne.s32 s0, $0x14;
	[tilespmem:s22+$0x8230] =	vst v4;
	v2 =	vadd.f32 v2, v6  }
.Ltmp2:
0x98: {  	[tilespmem:s22+$0x8240] =	vst v3;
	v1 =	vadd.f32 v1, v7;
	(pc) =	sbr.rel @p0 .LBB2_2-.Ltmp2, $4  }
0x99: {  	s2 =	sadd.s32 s2, s15;
	[tilespmem:s22+$0x8250] =	vst v2;
	v0 =	vadd.f32 v0, v63  }
0x9a: {  	s2 =	sshll.u32 s2, $0x4;
	[tilespmem:s22+$0x8260] =	vst v1  }
0x9b: {  	s2 =	sadd.s32 s7, s2;
	[tilespmem:s22+$0x8270] =	vst v0  }
0x9c: {  	[hbm4b:s2+s3] =	stream.linear.scatter [tilespmem:s25], [sflag:$0x6], $0x4000, $0x38;
	[tilespmem:$0x10200] =	vst v63  }
0x9d: {  	s31 =	sadd.s32 $0x1, s31  }
0x9e: {  	_ =	swait.ge [sflag:s29], $0x4000;
	p0 =	sne.s32 s31, s16  }
.Ltmp3:
0x9f: {  	[sflag:s29] =	ssyncset.done $0x0;
	(pc) =	sbr.rel @p0 .LBB2_1-.Ltmp3, $4  }
0xa0: {  	[sflag:s29] =	ssyncadd.s32 $0xFFFFC000  }
0xa1: {  	_ =	swait.ge [sflag:s30], $0x4000  }
0xa2: {  	[sflag:s30] =	ssyncset.done $0x0  }
0xa3: {  	[sflag:s30] =	ssyncadd.s32 $0xFFFFC000  }
0xa4: {  	_ =	sfence.sel $0x180000  }
0xa5: {  	[bflag:$0x0] =	sbarrier.arrive $0xFFFF  }
0xa6: {  	_ =	strace $0x9000004A  }
0xa7: {  	s0 =	stileid.u32;
	[bflag:$0x2] =	sbarrier.arrive $0xFFFF  }
0xa8: {  	p0 =	sne.s32 s0, $0x0;
	s0 =	rddreg [dreg:$0x2]  }
0xa9: {  	s0 =	sadd.s32 @!p0 $0x100000, s0  }
0xaa: {  	[sflag:s0] =	ssyncadd.tile.s32 @!p0 $0x1;
	_ =	shalt  }
.Lfunc_end2:
_tile_overlayer_lowered:
.L_overlay_start_2:
0xab: {  	(tag) =	ssettag $0x2  }
0xac: {  	s0 =	rddreg [dreg:$0x0];
	s2 =	stileid.u32  }
0xad: {  	s1 =	rddreg [dreg:$0x1];
	p0 =	sne.s32 s2, $0x0  }
0xae: {  	s3 =	rddreg [dreg:$0x2];
	[bflag:$0x3] =	sbarrier.arrive $0xFFFF;
	s2 =	simm.s32 @!p0 $0x1C07  }
0xaf: {  	[timem:s3], [sflag:s2] =	dma.local @!p0 [hbm:s0], s1  }
0xb0: {  	s0 =	simm.s32 @!p0 $0x7  }
0xb1: {  	_ =	swait.ge @!p0 [sflag:s0], s1  }
0xb2: {  	s1 =	ssub.s32 @!p0 $0x0, s1;
	[sflag:s0] =	ssyncset.done @!p0 $0x0  }
0xb3: {  	[sflag:s0] =	ssyncadd.s32 @!p0 s1  }
0xb4: {  	[bflag:$0x3] =	sbarrier.arrive $0xFFFF  }
0xb5: {  	_ =	shalt  }

</sc_bundles>
